<compile_context>
chip_gen: v7x
topology: tpu7x:2x2x1
jax: 0.10.2.dev20260603
libtpu: 0.0.44.dev20260713+nightly
codegen_flags: <defaults>
</compile_context>

<pallas_src>
import functools

import jax
import jax.numpy as jnp
import numpy as np
from jax import lax
from jax.experimental import pallas as pl
from jax.experimental.pallas import tpu as pltpu
from jax.experimental.pallas import tpu_sc as plsc

N = 128
SLAB = 32
NSLAB = N // SLAB
BIG = 1 << 17

NWORK = 32
NVOX = N * N * N
VPW = NVOX // NWORK
CHUNK = 32768
NCHUNK = VPW // CHUNK
NBINS = 320

_THING = np.zeros((1, 16), np.int32)
for _c in (1, 2, 3, 4, 5, 6, 7, 8, 9, 12, 13):
    _THING[0, _c] = 1


def _hist_body(inst_hbm, sem_hbm, out_hbm,
               inst_buf, sem_buf, hist_buf, acc_buf):
    cid = lax.axis_index("c")
    sid = lax.axis_index("s")
    wid = sid * 2 + cid

    def _zero(i, _):
        hist_buf[pl.ds(i * 16, 16)] = jnp.zeros((16,), jnp.int32)
        return 0
    lax.fori_loop(0, 16 * NBINS // 16, _zero, 0)

    lanes = lax.broadcasted_iota(jnp.int32, (16,), 0)
    bank = lanes * NBINS
    ones = jnp.ones((16,), jnp.int32)
    base = wid * VPW

    def _chunk(c, _):
        off = base + c * CHUNK
        pltpu.sync_copy(inst_hbm.at[pl.ds(off, CHUNK)], inst_buf)
        pltpu.sync_copy(sem_hbm.at[pl.ds(off, CHUNK)], sem_buf)

        def _vec(i, __):
            b = i * 128
            for u in range(8):
                iv = inst_buf[pl.ds(b + u * 16, 16)]
                sv = sem_buf[pl.ds(b + u * 16, 16)]
                plsc.addupdate_scatter(
                    hist_buf, [bank + iv * 16 + sv], ones)
            return 0
        lax.fori_loop(0, CHUNK // 128, _vec, 0)
        return 0
    lax.fori_loop(0, NCHUNK, _chunk, 0)

    for f in range(20):
        acc = hist_buf[pl.ds(0 * NBINS + f * 16, 16)]
        for l in range(1, 16):
            acc = acc + hist_buf[pl.ds(l * NBINS + f * 16, 16)]
        acc_buf[f, :] = acc
    pltpu.sync_copy(acc_buf, out_hbm.at[wid])


def _hist_call(inst_flat, sem_flat):
    mesh = plsc.VectorSubcoreMesh(core_axis_name="c", subcore_axis_name="s")
    fn = pl.kernel(
        _hist_body,
        mesh=mesh,
        compiler_params=pltpu.CompilerParams(needs_layout_passes=False),
        out_type=jax.ShapeDtypeStruct((NWORK, 20, 16), jnp.int32),
        scratch_types=[
            pltpu.VMEM((CHUNK,), jnp.int32),
            pltpu.VMEM((CHUNK,), jnp.int32),
            pltpu.VMEM((16 * NBINS,), jnp.int32),
            pltpu.VMEM((20, 16), jnp.int32),
        ],
    )
    return fn(inst_flat, sem_flat)


def _maps_body(ids_ref, hist_ref, maps_ref):
    m2 = jnp.int32(0)
    for k in range(12):
        m2 = m2 | (jnp.int32(1) << (ids_ref[k] + jnp.int32(1)))
    raw = jnp.sum(hist_ref[...], axis=0)
    rowio20 = lax.broadcasted_iota(jnp.int32, (20, 1), 0)
    member = ((m2 >> rowio20) & 1) == 1
    hsm = jnp.where(member, raw, 0)
    row0 = jnp.broadcast_to(NVOX - jnp.sum(hsm), (1, 16)).astype(jnp.int32)
    hs = jnp.concatenate([row0, hsm[1:20], jnp.zeros((1, 16), jnp.int32)],
                         axis=0)
    rowtot = jnp.sum(hs, axis=1, keepdims=True)
    present = rowtot > 0
    rowio = lax.broadcasted_iota(jnp.int32, (21, 1), 0)
    presf = jnp.where(present & (rowio >= 1), 1, 0)
    rank0 = jnp.where(present[0:1, 0:1], 1, 0)

    cums = presf
    for d in (1, 2, 4, 8, 16):
        cums = cums + jnp.concatenate(
            [jnp.zeros((d, 1), jnp.int32), cums[: 21 - d]], axis=0)
    prior = cums - presf
    pid = 2 + rank0 + prior

    lane1 = lax.broadcasted_iota(jnp.int32, (1, 16), 1)
    maskt_b = ((lane1 >= 1) & (lane1 <= 9)) | (lane1 == 12) | (lane1 == 13)
    maskt = maskt_b.astype(jnp.int32)
    masked = hs * maskt
    has = jnp.sum(masked, axis=1, keepdims=True) > 0
    mx = jnp.max(masked, axis=1, keepdims=True)
    laneio = lax.broadcasted_iota(jnp.int32, (21, 16), 1)
    cand = jnp.where((masked == mx) & maskt_b, laneio, 999)
    mode = jnp.min(cand, axis=1, keepdims=True)
    semv = jnp.where(pid == 2, 11, jnp.where(has, mode, 0))
    packed = pid + semv * 32

    padded = jnp.concatenate(
        [jnp.zeros((2, 1), jnp.int32), packed, jnp.zeros((9, 1), jnp.int32)],
        axis=0)
    rowio32 = lax.broadcasted_iota(jnp.int32, (32, 1), 0)
    lut = jnp.where(
        rowio32 == 1, 1 + 10 * 32,
        jnp.where(rowio32 == 2, 2 + 11 * 32,
                  jnp.where(rowio32 == 0, 0, padded)))
    maps_ref[...] = jnp.concatenate(
        [lut[3 * j:3 * j + 1] + 512 * lut[3 * j + 1:3 * j + 2]
         + 262144 * lut[3 * j + 2:3 * j + 3] for j in range(8)], axis=0)


def _maps_call(ids_pad, hist):
    return pl.pallas_call(
        _maps_body,
        in_specs=[pl.BlockSpec(memory_space=pltpu.SMEM),
                  pl.BlockSpec((NWORK, 20, 16), lambda: (0, 0, 0))],
        out_shape=jax.ShapeDtypeStruct((8, 1), jnp.int32),
    )(ids_pad, hist)


def _shift(a, s, axis):
    if s == 0:
        return a
    n = a.shape[axis]
    if s > 0:
        main = lax.slice_in_dim(a, s, n, axis=axis)
        edge = lax.slice_in_dim(a, n - 1, n, axis=axis)
        return jnp.concatenate([main] + [edge] * s, axis=axis)
    main = lax.slice_in_dim(a, 0, n + s, axis=axis)
    edge = lax.slice_in_dim(a, 0, 1, axis=axis)
    return jnp.concatenate([edge] * (-s) + [main], axis=axis)


SENT = 65536


def _stencil_body(ids_ref, g_ref, inst_ref, sem_ref, pk_ref):
    m2 = jnp.int32(0)
    for k in range(12):
        m2 = m2 | (jnp.int32(1) << (ids_ref[k] + jnp.int32(1)))
    inst = inst_ref[...]
    sem = sem_ref[...]
    member = ((m2 >> inst) & 1) == 1
    canon = jnp.where(sem == 10, 1,
                      jnp.where(sem == 11, 2,
                                jnp.where(member, inst + 2, 0)))
    surface = jnp.abs(g_ref[...]) <= 1.5

    p = jnp.where(canon > 0, canon, BIG)
    acc = None
    for zi in range(6):
        term = _shift(p, zi - 3, 2) + 256 * zi
        acc = term if acc is None else jnp.minimum(acc, term)
    t1 = acc
    acc = None
    for yi in range(6):
        term = _shift(t1, yi - 3, 1) + 1536 * yi
        acc = term if acc is None else jnp.minimum(acc, term)
    pk_ref[...] = ((jnp.minimum(acc, SENT) << 6) | (canon << 1)
                   | surface.astype(jnp.int32))


def _stencil_call(ids_pad, geometry, instances, semantics):
    bs = lambda: pl.BlockSpec((SLAB, N, N), lambda s: (s, 0, 0))
    return pl.pallas_call(
        _stencil_body,
        grid=(NSLAB,),
        in_specs=[pl.BlockSpec(memory_space=pltpu.SMEM), bs(), bs(), bs()],
        out_specs=bs(),
        out_shape=jax.ShapeDtypeStruct((N, N, N), jnp.int32),
    )(ids_pad, geometry, instances, semantics)


def _final_body(maps_ref, prev_ref, cur_ref, next_ref, oi_ref, os_ref):
    s = pl.program_id(0)
    cur = cur_ref[...]
    ext = jnp.concatenate([prev_ref[SLAB - 3:SLAB], cur, next_ref[0:2]],
                          axis=0)
    rowio = lax.broadcasted_iota(jnp.int32, (SLAB + 5, N, N), 0)
    gi = s * SLAB - 3 + rowio
    ext = jnp.where(gi < 0, cur_ref[0:1], ext)
    ext = jnp.where(gi > N - 1, cur_ref[SLAB - 1:SLAB], ext)

    acc = None
    for xi in range(6):
        term = (lax.slice_in_dim(ext, xi, xi + SLAB, axis=0) >> 6) + 9216 * xi
        acc = term if acc is None else jnp.minimum(acc, term)

    bits = cur & 63
    canon = bits >> 1
    label = jnp.where(acc < SENT, acc & 255, 0)
    cf = jnp.where(bits == 1, label, canon)

    j = (cf * 21846) >> 16
    r = cf - j * 3
    b0 = (j & 1) == 1
    b1 = (j & 2) == 2
    b2 = (j & 4) == 4
    m01 = jnp.where(b0, maps_ref[1, 0], maps_ref[0, 0])
    m23 = jnp.where(b0, maps_ref[3, 0], maps_ref[2, 0])
    m45 = jnp.where(b0, maps_ref[5, 0], maps_ref[4, 0])
    m67 = jnp.where(b0, maps_ref[7, 0], maps_ref[6, 0])
    m03 = jnp.where(b1, m23, m01)
    m47 = jnp.where(b1, m67, m45)
    w = jnp.where(b2, m47, m03)
    v = (w >> (r * 9)) & 511
    oi_ref[...] = v & 31
    os_ref[...] = v >> 5


def _final_call(maps, packed):
    bs = lambda im: pl.BlockSpec((SLAB, N, N), im)
    return pl.pallas_call(
        _final_body,
        grid=(NSLAB,),
        in_specs=[
            pl.BlockSpec(memory_space=pltpu.SMEM),
            bs(lambda s: (jnp.maximum(s - 1, 0), 0, 0)),
            bs(lambda s: (s, 0, 0)),
            bs(lambda s: (jnp.minimum(s + 1, NSLAB - 1), 0, 0)),
        ],
        out_specs=[bs(lambda s: (s, 0, 0)), bs(lambda s: (s, 0, 0))],
        out_shape=[jax.ShapeDtypeStruct((N, N, N), jnp.int32)] * 2,
    )(maps, packed, packed, packed)


def kernel(geometry, instances, semantics, instance_ids_2d):
    ids_pad = jnp.concatenate(
        [instance_ids_2d.astype(jnp.int32), jnp.full((4,), 30, jnp.int32)])
    packed = _stencil_call(ids_pad, geometry, instances, semantics)
    hist = _hist_call(instances.reshape(-1), semantics.reshape(-1))
    maps = _maps_call(ids_pad, hist)
    out_inst, out_sem = _final_call(maps, packed)
    return out_inst, out_sem

# --- scband reference (transcript-rebuilt; emitter-appended) ---
"""Pipeline reference for scband-post-process-26121991094504 (READ-ONLY COPY).

The authoritative reference and input builder live on the scoring server;
editing this copy changes nothing except your own understanding.
"""

import jax, jax.numpy as jnp
import numpy as np

GRID = (128, 128, 128)


def nn_search(grid, unassigned_mask, radius=3):
    label = jnp.zeros(grid.shape, dtype=grid.dtype)
    mask = jnp.zeros(grid.shape, dtype=bool)
    ax0 = jnp.arange(grid.shape[0])
    ax1 = jnp.arange(grid.shape[1])
    ax2 = jnp.arange(grid.shape[2])
    for x in range(-radius, radius):
        for y in range(-radius, radius):
            for z in range(-radius, radius):
                px = jnp.clip(ax0 + x, 0, grid.shape[0] - 1)
                py = jnp.clip(ax1 + y, 0, grid.shape[1] - 1)
                pz = jnp.clip(ax2 + z, 0, grid.shape[2] - 1)
                lb = grid[px[:, None, None], py[None, :, None], pz[None, None, :]]
                new_mask = (lb > 0) & (~mask) & unassigned_mask
                label = jnp.where(new_mask, lb, label)
                mask = mask | new_mask
    return label


def postprocess(geometry, instances, semantics, instance_ids_2d):
    # filter_instances: keep only 3d instance ids present in the 2d instance list
    instances_filtered = jnp.zeros_like(instances)
    ids2d = instance_ids_2d + 1
    for i in range(ids2d.shape[0]):
        iid = ids2d[i]
        m = (instances == iid) & (iid != 0)
        instances_filtered = jnp.where(m, iid, instances_filtered)

    panoptic_instances = jnp.zeros(geometry.shape, dtype=jnp.int32)
    things_start_index = 2
    surface_mask = jnp.abs(geometry) <= 1.5

    thing_classes = [1, 2, 3, 4, 5, 6, 7, 8, 9, 12, 13]
    thing_classes_arr = jnp.array(thing_classes, dtype=jnp.int32)
    rank = jnp.any(instances_filtered == 0).astype(jnp.int32)
    sem_entries = []
    for instance_id in range(1, 21):
        inst_mask = instances_filtered == instance_id
        present = jnp.any(inst_mask)
        pid = rank + things_start_index
        panoptic_instances = jnp.where(inst_mask, pid, panoptic_instances)
        cnt = jnp.stack([jnp.sum(inst_mask & (semantics == c)) for c in thing_classes])
        has_things = jnp.sum(cnt) > 0
        mode = thing_classes_arr[jnp.argmax(cnt)]
        sem_entries.append((pid, has_things, mode))
        rank = rank + present.astype(jnp.int32)

    wall_class, wall_id = 10, 1
    panoptic_instances = jnp.where(semantics == wall_class, wall_id, panoptic_instances)
    floor_class, floor_id = 11, 2
    panoptic_instances = jnp.where(semantics == floor_class, floor_id, panoptic_instances)

    unassigned_mask = surface_mask & (panoptic_instances == 0)
    panoptic_instances_copy = panoptic_instances
    labels = nn_search(panoptic_instances_copy, unassigned_mask)
    panoptic_instances = jnp.where(unassigned_mask, labels.astype(jnp.int32), panoptic_instances)

    panoptic_semantics = jnp.zeros_like(panoptic_instances)
    for pid, has_things, mode in sem_entries:
        panoptic_semantics = jnp.where((panoptic_instances == pid) & has_things, mode, panoptic_semantics)
    panoptic_semantics = jnp.where(panoptic_instances == wall_id, wall_class, panoptic_semantics)
    panoptic_semantics = jnp.where(panoptic_instances == floor_id, floor_class, panoptic_semantics)
    return panoptic_instances, panoptic_semantics


def setup_inputs(seed: int = 0):
    key = jax.random.key(seed)
    k1, k2, k3, k4 = jax.random.split(key, 4)
    geometry = jax.random.normal(k1, GRID, dtype=jnp.float32) * 3.0
    instances = jax.random.randint(k2, GRID, 0, 20, dtype=jnp.int32)
    semantics = jax.random.randint(k3, GRID, 0, 14, dtype=jnp.int32)
    instance_ids_2d = jax.random.randint(k4, (12,), 0, 20, dtype=jnp.int32)
    return {"geometry": geometry, "instances": instances, "semantics": semantics, "instance_ids_2d": instance_ids_2d}


def reference(geometry, instances, semantics, instance_ids_2d):
    return postprocess(geometry, instances, semantics, instance_ids_2d)

if __name__ == "__main__":
    import jax
    _d = setup_inputs()
    print(jax.jit(kernel)(*tuple(_d.values())))

</pallas_src>

<mosaic_0001>
#map = affine_map<(d0, d1) -> (0)>
#map1 = affine_map<(d0, d1) -> (0, 0, 0)>
module attributes {stable_mosaic.version = 14 : i64} {
  func.func @_hist_body(%arg0: i32, %arg1: i32, %arg2: memref<2097152xi32, #tpu.memory_space<hbm>>, %arg3: memref<2097152xi32, #tpu.memory_space<hbm>>, %arg4: memref<32x20x16xi32, #tpu.memory_space<hbm>>, %arg5: memref<32768xi32, #tpu.memory_space<vmem>>, %arg6: memref<32768xi32, #tpu.memory_space<vmem>>, %arg7: memref<5120xi32, #tpu.memory_space<vmem>>, %arg8: memref<20x16xi32, #tpu.memory_space<vmem>>) attributes {dimension_semantics = [#tpu.dimension_semantics<core_parallel>, #tpu.dimension_semantics<subcore_parallel>], iteration_bounds = array<i64: 2, 16>, scalar_prefetch = 0 : i64, scratch_operands = 4 : i64, tpu.core_type = #tpu.core_type<sc_vector_subcore>, window_params = [{transform_indices = #map}, {transform_indices = #map}, {transform_indices = #map1}]} {
    %mul3A = arith.constant 2 : i32
    %mul3A_0 = arith.muli %arg1, %mul3A : i32
    %add3A = arith.addi %mul3A_0, %arg0 : i32
    %scan3A = arith.constant 0 : i32
    %scan3A_1 = arith.constant 0 : i32
    %scan3A_2 = arith.constant 320 : i32
    %scan3A_3 = arith.addi %scan3A_1, %scan3A_2 : i32
    %scan3A_4 = arith.constant 1 : i32
    %scan3A_5 = scf.for %scan3A_1038 = %scan3A_1 to %scan3A_3 step %scan3A_4 iter_args(%scan3A_1039 = %scan3A) -> (i32)  : i32 {
      %broadcast_in_dim3A_1040 = arith.constant 0 : i32
      %broadcast_in_dim3A_1041 = vector.broadcast %broadcast_in_dim3A_1040 : i32 to vector<16xi32>
      %mul3A_1042 = arith.constant 16 : i32
      %mul3A_1043 = arith.muli %scan3A_1038, %mul3A_1042 : i32
      %swap3A_1044 = arith.index_cast %mul3A_1043 : i32 to index
      %swap3A_1045 = tpu.vector_load %arg7[%swap3A_1044] {strides = array<i32>} : memref<5120xi32, #tpu.memory_space<vmem>>, vector<16xi32>,
      tpu.vector_store %arg7[%swap3A_1044], %broadcast_in_dim3A_1041 {strides = array<i32>} : memref<5120xi32, #tpu.memory_space<vmem>>, vector<16xi32>,
      %scan3A_1046 = arith.constant 0 : i32
      scf.yield %scan3A_1046 : i32
    }
    %scan3A_6 = arith.constant 320 : i32
    %iota3A = tpu.iota {dimensions = array<i32: 0>} : vector<16xi32>
    %mul3A_7 = arith.constant 320 : i32
    %mul3A_8 = vector.broadcast %mul3A_7 : i32 to vector<16xi32>
    %mul3A_9 = arith.muli %iota3A, %mul3A_8 : vector<16xi32>
    %broadcast_in_dim3A = arith.constant 1 : i32
    %broadcast_in_dim3A_10 = vector.broadcast %broadcast_in_dim3A : i32 to vector<16xi32>
    %mul3A_11 = arith.constant 65536 : i32
    %mul3A_12 = arith.muli %add3A, %mul3A_11 : i32
    %scan3A_13 = arith.constant 0 : i32
    %scan3A_14 = arith.constant 0 : i32
    %scan3A_15 = arith.constant 2 : i32
    %scan3A_16 = arith.addi %scan3A_14, %scan3A_15 : i32
    %scan3A_17 = arith.constant 1 : i32
    %scan3A_18 = scf.for %scan3A_1038 = %scan3A_14 to %scan3A_16 step %scan3A_17 iter_args(%scan3A_1039 = %scan3A_13) -> (i32)  : i32 {
      %mul3A_1040 = arith.constant 32768 : i32
      %mul3A_1041 = arith.muli %scan3A_1038, %mul3A_1040 : i32
      %add3A_1042 = arith.addi %mul3A_12, %mul3A_1041 : i32
      "tpu.region"() ({
        %run_scoped3A = tpu.sem_alloc : memref<!tpu.dma_semaphore, #tpu.memory_space<semaphore_mem>>
        %dma_start3A = tpu.memref_slice %arg2[%add3A_1042] : memref<2097152xi32, #tpu.memory_space<hbm>> -> memref<32768xi32, #tpu.memory_space<hbm>>
        %dma_start3A_1051 = tpu.memref_slice %arg2[%add3A_1042] : memref<2097152xi32, #tpu.memory_space<hbm>> -> memref<32768xi32, #tpu.memory_space<hbm>>
        tpu.enqueue_dma source(%dma_start3A_1051 : memref<32768xi32, #tpu.memory_space<hbm>>) target(%arg5 : memref<32768xi32, #tpu.memory_space<vmem>>) target_semaphore(%run_scoped3A : memref<!tpu.dma_semaphore, #tpu.memory_space<semaphore_mem>>)
        %dma_wait3A = tpu.memref_slice %arg2[%add3A_1042] : memref<2097152xi32, #tpu.memory_space<hbm>> -> memref<32768xi32, #tpu.memory_space<hbm>>
        %dma_wait3A_1052 = tpu.memref_slice %arg2[%add3A_1042] : memref<2097152xi32, #tpu.memory_space<hbm>> -> memref<32768xi32, #tpu.memory_space<hbm>>
        tpu.wait_dma2 semaphore(%run_scoped3A : memref<!tpu.dma_semaphore, #tpu.memory_space<semaphore_mem>>) src(%dma_wait3A_1052 : memref<32768xi32, #tpu.memory_space<hbm>>) dst(%arg5 : memref<32768xi32, #tpu.memory_space<vmem>>)
        tpu.yield
      }) : () -> ()
      "tpu.region"() ({
        %run_scoped3A = tpu.sem_alloc : memref<!tpu.dma_semaphore, #tpu.memory_space<semaphore_mem>>
        %dma_start3A = tpu.memref_slice %arg3[%add3A_1042] : memref<2097152xi32, #tpu.memory_space<hbm>> -> memref<32768xi32, #tpu.memory_space<hbm>>
        %dma_start3A_1051 = tpu.memref_slice %arg3[%add3A_1042] : memref<2097152xi32, #tpu.memory_space<hbm>> -> memref<32768xi32, #tpu.memory_space<hbm>>
        tpu.enqueue_dma source(%dma_start3A_1051 : memref<32768xi32, #tpu.memory_space<hbm>>) target(%arg6 : memref<32768xi32, #tpu.memory_space<vmem>>) target_semaphore(%run_scoped3A : memref<!tpu.dma_semaphore, #tpu.memory_space<semaphore_mem>>)
        %dma_wait3A = tpu.memref_slice %arg3[%add3A_1042] : memref<2097152xi32, #tpu.memory_space<hbm>> -> memref<32768xi32, #tpu.memory_space<hbm>>
        %dma_wait3A_1052 = tpu.memref_slice %arg3[%add3A_1042] : memref<2097152xi32, #tpu.memory_space<hbm>> -> memref<32768xi32, #tpu.memory_space<hbm>>
        tpu.wait_dma2 semaphore(%run_scoped3A : memref<!tpu.dma_semaphore, #tpu.memory_space<semaphore_mem>>) src(%dma_wait3A_1052 : memref<32768xi32, #tpu.memory_space<hbm>>) dst(%arg6 : memref<32768xi32, #tpu.memory_space<vmem>>)
        tpu.yield
      }) : () -> ()
      %scan3A_1043 = arith.constant 0 : i32
      %scan3A_1044 = arith.constant 0 : i32
      %scan3A_1045 = arith.constant 256 : i32
      %scan3A_1046 = arith.addi %scan3A_1044, %scan3A_1045 : i32
      %scan3A_1047 = arith.constant 1 : i32
      %scan3A_1048 = scf.for %scan3A_1051 = %scan3A_1044 to %scan3A_1046 step %scan3A_1047 iter_args(%scan3A_1052 = %scan3A_1043) -> (i32)  : i32 {
        %mul3A_1053 = arith.constant 128 : i32
        %mul3A_1054 = arith.muli %scan3A_1051, %mul3A_1053 : i32
        %add3A_1055 = arith.constant 0 : i32
        %add3A_1056 = arith.addi %mul3A_1054, %add3A_1055 : i32
        %get3A_1057 = arith.index_cast %add3A_1056 : i32 to index
        %get3A_1058 = tpu.vector_load %arg5[%get3A_1057] {strides = array<i32>} : memref<32768xi32, #tpu.memory_space<vmem>>, vector<16xi32>,
        %add3A_1059 = arith.constant 0 : i32
        %add3A_1060 = arith.addi %mul3A_1054, %add3A_1059 : i32
        %get3A_1061 = arith.index_cast %add3A_1060 : i32 to index
        %get3A_1062 = tpu.vector_load %arg6[%get3A_1061] {strides = array<i32>} : memref<32768xi32, #tpu.memory_space<vmem>>, vector<16xi32>,
        %mul3A_1063 = arith.constant 16 : i32
        %mul3A_1064 = vector.broadcast %mul3A_1063 : i32 to vector<16xi32>
        %mul3A_1065 = arith.muli %get3A_1058, %mul3A_1064 : vector<16xi32>
        %add3A_1066 = arith.addi %mul3A_9, %mul3A_1065 : vector<16xi32>
        %add3A_1067 = arith.addi %add3A_1066, %get3A_1062 : vector<16xi32>
        tpu.vector_store_idx %arg7[%add3A_1067], %broadcast_in_dim3A_10 {add = true} : memref<5120xi32, #tpu.memory_space<vmem>>[vector<16xi32>], vector<16xi32>,
        %add3A_1068 = arith.constant 16 : i32
        %add3A_1069 = arith.addi %mul3A_1054, %add3A_1068 : i32
        %get3A_1070 = arith.index_cast %add3A_1069 : i32 to index
        %get3A_1071 = tpu.vector_load %arg5[%get3A_1070] {strides = array<i32>} : memref<32768xi32, #tpu.memory_space<vmem>>, vector<16xi32>,
        %add3A_1072 = arith.constant 16 : i32
        %add3A_1073 = arith.addi %mul3A_1054, %add3A_1072 : i32
        %get3A_1074 = arith.index_cast %add3A_1073 : i32 to index
        %get3A_1075 = tpu.vector_load %arg6[%get3A_1074] {strides = array<i32>} : memref<32768xi32, #tpu.memory_space<vmem>>, vector<16xi32>,
        %mul3A_1076 = arith.constant 16 : i32
        %mul3A_1077 = vector.broadcast %mul3A_1076 : i32 to vector<16xi32>
        %mul3A_1078 = arith.muli %get3A_1071, %mul3A_1077 : vector<16xi32>
        %add3A_1079 = arith.addi %mul3A_9, %mul3A_1078 : vector<16xi32>
        %add3A_1080 = arith.addi %add3A_1079, %get3A_1075 : vector<16xi32>
        tpu.vector_store_idx %arg7[%add3A_1080], %broadcast_in_dim3A_10 {add = true} : memref<5120xi32, #tpu.memory_space<vmem>>[vector<16xi32>], vector<16xi32>,
        %add3A_1081 = arith.constant 32 : i32
        %add3A_1082 = arith.addi %mul3A_1054, %add3A_1081 : i32
        %get3A_1083 = arith.index_cast %add3A_1082 : i32 to index
        %get3A_1084 = tpu.vector_load %arg5[%get3A_1083] {strides = array<i32>} : memref<32768xi32, #tpu.memory_space<vmem>>, vector<16xi32>,
        %add3A_1085 = arith.constant 32 : i32
        %add3A_1086 = arith.addi %mul3A_1054, %add3A_1085 : i32
        %get3A_1087 = arith.index_cast %add3A_1086 : i32 to index
        %get3A_1088 = tpu.vector_load %arg6[%get3A_1087] {strides = array<i32>} : memref<32768xi32, #tpu.memory_space<vmem>>, vector<16xi32>,
        %mul3A_1089 = arith.constant 16 : i32
        %mul3A_1090 = vector.broadcast %mul3A_1089 : i32 to vector<16xi32>
        %mul3A_1091 = arith.muli %get3A_1084, %mul3A_1090 : vector<16xi32>
        %add3A_1092 = arith.addi %mul3A_9, %mul3A_1091 : vector<16xi32>
        %add3A_1093 = arith.addi %add3A_1092, %get3A_1088 : vector<16xi32>
        tpu.vector_store_idx %arg7[%add3A_1093], %broadcast_in_dim3A_10 {add = true} : memref<5120xi32, #tpu.memory_space<vmem>>[vector<16xi32>], vector<16xi32>,
        %add3A_1094 = arith.constant 48 : i32
        %add3A_1095 = arith.addi %mul3A_1054, %add3A_1094 : i32
        %get3A_1096 = arith.index_cast %add3A_1095 : i32 to index
        %get3A_1097 = tpu.vector_load %arg5[%get3A_1096] {strides = array<i32>} : memref<32768xi32, #tpu.memory_space<vmem>>, vector<16xi32>,
        %add3A_1098 = arith.constant 48 : i32
        %add3A_1099 = arith.addi %mul3A_1054, %add3A_1098 : i32
        %get3A_1100 = arith.index_cast %add3A_1099 : i32 to index
        %get3A_1101 = tpu.vector_load %arg6[%get3A_1100] {strides = array<i32>} : memref<32768xi32, #tpu.memory_space<vmem>>, vector<16xi32>,
        %mul3A_1102 = arith.constant 16 : i32
        %mul3A_1103 = vector.broadcast %mul3A_1102 : i32 to vector<16xi32>
        %mul3A_1104 = arith.muli %get3A_1097, %mul3A_1103 : vector<16xi32>
        %add3A_1105 = arith.addi %mul3A_9, %mul3A_1104 : vector<16xi32>
        %add3A_1106 = arith.addi %add3A_1105, %get3A_1101 : vector<16xi32>
        tpu.vector_store_idx %arg7[%add3A_1106], %broadcast_in_dim3A_10 {add = true} : memref<5120xi32, #tpu.memory_space<vmem>>[vector<16xi32>], vector<16xi32>,
        %add3A_1107 = arith.constant 64 : i32
        %add3A_1108 = arith.addi %mul3A_1054, %add3A_1107 : i32
        %get3A_1109 = arith.index_cast %add3A_1108 : i32 to index
        %get3A_1110 = tpu.vector_load %arg5[%get3A_1109] {strides = array<i32>} : memref<32768xi32, #tpu.memory_space<vmem>>, vector<16xi32>,
        %add3A_1111 = arith.constant 64 : i32
        %add3A_1112 = arith.addi %mul3A_1054, %add3A_1111 : i32
        %get3A_1113 = arith.index_cast %add3A_1112 : i32 to index
        %get3A_1114 = tpu.vector_load %arg6[%get3A_1113] {strides = array<i32>} : memref<32768xi32, #tpu.memory_space<vmem>>, vector<16xi32>,
        %mul3A_1115 = arith.constant 16 : i32
        %mul3A_1116 = vector.broadcast %mul3A_1115 : i32 to vector<16xi32>
        %mul3A_1117 = arith.muli %get3A_1110, %mul3A_1116 : vector<16xi32>
        %add3A_1118 = arith.addi %mul3A_9, %mul3A_1117 : vector<16xi32>
        %add3A_1119 = arith.addi %add3A_1118, %get3A_1114 : vector<16xi32>
        tpu.vector_store_idx %arg7[%add3A_1119], %broadcast_in_dim3A_10 {add = true} : memref<5120xi32, #tpu.memory_space<vmem>>[vector<16xi32>], vector<16xi32>,
        %add3A_1120 = arith.constant 80 : i32
        %add3A_1121 = arith.addi %mul3A_1054, %add3A_1120 : i32
        %get3A_1122 = arith.index_cast %add3A_1121 : i32 to index
        %get3A_1123 = tpu.vector_load %arg5[%get3A_1122] {strides = array<i32>} : memref<32768xi32, #tpu.memory_space<vmem>>, vector<16xi32>,
        %add3A_1124 = arith.constant 80 : i32
        %add3A_1125 = arith.addi %mul3A_1054, %add3A_1124 : i32
        %get3A_1126 = arith.index_cast %add3A_1125 : i32 to index
        %get3A_1127 = tpu.vector_load %arg6[%get3A_1126] {strides = array<i32>} : memref<32768xi32, #tpu.memory_space<vmem>>, vector<16xi32>,
        %mul3A_1128 = arith.constant 16 : i32
        %mul3A_1129 = vector.broadcast %mul3A_1128 : i32 to vector<16xi32>
        %mul3A_1130 = arith.muli %get3A_1123, %mul3A_1129 : vector<16xi32>
        %add3A_1131 = arith.addi %mul3A_9, %mul3A_1130 : vector<16xi32>
        %add3A_1132 = arith.addi %add3A_1131, %get3A_1127 : vector<16xi32>
        tpu.vector_store_idx %arg7[%add3A_1132], %broadcast_in_dim3A_10 {add = true} : memref<5120xi32, #tpu.memory_space<vmem>>[vector<16xi32>], vector<16xi32>,
        %add3A_1133 = arith.constant 96 : i32
        %add3A_1134 = arith.addi %mul3A_1054, %add3A_1133 : i32
        %get3A_1135 = arith.index_cast %add3A_1134 : i32 to index
        %get3A_1136 = tpu.vector_load %arg5[%get3A_1135] {strides = array<i32>} : memref<32768xi32, #tpu.memory_space<vmem>>, vector<16xi32>,
        %add3A_1137 = arith.constant 96 : i32
        %add3A_1138 = arith.addi %mul3A_1054, %add3A_1137 : i32
        %get3A_1139 = arith.index_cast %add3A_1138 : i32 to index
        %get3A_1140 = tpu.vector_load %arg6[%get3A_1139] {strides = array<i32>} : memref<32768xi32, #tpu.memory_space<vmem>>, vector<16xi32>,
        %mul3A_1141 = arith.constant 16 : i32
        %mul3A_1142 = vector.broadcast %mul3A_1141 : i32 to vector<16xi32>
        %mul3A_1143 = arith.muli %get3A_1136, %mul3A_1142 : vector<16xi32>
        %add3A_1144 = arith.addi %mul3A_9, %mul3A_1143 : vector<16xi32>
        %add3A_1145 = arith.addi %add3A_1144, %get3A_1140 : vector<16xi32>
        tpu.vector_store_idx %arg7[%add3A_1145], %broadcast_in_dim3A_10 {add = true} : memref<5120xi32, #tpu.memory_space<vmem>>[vector<16xi32>], vector<16xi32>,
        %add3A_1146 = arith.constant 112 : i32
        %add3A_1147 = arith.addi %mul3A_1054, %add3A_1146 : i32
        %get3A_1148 = arith.index_cast %add3A_1147 : i32 to index
        %get3A_1149 = tpu.vector_load %arg5[%get3A_1148] {strides = array<i32>} : memref<32768xi32, #tpu.memory_space<vmem>>, vector<16xi32>,
        %add3A_1150 = arith.constant 112 : i32
        %add3A_1151 = arith.addi %mul3A_1054, %add3A_1150 : i32
        %get3A_1152 = arith.index_cast %add3A_1151 : i32 to index
        %get3A_1153 = tpu.vector_load %arg6[%get3A_1152] {strides = array<i32>} : memref<32768xi32, #tpu.memory_space<vmem>>, vector<16xi32>,
        %mul3A_1154 = arith.constant 16 : i32
        %mul3A_1155 = vector.broadcast %mul3A_1154 : i32 to vector<16xi32>
        %mul3A_1156 = arith.muli %get3A_1149, %mul3A_1155 : vector<16xi32>
        %add3A_1157 = arith.addi %mul3A_9, %mul3A_1156 : vector<16xi32>
        %add3A_1158 = arith.addi %add3A_1157, %get3A_1153 : vector<16xi32>
        tpu.vector_store_idx %arg7[%add3A_1158], %broadcast_in_dim3A_10 {add = true} : memref<5120xi32, #tpu.memory_space<vmem>>[vector<16xi32>], vector<16xi32>,
        %scan3A_1159 = arith.constant 0 : i32
        scf.yield %scan3A_1159 : i32
      }
      %scan3A_1049 = arith.constant 256 : i32
      %scan3A_1050 = arith.constant 0 : i32
      scf.yield %scan3A_1050 : i32
    }
    %scan3A_19 = arith.constant 2 : i32
    %get3A = arith.constant 0 : index
    %get3A_20 = tpu.vector_load %arg7[%get3A] {strides = array<i32>} : memref<5120xi32, #tpu.memory_space<vmem>>, vector<16xi32>,
    %get3A_21 = arith.constant 320 : index
    %get3A_22 = tpu.vector_load %arg7[%get3A_21] {strides = array<i32>} : memref<5120xi32, #tpu.memory_space<vmem>>, vector<16xi32>,
    %add3A_23 = arith.addi %get3A_20, %get3A_22 : vector<16xi32>
    %get3A_24 = arith.constant 640 : index
    %get3A_25 = tpu.vector_load %arg7[%get3A_24] {strides = array<i32>} : memref<5120xi32, #tpu.memory_space<vmem>>, vector<16xi32>,
    %add3A_26 = arith.addi %add3A_23, %get3A_25 : vector<16xi32>
    %get3A_27 = arith.constant 960 : index
    %get3A_28 = tpu.vector_load %arg7[%get3A_27] {strides = array<i32>} : memref<5120xi32, #tpu.memory_space<vmem>>, vector<16xi32>,
    %add3A_29 = arith.addi %add3A_26, %get3A_28 : vector<16xi32>
    %get3A_30 = arith.constant 1280 : index
    %get3A_31 = tpu.vector_load %arg7[%get3A_30] {strides = array<i32>} : memref<5120xi32, #tpu.memory_space<vmem>>, vector<16xi32>,
    %add3A_32 = arith.addi %add3A_29, %get3A_31 : vector<16xi32>
    %get3A_33 = arith.constant 1600 : index
    %get3A_34 = tpu.vector_load %arg7[%get3A_33] {strides = array<i32>} : memref<5120xi32, #tpu.memory_space<vmem>>, vector<16xi32>,
    %add3A_35 = arith.addi %add3A_32, %get3A_34 : vector<16xi32>
    %get3A_36 = arith.constant 1920 : index
    %get3A_37 = tpu.vector_load %arg7[%get3A_36] {strides = array<i32>} : memref<5120xi32, #tpu.memory_space<vmem>>, vector<16xi32>,
    %add3A_38 = arith.addi %add3A_35, %get3A_37 : vector<16xi32>
    %get3A_39 = arith.constant 2240 : index
    %get3A_40 = tpu.vector_load %arg7[%get3A_39] {strides = array<i32>} : memref<5120xi32, #tpu.memory_space<vmem>>, vector<16xi32>,
    %add3A_41 = arith.addi %add3A_38, %get3A_40 : vector<16xi32>
    %get3A_42 = arith.constant 2560 : index
    %get3A_43 = tpu.vector_load %arg7[%get3A_42] {strides = array<i32>} : memref<5120xi32, #tpu.memory_space<vmem>>, vector<16xi32>,
    %add3A_44 = arith.addi %add3A_41, %get3A_43 : vector<16xi32>
    %get3A_45 = arith.constant 2880 : index
    %get3A_46 = tpu.vector_load %arg7[%get3A_45] {strides = array<i32>} : memref<5120xi32, #tpu.memory_space<vmem>>, vector<16xi32>,
    %add3A_47 = arith.addi %add3A_44, %get3A_46 : vector<16xi32>
    %get3A_48 = arith.constant 3200 : index
    %get3A_49 = tpu.vector_load %arg7[%get3A_48] {strides = array<i32>} : memref<5120xi32, #tpu.memory_space<vmem>>, vector<16xi32>,
    %add3A_50 = arith.addi %add3A_47, %get3A_49 : vector<16xi32>
    %get3A_51 = arith.constant 3520 : index
    %get3A_52 = tpu.vector_load %arg7[%get3A_51] {strides = array<i32>} : memref<5120xi32, #tpu.memory_space<vmem>>, vector<16xi32>,
    %add3A_53 = arith.addi %add3A_50, %get3A_52 : vector<16xi32>
    %get3A_54 = arith.constant 3840 : index
    %get3A_55 = tpu.vector_load %arg7[%get3A_54] {strides = array<i32>} : memref<5120xi32, #tpu.memory_space<vmem>>, vector<16xi32>,
    %add3A_56 = arith.addi %add3A_53, %get3A_55 : vector<16xi32>
    %get3A_57 = arith.constant 4160 : index
    %get3A_58 = tpu.vector_load %arg7[%get3A_57] {strides = array<i32>} : memref<5120xi32, #tpu.memory_space<vmem>>, vector<16xi32>,
    %add3A_59 = arith.addi %add3A_56, %get3A_58 : vector<16xi32>
    %get3A_60 = arith.constant 4480 : index
    %get3A_61 = tpu.vector_load %arg7[%get3A_60] {strides = array<i32>} : memref<5120xi32, #tpu.memory_space<vmem>>, vector<16xi32>,
    %add3A_62 = arith.addi %add3A_59, %get3A_61 : vector<16xi32>
    %get3A_63 = arith.constant 4800 : index
    %get3A_64 = tpu.vector_load %arg7[%get3A_63] {strides = array<i32>} : memref<5120xi32, #tpu.memory_space<vmem>>, vector<16xi32>,
    %add3A_65 = arith.addi %add3A_62, %get3A_64 : vector<16xi32>
    %swap3A = arith.constant 0 : i32
    %swap3A_66 = arith.index_cast %swap3A : i32 to index
    %swap3A_67 = arith.constant 0 : index
    %swap3A_68 = tpu.vector_load %arg8[%swap3A_66, %swap3A_67] {strides = array<i32>} : memref<20x16xi32, #tpu.memory_space<vmem>>, vector<16xi32>,
    tpu.vector_store %arg8[%swap3A_66, %swap3A_67], %add3A_65 {strides = array<i32>} : memref<20x16xi32, #tpu.memory_space<vmem>>, vector<16xi32>,
    %get3A_69 = arith.constant 16 : index
    %get3A_70 = tpu.vector_load %arg7[%get3A_69] {strides = array<i32>} : memref<5120xi32, #tpu.memory_space<vmem>>, vector<16xi32>,
    %get3A_71 = arith.constant 336 : index
    %get3A_72 = tpu.vector_load %arg7[%get3A_71] {strides = array<i32>} : memref<5120xi32, #tpu.memory_space<vmem>>, vector<16xi32>,
    %add3A_73 = arith.addi %get3A_70, %get3A_72 : vector<16xi32>
    %get3A_74 = arith.constant 656 : index
    %get3A_75 = tpu.vector_load %arg7[%get3A_74] {strides = array<i32>} : memref<5120xi32, #tpu.memory_space<vmem>>, vector<16xi32>,
    %add3A_76 = arith.addi %add3A_73, %get3A_75 : vector<16xi32>
    %get3A_77 = arith.constant 976 : index
    %get3A_78 = tpu.vector_load %arg7[%get3A_77] {strides = array<i32>} : memref<5120xi32, #tpu.memory_space<vmem>>, vector<16xi32>,
    %add3A_79 = arith.addi %add3A_76, %get3A_78 : vector<16xi32>
    %get3A_80 = arith.constant 1296 : index
    %get3A_81 = tpu.vector_load %arg7[%get3A_80] {strides = array<i32>} : memref<5120xi32, #tpu.memory_space<vmem>>, vector<16xi32>,
    %add3A_82 = arith.addi %add3A_79, %get3A_81 : vector<16xi32>
    %get3A_83 = arith.constant 1616 : index
    %get3A_84 = tpu.vector_load %arg7[%get3A_83] {strides = array<i32>} : memref<5120xi32, #tpu.memory_space<vmem>>, vector<16xi32>,
    %add3A_85 = arith.addi %add3A_82, %get3A_84 : vector<16xi32>
    %get3A_86 = arith.constant 1936 : index
    %get3A_87 = tpu.vector_load %arg7[%get3A_86] {strides = array<i32>} : memref<5120xi32, #tpu.memory_space<vmem>>, vector<16xi32>,
    %add3A_88 = arith.addi %add3A_85, %get3A_87 : vector<16xi32>
    %get3A_89 = arith.constant 2256 : index
    %get3A_90 = tpu.vector_load %arg7[%get3A_89] {strides = array<i32>} : memref<5120xi32, #tpu.memory_space<vmem>>, vector<16xi32>,
    %add3A_91 = arith.addi %add3A_88, %get3A_90 : vector<16xi32>
    %get3A_92 = arith.constant 2576 : index
    %get3A_93 = tpu.vector_load %arg7[%get3A_92] {strides = array<i32>} : memref<5120xi32, #tpu.memory_space<vmem>>, vector<16xi32>,
    %add3A_94 = arith.addi %add3A_91, %get3A_93 : vector<16xi32>
    %get3A_95 = arith.constant 2896 : index
    %get3A_96 = tpu.vector_load %arg7[%get3A_95] {strides = array<i32>} : memref<5120xi32, #tpu.memory_space<vmem>>, vector<16xi32>,
    %add3A_97 = arith.addi %add3A_94, %get3A_96 : vector<16xi32>
    %get3A_98 = arith.constant 3216 : index
    %get3A_99 = tpu.vector_load %arg7[%get3A_98] {strides = array<i32>} : memref<5120xi32, #tpu.memory_space<vmem>>, vector<16xi32>,
    %add3A_100 = arith.addi %add3A_97, %get3A_99 : vector<16xi32>
    %get3A_101 = arith.constant 3536 : index
    %get3A_102 = tpu.vector_load %arg7[%get3A_101] {strides = array<i32>} : memref<5120xi32, #tpu.memory_space<vmem>>, vector<16xi32>,
    %add3A_103 = arith.addi %add3A_100, %get3A_102 : vector<16xi32>
    %get3A_104 = arith.constant 3856 : index
    %get3A_105 = tpu.vector_load %arg7[%get3A_104] {strides = array<i32>} : memref<5120xi32, #tpu.memory_space<vmem>>, vector<16xi32>,
    %add3A_106 = arith.addi %add3A_103, %get3A_105 : vector<16xi32>
    %get3A_107 = arith.constant 4176 : index
    %get3A_108 = tpu.vector_load %arg7[%get3A_107] {strides = array<i32>} : memref<5120xi32, #tpu.memory_space<vmem>>, vector<16xi32>,
    %add3A_109 = arith.addi %add3A_106, %get3A_108 : vector<16xi32>
    %get3A_110 = arith.constant 4496 : index
    %get3A_111 = tpu.vector_load %arg7[%get3A_110] {strides = array<i32>} : memref<5120xi32, #tpu.memory_space<vmem>>, vector<16xi32>,
    %add3A_112 = arith.addi %add3A_109, %get3A_111 : vector<16xi32>
    %get3A_113 = arith.constant 4816 : index
    %get3A_114 = tpu.vector_load %arg7[%get3A_113] {strides = array<i32>} : memref<5120xi32, #tpu.memory_space<vmem>>, vector<16xi32>,
    %add3A_115 = arith.addi %add3A_112, %get3A_114 : vector<16xi32>
    %swap3A_116 = arith.constant 1 : i32
    %swap3A_117 = arith.index_cast %swap3A_116 : i32 to index
    %swap3A_118 = arith.constant 0 : index
    %swap3A_119 = tpu.vector_load %arg8[%swap3A_117, %swap3A_118] {strides = array<i32>} : memref<20x16xi32, #tpu.memory_space<vmem>>, vector<16xi32>,
    tpu.vector_store %arg8[%swap3A_117, %swap3A_118], %add3A_115 {strides = array<i32>} : memref<20x16xi32, #tpu.memory_space<vmem>>, vector<16xi32>,
    %get3A_120 = arith.constant 32 : index
    %get3A_121 = tpu.vector_load %arg7[%get3A_120] {strides = array<i32>} : memref<5120xi32, #tpu.memory_space<vmem>>, vector<16xi32>,
    %get3A_122 = arith.constant 352 : index
    %get3A_123 = tpu.vector_load %arg7[%get3A_122] {strides = array<i32>} : memref<5120xi32, #tpu.memory_space<vmem>>, vector<16xi32>,
    %add3A_124 = arith.addi %get3A_121, %get3A_123 : vector<16xi32>
    %get3A_125 = arith.constant 672 : index
    %get3A_126 = tpu.vector_load %arg7[%get3A_125] {strides = array<i32>} : memref<5120xi32, #tpu.memory_space<vmem>>, vector<16xi32>,
    %add3A_127 = arith.addi %add3A_124, %get3A_126 : vector<16xi32>
    %get3A_128 = arith.constant 992 : index
    %get3A_129 = tpu.vector_load %arg7[%get3A_128] {strides = array<i32>} : memref<5120xi32, #tpu.memory_space<vmem>>, vector<16xi32>,
    %add3A_130 = arith.addi %add3A_127, %get3A_129 : vector<16xi32>
    %get3A_131 = arith.constant 1312 : index
    %get3A_132 = tpu.vector_load %arg7[%get3A_131] {strides = array<i32>} : memref<5120xi32, #tpu.memory_space<vmem>>, vector<16xi32>,
    %add3A_133 = arith.addi %add3A_130, %get3A_132 : vector<16xi32>
    %get3A_134 = arith.constant 1632 : index
    %get3A_135 = tpu.vector_load %arg7[%get3A_134] {strides = array<i32>} : memref<5120xi32, #tpu.memory_space<vmem>>, vector<16xi32>,
    %add3A_136 = arith.addi %add3A_133, %get3A_135 : vector<16xi32>
    %get3A_137 = arith.constant 1952 : index
    %get3A_138 = tpu.vector_load %arg7[%get3A_137] {strides = array<i32>} : memref<5120xi32, #tpu.memory_space<vmem>>, vector<16xi32>,
    %add3A_139 = arith.addi %add3A_136, %get3A_138 : vector<16xi32>
    %get3A_140 = arith.constant 2272 : index
    %get3A_141 = tpu.vector_load %arg7[%get3A_140] {strides = array<i32>} : memref<5120xi32, #tpu.memory_space<vmem>>, vector<16xi32>,
    %add3A_142 = arith.addi %add3A_139, %get3A_141 : vector<16xi32>
    %get3A_143 = arith.constant 2592 : index
    %get3A_144 = tpu.vector_load %arg7[%get3A_143] {strides = array<i32>} : memref<5120xi32, #tpu.memory_space<vmem>>, vector<16xi32>,
    %add3A_145 = arith.addi %add3A_142, %get3A_144 : vector<16xi32>
    %get3A_146 = arith.constant 2912 : index
    %get3A_147 = tpu.vector_load %arg7[%get3A_146] {strides = array<i32>} : memref<5120xi32, #tpu.memory_space<vmem>>, vector<16xi32>,
    %add3A_148 = arith.addi %add3A_145, %get3A_147 : vector<16xi32>
    %get3A_149 = arith.constant 3232 : index
    %get3A_150 = tpu.vector_load %arg7[%get3A_149] {strides = array<i32>} : memref<5120xi32, #tpu.memory_space<vmem>>, vector<16xi32>,
    %add3A_151 = arith.addi %add3A_148, %get3A_150 : vector<16xi32>
    %get3A_152 = arith.constant 3552 : index
    %get3A_153 = tpu.vector_load %arg7[%get3A_152] {strides = array<i32>} : memref<5120xi32, #tpu.memory_space<vmem>>, vector<16xi32>,
    %add3A_154 = arith.addi %add3A_151, %get3A_153 : vector<16xi32>
    %get3A_155 = arith.constant 3872 : index
    %get3A_156 = tpu.vector_load %arg7[%get3A_155] {strides = array<i32>} : memref<5120xi32, #tpu.memory_space<vmem>>, vector<16xi32>,
    %add3A_157 = arith.addi %add3A_154, %get3A_156 : vector<16xi32>
    %get3A_158 = arith.constant 4192 : index
    %get3A_159 = tpu.vector_load %arg7[%get3A_158] {strides = array<i32>} : memref<5120xi32, #tpu.memory_space<vmem>>, vector<16xi32>,
    %add3A_160 = arith.addi %add3A_157, %get3A_159 : vector<16xi32>
    %get3A_161 = arith.constant 4512 : index
    %get3A_162 = tpu.vector_load %arg7[%get3A_161] {strides = array<i32>} : memref<5120xi32, #tpu.memory_space<vmem>>, vector<16xi32>,
    %add3A_163 = arith.addi %add3A_160, %get3A_162 : vector<16xi32>
    %get3A_164 = arith.constant 4832 : index
    %get3A_165 = tpu.vector_load %arg7[%get3A_164] {strides = array<i32>} : memref<5120xi32, #tpu.memory_space<vmem>>, vector<16xi32>,
    %add3A_166 = arith.addi %add3A_163, %get3A_165 : vector<16xi32>
    %swap3A_167 = arith.constant 2 : i32
    %swap3A_168 = arith.index_cast %swap3A_167 : i32 to index
    %swap3A_169 = arith.constant 0 : index
    %swap3A_170 = tpu.vector_load %arg8[%swap3A_168, %swap3A_169] {strides = array<i32>} : memref<20x16xi32, #tpu.memory_space<vmem>>, vector<16xi32>,
    tpu.vector_store %arg8[%swap3A_168, %swap3A_169], %add3A_166 {strides = array<i32>} : memref<20x16xi32, #tpu.memory_space<vmem>>, vector<16xi32>,
    %get3A_171 = arith.constant 48 : index
    %get3A_172 = tpu.vector_load %arg7[%get3A_171] {strides = array<i32>} : memref<5120xi32, #tpu.memory_space<vmem>>, vector<16xi32>,
    %get3A_173 = arith.constant 368 : index
    %get3A_174 = tpu.vector_load %arg7[%get3A_173] {strides = array<i32>} : memref<5120xi32, #tpu.memory_space<vmem>>, vector<16xi32>,
    %add3A_175 = arith.addi %get3A_172, %get3A_174 : vector<16xi32>
    %get3A_176 = arith.constant 688 : index
    %get3A_177 = tpu.vector_load %arg7[%get3A_176] {strides = array<i32>} : memref<5120xi32, #tpu.memory_space<vmem>>, vector<16xi32>,
    %add3A_178 = arith.addi %add3A_175, %get3A_177 : vector<16xi32>
    %get3A_179 = arith.constant 1008 : index
    %get3A_180 = tpu.vector_load %arg7[%get3A_179] {strides = array<i32>} : memref<5120xi32, #tpu.memory_space<vmem>>, vector<16xi32>,
    %add3A_181 = arith.addi %add3A_178, %get3A_180 : vector<16xi32>
    %get3A_182 = arith.constant 1328 : index
    %get3A_183 = tpu.vector_load %arg7[%get3A_182] {strides = array<i32>} : memref<5120xi32, #tpu.memory_space<vmem>>, vector<16xi32>,
    %add3A_184 = arith.addi %add3A_181, %get3A_183 : vector<16xi32>
    %get3A_185 = arith.constant 1648 : index
    %get3A_186 = tpu.vector_load %arg7[%get3A_185] {strides = array<i32>} : memref<5120xi32, #tpu.memory_space<vmem>>, vector<16xi32>,
    %add3A_187 = arith.addi %add3A_184, %get3A_186 : vector<16xi32>
    %get3A_188 = arith.constant 1968 : index
    %get3A_189 = tpu.vector_load %arg7[%get3A_188] {strides = array<i32>} : memref<5120xi32, #tpu.memory_space<vmem>>, vector<16xi32>,
    %add3A_190 = arith.addi %add3A_187, %get3A_189 : vector<16xi32>
    %get3A_191 = arith.constant 2288 : index
    %get3A_192 = tpu.vector_load %arg7[%get3A_191] {strides = array<i32>} : memref<5120xi32, #tpu.memory_space<vmem>>, vector<16xi32>,
    %add3A_193 = arith.addi %add3A_190, %get3A_192 : vector<16xi32>
    %get3A_194 = arith.constant 2608 : index
    %get3A_195 = tpu.vector_load %arg7[%get3A_194] {strides = array<i32>} : memref<5120xi32, #tpu.memory_space<vmem>>, vector<16xi32>,
    %add3A_196 = arith.addi %add3A_193, %get3A_195 : vector<16xi32>
    %get3A_197 = arith.constant 2928 : index
    %get3A_198 = tpu.vector_load %arg7[%get3A_197] {strides = array<i32>} : memref<5120xi32, #tpu.memory_space<vmem>>, vector<16xi32>,
    %add3A_199 = arith.addi %add3A_196, %get3A_198 : vector<16xi32>
    %get3A_200 = arith.constant 3248 : index
    %get3A_201 = tpu.vector_load %arg7[%get3A_200] {strides = array<i32>} : memref<5120xi32, #tpu.memory_space<vmem>>, vector<16xi32>,
    %add3A_202 = arith.addi %add3A_199, %get3A_201 : vector<16xi32>
    %get3A_203 = arith.constant 3568 : index
    %get3A_204 = tpu.vector_load %arg7[%get3A_203] {strides = array<i32>} : memref<5120xi32, #tpu.memory_space<vmem>>, vector<16xi32>,
    %add3A_205 = arith.addi %add3A_202, %get3A_204 : vector<16xi32>
    %get3A_206 = arith.constant 3888 : index
    %get3A_207 = tpu.vector_load %arg7[%get3A_206] {strides = array<i32>} : memref<5120xi32, #tpu.memory_space<vmem>>, vector<16xi32>,
    %add3A_208 = arith.addi %add3A_205, %get3A_207 : vector<16xi32>
    %get3A_209 = arith.constant 4208 : index
    %get3A_210 = tpu.vector_load %arg7[%get3A_209] {strides = array<i32>} : memref<5120xi32, #tpu.memory_space<vmem>>, vector<16xi32>,
    %add3A_211 = arith.addi %add3A_208, %get3A_210 : vector<16xi32>
    %get3A_212 = arith.constant 4528 : index
    %get3A_213 = tpu.vector_load %arg7[%get3A_212] {strides = array<i32>} : memref<5120xi32, #tpu.memory_space<vmem>>, vector<16xi32>,
    %add3A_214 = arith.addi %add3A_211, %get3A_213 : vector<16xi32>
    %get3A_215 = arith.constant 4848 : index
    %get3A_216 = tpu.vector_load %arg7[%get3A_215] {strides = array<i32>} : memref<5120xi32, #tpu.memory_space<vmem>>, vector<16xi32>,
    %add3A_217 = arith.addi %add3A_214, %get3A_216 : vector<16xi32>
    %swap3A_218 = arith.constant 3 : i32
    %swap3A_219 = arith.index_cast %swap3A_218 : i32 to index
    %swap3A_220 = arith.constant 0 : index
    %swap3A_221 = tpu.vector_load %arg8[%swap3A_219, %swap3A_220] {strides = array<i32>} : memref<20x16xi32, #tpu.memory_space<vmem>>, vector<16xi32>,
    tpu.vector_store %arg8[%swap3A_219, %swap3A_220], %add3A_217 {strides = array<i32>} : memref<20x16xi32, #tpu.memory_space<vmem>>, vector<16xi32>,
    %get3A_222 = arith.constant 64 : index
    %get3A_223 = tpu.vector_load %arg7[%get3A_222] {strides = array<i32>} : memref<5120xi32, #tpu.memory_space<vmem>>, vector<16xi32>,
    %get3A_224 = arith.constant 384 : index
    %get3A_225 = tpu.vector_load %arg7[%get3A_224] {strides = array<i32>} : memref<5120xi32, #tpu.memory_space<vmem>>, vector<16xi32>,
    %add3A_226 = arith.addi %get3A_223, %get3A_225 : vector<16xi32>
    %get3A_227 = arith.constant 704 : index
    %get3A_228 = tpu.vector_load %arg7[%get3A_227] {strides = array<i32>} : memref<5120xi32, #tpu.memory_space<vmem>>, vector<16xi32>,
    %add3A_229 = arith.addi %add3A_226, %get3A_228 : vector<16xi32>
    %get3A_230 = arith.constant 1024 : index
    %get3A_231 = tpu.vector_load %arg7[%get3A_230] {strides = array<i32>} : memref<5120xi32, #tpu.memory_space<vmem>>, vector<16xi32>,
    %add3A_232 = arith.addi %add3A_229, %get3A_231 : vector<16xi32>
    %get3A_233 = arith.constant 1344 : index
    %get3A_234 = tpu.vector_load %arg7[%get3A_233] {strides = array<i32>} : memref<5120xi32, #tpu.memory_space<vmem>>, vector<16xi32>,
    %add3A_235 = arith.addi %add3A_232, %get3A_234 : vector<16xi32>
    %get3A_236 = arith.constant 1664 : index
    %get3A_237 = tpu.vector_load %arg7[%get3A_236] {strides = array<i32>} : memref<5120xi32, #tpu.memory_space<vmem>>, vector<16xi32>,
    %add3A_238 = arith.addi %add3A_235, %get3A_237 : vector<16xi32>
    %get3A_239 = arith.constant 1984 : index
    %get3A_240 = tpu.vector_load %arg7[%get3A_239] {strides = array<i32>} : memref<5120xi32, #tpu.memory_space<vmem>>, vector<16xi32>,
    %add3A_241 = arith.addi %add3A_238, %get3A_240 : vector<16xi32>
    %get3A_242 = arith.constant 2304 : index
    %get3A_243 = tpu.vector_load %arg7[%get3A_242] {strides = array<i32>} : memref<5120xi32, #tpu.memory_space<vmem>>, vector<16xi32>,
    %add3A_244 = arith.addi %add3A_241, %get3A_243 : vector<16xi32>
    %get3A_245 = arith.constant 2624 : index
    %get3A_246 = tpu.vector_load %arg7[%get3A_245] {strides = array<i32>} : memref<5120xi32, #tpu.memory_space<vmem>>, vector<16xi32>,
    %add3A_247 = arith.addi %add3A_244, %get3A_246 : vector<16xi32>
    %get3A_248 = arith.constant 2944 : index
    %get3A_249 = tpu.vector_load %arg7[%get3A_248] {strides = array<i32>} : memref<5120xi32, #tpu.memory_space<vmem>>, vector<16xi32>,
    %add3A_250 = arith.addi %add3A_247, %get3A_249 : vector<16xi32>
    %get3A_251 = arith.constant 3264 : index
    %get3A_252 = tpu.vector_load %arg7[%get3A_251] {strides = array<i32>} : memref<5120xi32, #tpu.memory_space<vmem>>, vector<16xi32>,
    %add3A_253 = arith.addi %add3A_250, %get3A_252 : vector<16xi32>
    %get3A_254 = arith.constant 3584 : index
    %get3A_255 = tpu.vector_load %arg7[%get3A_254] {strides = array<i32>} : memref<5120xi32, #tpu.memory_space<vmem>>, vector<16xi32>,
    %add3A_256 = arith.addi %add3A_253, %get3A_255 : vector<16xi32>
    %get3A_257 = arith.constant 3904 : index
    %get3A_258 = tpu.vector_load %arg7[%get3A_257] {strides = array<i32>} : memref<5120xi32, #tpu.memory_space<vmem>>, vector<16xi32>,
    %add3A_259 = arith.addi %add3A_256, %get3A_258 : vector<16xi32>
    %get3A_260 = arith.constant 4224 : index
    %get3A_261 = tpu.vector_load %arg7[%get3A_260] {strides = array<i32>} : memref<5120xi32, #tpu.memory_space<vmem>>, vector<16xi32>,
    %add3A_262 = arith.addi %add3A_259, %get3A_261 : vector<16xi32>
    %get3A_263 = arith.constant 4544 : index
    %get3A_264 = tpu.vector_load %arg7[%get3A_263] {strides = array<i32>} : memref<5120xi32, #tpu.memory_space<vmem>>, vector<16xi32>,
    %add3A_265 = arith.addi %add3A_262, %get3A_264 : vector<16xi32>
    %get3A_266 = arith.constant 4864 : index
    %get3A_267 = tpu.vector_load %arg7[%get3A_266] {strides = array<i32>} : memref<5120xi32, #tpu.memory_space<vmem>>, vector<16xi32>,
    %add3A_268 = arith.addi %add3A_265, %get3A_267 : vector<16xi32>
    %swap3A_269 = arith.constant 4 : i32
    %swap3A_270 = arith.index_cast %swap3A_269 : i32 to index
    %swap3A_271 = arith.constant 0 : index
    %swap3A_272 = tpu.vector_load %arg8[%swap3A_270, %swap3A_271] {strides = array<i32>} : memref<20x16xi32, #tpu.memory_space<vmem>>, vector<16xi32>,
    tpu.vector_store %arg8[%swap3A_270, %swap3A_271], %add3A_268 {strides = array<i32>} : memref<20x16xi32, #tpu.memory_space<vmem>>, vector<16xi32>,
    %get3A_273 = arith.constant 80 : index
    %get3A_274 = tpu.vector_load %arg7[%get3A_273] {strides = array<i32>} : memref<5120xi32, #tpu.memory_space<vmem>>, vector<16xi32>,
    %get3A_275 = arith.constant 400 : index
    %get3A_276 = tpu.vector_load %arg7[%get3A_275] {strides = array<i32>} : memref<5120xi32, #tpu.memory_space<vmem>>, vector<16xi32>,
    %add3A_277 = arith.addi %get3A_274, %get3A_276 : vector<16xi32>
    %get3A_278 = arith.constant 720 : index
    %get3A_279 = tpu.vector_load %arg7[%get3A_278] {strides = array<i32>} : memref<5120xi32, #tpu.memory_space<vmem>>, vector<16xi32>,
    %add3A_280 = arith.addi %add3A_277, %get3A_279 : vector<16xi32>
    %get3A_281 = arith.constant 1040 : index
    %get3A_282 = tpu.vector_load %arg7[%get3A_281] {strides = array<i32>} : memref<5120xi32, #tpu.memory_space<vmem>>, vector<16xi32>,
    %add3A_283 = arith.addi %add3A_280, %get3A_282 : vector<16xi32>
    %get3A_284 = arith.constant 1360 : index
    %get3A_285 = tpu.vector_load %arg7[%get3A_284] {strides = array<i32>} : memref<5120xi32, #tpu.memory_space<vmem>>, vector<16xi32>,
    %add3A_286 = arith.addi %add3A_283, %get3A_285 : vector<16xi32>
    %get3A_287 = arith.constant 1680 : index
    %get3A_288 = tpu.vector_load %arg7[%get3A_287] {strides = array<i32>} : memref<5120xi32, #tpu.memory_space<vmem>>, vector<16xi32>,
    %add3A_289 = arith.addi %add3A_286, %get3A_288 : vector<16xi32>
    %get3A_290 = arith.constant 2000 : index
    %get3A_291 = tpu.vector_load %arg7[%get3A_290] {strides = array<i32>} : memref<5120xi32, #tpu.memory_space<vmem>>, vector<16xi32>,
    %add3A_292 = arith.addi %add3A_289, %get3A_291 : vector<16xi32>
    %get3A_293 = arith.constant 2320 : index
    %get3A_294 = tpu.vector_load %arg7[%get3A_293] {strides = array<i32>} : memref<5120xi32, #tpu.memory_space<vmem>>, vector<16xi32>,
    %add3A_295 = arith.addi %add3A_292, %get3A_294 : vector<16xi32>
    %get3A_296 = arith.constant 2640 : index
    %get3A_297 = tpu.vector_load %arg7[%get3A_296] {strides = array<i32>} : memref<5120xi32, #tpu.memory_space<vmem>>, vector<16xi32>,
    %add3A_298 = arith.addi %add3A_295, %get3A_297 : vector<16xi32>
    %get3A_299 = arith.constant 2960 : index
    %get3A_300 = tpu.vector_load %arg7[%get3A_299] {strides = array<i32>} : memref<5120xi32, #tpu.memory_space<vmem>>, vector<16xi32>,
    %add3A_301 = arith.addi %add3A_298, %get3A_300 : vector<16xi32>
    %get3A_302 = arith.constant 3280 : index
    %get3A_303 = tpu.vector_load %arg7[%get3A_302] {strides = array<i32>} : memref<5120xi32, #tpu.memory_space<vmem>>, vector<16xi32>,
    %add3A_304 = arith.addi %add3A_301, %get3A_303 : vector<16xi32>
    %get3A_305 = arith.constant 3600 : index
    %get3A_306 = tpu.vector_load %arg7[%get3A_305] {strides = array<i32>} : memref<5120xi32, #tpu.memory_space<vmem>>, vector<16xi32>,
    %add3A_307 = arith.addi %add3A_304, %get3A_306 : vector<16xi32>
    %get3A_308 = arith.constant 3920 : index
    %get3A_309 = tpu.vector_load %arg7[%get3A_308] {strides = array<i32>} : memref<5120xi32, #tpu.memory_space<vmem>>, vector<16xi32>,
    %add3A_310 = arith.addi %add3A_307, %get3A_309 : vector<16xi32>
    %get3A_311 = arith.constant 4240 : index
    %get3A_312 = tpu.vector_load %arg7[%get3A_311] {strides = array<i32>} : memref<5120xi32, #tpu.memory_space<vmem>>, vector<16xi32>,
    %add3A_313 = arith.addi %add3A_310, %get3A_312 : vector<16xi32>
    %get3A_314 = arith.constant 4560 : index
    %get3A_315 = tpu.vector_load %arg7[%get3A_314] {strides = array<i32>} : memref<5120xi32, #tpu.memory_space<vmem>>, vector<16xi32>,
    %add3A_316 = arith.addi %add3A_313, %get3A_315 : vector<16xi32>
    %get3A_317 = arith.constant 4880 : index
    %get3A_318 = tpu.vector_load %arg7[%get3A_317] {strides = array<i32>} : memref<5120xi32, #tpu.memory_space<vmem>>, vector<16xi32>,
    %add3A_319 = arith.addi %add3A_316, %get3A_318 : vector<16xi32>
    %swap3A_320 = arith.constant 5 : i32
    %swap3A_321 = arith.index_cast %swap3A_320 : i32 to index
    %swap3A_322 = arith.constant 0 : index
    %swap3A_323 = tpu.vector_load %arg8[%swap3A_321, %swap3A_322] {strides = array<i32>} : memref<20x16xi32, #tpu.memory_space<vmem>>, vector<16xi32>,
    tpu.vector_store %arg8[%swap3A_321, %swap3A_322], %add3A_319 {strides = array<i32>} : memref<20x16xi32, #tpu.memory_space<vmem>>, vector<16xi32>,
    %get3A_324 = arith.constant 96 : index
    %get3A_325 = tpu.vector_load %arg7[%get3A_324] {strides = array<i32>} : memref<5120xi32, #tpu.memory_space<vmem>>, vector<16xi32>,
    %get3A_326 = arith.constant 416 : index
    %get3A_327 = tpu.vector_load %arg7[%get3A_326] {strides = array<i32>} : memref<5120xi32, #tpu.memory_space<vmem>>, vector<16xi32>,
    %add3A_328 = arith.addi %get3A_325, %get3A_327 : vector<16xi32>
    %get3A_329 = arith.constant 736 : index
    %get3A_330 = tpu.vector_load %arg7[%get3A_329] {strides = array<i32>} : memref<5120xi32, #tpu.memory_space<vmem>>, vector<16xi32>,
    %add3A_331 = arith.addi %add3A_328, %get3A_330 : vector<16xi32>
    %get3A_332 = arith.constant 1056 : index
    %get3A_333 = tpu.vector_load %arg7[%get3A_332] {strides = array<i32>} : memref<5120xi32, #tpu.memory_space<vmem>>, vector<16xi32>,
    %add3A_334 = arith.addi %add3A_331, %get3A_333 : vector<16xi32>
    %get3A_335 = arith.constant 1376 : index
    %get3A_336 = tpu.vector_load %arg7[%get3A_335] {strides = array<i32>} : memref<5120xi32, #tpu.memory_space<vmem>>, vector<16xi32>,
    %add3A_337 = arith.addi %add3A_334, %get3A_336 : vector<16xi32>
    %get3A_338 = arith.constant 1696 : index
    %get3A_339 = tpu.vector_load %arg7[%get3A_338] {strides = array<i32>} : memref<5120xi32, #tpu.memory_space<vmem>>, vector<16xi32>,
    %add3A_340 = arith.addi %add3A_337, %get3A_339 : vector<16xi32>
    %get3A_341 = arith.constant 2016 : index
    %get3A_342 = tpu.vector_load %arg7[%get3A_341] {strides = array<i32>} : memref<5120xi32, #tpu.memory_space<vmem>>, vector<16xi32>,
    %add3A_343 = arith.addi %add3A_340, %get3A_342 : vector<16xi32>
    %get3A_344 = arith.constant 2336 : index
    %get3A_345 = tpu.vector_load %arg7[%get3A_344] {strides = array<i32>} : memref<5120xi32, #tpu.memory_space<vmem>>, vector<16xi32>,
    %add3A_346 = arith.addi %add3A_343, %get3A_345 : vector<16xi32>
    %get3A_347 = arith.constant 2656 : index
    %get3A_348 = tpu.vector_load %arg7[%get3A_347] {strides = array<i32>} : memref<5120xi32, #tpu.memory_space<vmem>>, vector<16xi32>,
    %add3A_349 = arith.addi %add3A_346, %get3A_348 : vector<16xi32>
    %get3A_350 = arith.constant 2976 : index
    %get3A_351 = tpu.vector_load %arg7[%get3A_350] {strides = array<i32>} : memref<5120xi32, #tpu.memory_space<vmem>>, vector<16xi32>,
    %add3A_352 = arith.addi %add3A_349, %get3A_351 : vector<16xi32>
    %get3A_353 = arith.constant 3296 : index
    %get3A_354 = tpu.vector_load %arg7[%get3A_353] {strides = array<i32>} : memref<5120xi32, #tpu.memory_space<vmem>>, vector<16xi32>,
    %add3A_355 = arith.addi %add3A_352, %get3A_354 : vector<16xi32>
    %get3A_356 = arith.constant 3616 : index
    %get3A_357 = tpu.vector_load %arg7[%get3A_356] {strides = array<i32>} : memref<5120xi32, #tpu.memory_space<vmem>>, vector<16xi32>,
    %add3A_358 = arith.addi %add3A_355, %get3A_357 : vector<16xi32>
    %get3A_359 = arith.constant 3936 : index
    %get3A_360 = tpu.vector_load %arg7[%get3A_359] {strides = array<i32>} : memref<5120xi32, #tpu.memory_space<vmem>>, vector<16xi32>,
    %add3A_361 = arith.addi %add3A_358, %get3A_360 : vector<16xi32>
    %get3A_362 = arith.constant 4256 : index
    %get3A_363 = tpu.vector_load %arg7[%get3A_362] {strides = array<i32>} : memref<5120xi32, #tpu.memory_space<vmem>>, vector<16xi32>,
    %add3A_364 = arith.addi %add3A_361, %get3A_363 : vector<16xi32>
    %get3A_365 = arith.constant 4576 : index
    %get3A_366 = tpu.vector_load %arg7[%get3A_365] {strides = array<i32>} : memref<5120xi32, #tpu.memory_space<vmem>>, vector<16xi32>,
    %add3A_367 = arith.addi %add3A_364, %get3A_366 : vector<16xi32>
    %get3A_368 = arith.constant 4896 : index
    %get3A_369 = tpu.vector_load %arg7[%get3A_368] {strides = array<i32>} : memref<5120xi32, #tpu.memory_space<vmem>>, vector<16xi32>,
    %add3A_370 = arith.addi %add3A_367, %get3A_369 : vector<16xi32>
    %swap3A_371 = arith.constant 6 : i32
    %swap3A_372 = arith.index_cast %swap3A_371 : i32 to index
    %swap3A_373 = arith.constant 0 : index
    %swap3A_374 = tpu.vector_load %arg8[%swap3A_372, %swap3A_373] {strides = array<i32>} : memref<20x16xi32, #tpu.memory_space<vmem>>, vector<16xi32>,
    tpu.vector_store %arg8[%swap3A_372, %swap3A_373], %add3A_370 {strides = array<i32>} : memref<20x16xi32, #tpu.memory_space<vmem>>, vector<16xi32>,
    %get3A_375 = arith.constant 112 : index
    %get3A_376 = tpu.vector_load %arg7[%get3A_375] {strides = array<i32>} : memref<5120xi32, #tpu.memory_space<vmem>>, vector<16xi32>,
    %get3A_377 = arith.constant 432 : index
    %get3A_378 = tpu.vector_load %arg7[%get3A_377] {strides = array<i32>} : memref<5120xi32, #tpu.memory_space<vmem>>, vector<16xi32>,
    %add3A_379 = arith.addi %get3A_376, %get3A_378 : vector<16xi32>
    %get3A_380 = arith.constant 752 : index
    %get3A_381 = tpu.vector_load %arg7[%get3A_380] {strides = array<i32>} : memref<5120xi32, #tpu.memory_space<vmem>>, vector<16xi32>,
    %add3A_382 = arith.addi %add3A_379, %get3A_381 : vector<16xi32>
    %get3A_383 = arith.constant 1072 : index
    %get3A_384 = tpu.vector_load %arg7[%get3A_383] {strides = array<i32>} : memref<5120xi32, #tpu.memory_space<vmem>>, vector<16xi32>,
    %add3A_385 = arith.addi %add3A_382, %get3A_384 : vector<16xi32>
    %get3A_386 = arith.constant 1392 : index
    %get3A_387 = tpu.vector_load %arg7[%get3A_386] {strides = array<i32>} : memref<5120xi32, #tpu.memory_space<vmem>>, vector<16xi32>,
    %add3A_388 = arith.addi %add3A_385, %get3A_387 : vector<16xi32>
    %get3A_389 = arith.constant 1712 : index
    %get3A_390 = tpu.vector_load %arg7[%get3A_389] {strides = array<i32>} : memref<5120xi32, #tpu.memory_space<vmem>>, vector<16xi32>,
    %add3A_391 = arith.addi %add3A_388, %get3A_390 : vector<16xi32>
    %get3A_392 = arith.constant 2032 : index
    %get3A_393 = tpu.vector_load %arg7[%get3A_392] {strides = array<i32>} : memref<5120xi32, #tpu.memory_space<vmem>>, vector<16xi32>,
    %add3A_394 = arith.addi %add3A_391, %get3A_393 : vector<16xi32>
    %get3A_395 = arith.constant 2352 : index
    %get3A_396 = tpu.vector_load %arg7[%get3A_395] {strides = array<i32>} : memref<5120xi32, #tpu.memory_space<vmem>>, vector<16xi32>,
    %add3A_397 = arith.addi %add3A_394, %get3A_396 : vector<16xi32>
    %get3A_398 = arith.constant 2672 : index
    %get3A_399 = tpu.vector_load %arg7[%get3A_398] {strides = array<i32>} : memref<5120xi32, #tpu.memory_space<vmem>>, vector<16xi32>,
    %add3A_400 = arith.addi %add3A_397, %get3A_399 : vector<16xi32>
    %get3A_401 = arith.constant 2992 : index
    %get3A_402 = tpu.vector_load %arg7[%get3A_401] {strides = array<i32>} : memref<5120xi32, #tpu.memory_space<vmem>>, vector<16xi32>,
    %add3A_403 = arith.addi %add3A_400, %get3A_402 : vector<16xi32>
    %get3A_404 = arith.constant 3312 : index
    %get3A_405 = tpu.vector_load %arg7[%get3A_404] {strides = array<i32>} : memref<5120xi32, #tpu.memory_space<vmem>>, vector<16xi32>,
    %add3A_406 = arith.addi %add3A_403, %get3A_405 : vector<16xi32>
    %get3A_407 = arith.constant 3632 : index
    %get3A_408 = tpu.vector_load %arg7[%get3A_407] {strides = array<i32>} : memref<5120xi32, #tpu.memory_space<vmem>>, vector<16xi32>,
    %add3A_409 = arith.addi %add3A_406, %get3A_408 : vector<16xi32>
    %get3A_410 = arith.constant 3952 : index
    %get3A_411 = tpu.vector_load %arg7[%get3A_410] {strides = array<i32>} : memref<5120xi32, #tpu.memory_space<vmem>>, vector<16xi32>,
    %add3A_412 = arith.addi %add3A_409, %get3A_411 : vector<16xi32>
    %get3A_413 = arith.constant 4272 : index
    %get3A_414 = tpu.vector_load %arg7[%get3A_413] {strides = array<i32>} : memref<5120xi32, #tpu.memory_space<vmem>>, vector<16xi32>,
    %add3A_415 = arith.addi %add3A_412, %get3A_414 : vector<16xi32>
    %get3A_416 = arith.constant 4592 : index
    %get3A_417 = tpu.vector_load %arg7[%get3A_416] {strides = array<i32>} : memref<5120xi32, #tpu.memory_space<vmem>>, vector<16xi32>,
    %add3A_418 = arith.addi %add3A_415, %get3A_417 : vector<16xi32>
    %get3A_419 = arith.constant 4912 : index
    %get3A_420 = tpu.vector_load %arg7[%get3A_419] {strides = array<i32>} : memref<5120xi32, #tpu.memory_space<vmem>>, vector<16xi32>,
    %add3A_421 = arith.addi %add3A_418, %get3A_420 : vector<16xi32>
    %swap3A_422 = arith.constant 7 : i32
    %swap3A_423 = arith.index_cast %swap3A_422 : i32 to index
    %swap3A_424 = arith.constant 0 : index
    %swap3A_425 = tpu.vector_load %arg8[%swap3A_423, %swap3A_424] {strides = array<i32>} : memref<20x16xi32, #tpu.memory_space<vmem>>, vector<16xi32>,
    tpu.vector_store %arg8[%swap3A_423, %swap3A_424], %add3A_421 {strides = array<i32>} : memref<20x16xi32, #tpu.memory_space<vmem>>, vector<16xi32>,
    %get3A_426 = arith.constant 128 : index
    %get3A_427 = tpu.vector_load %arg7[%get3A_426] {strides = array<i32>} : memref<5120xi32, #tpu.memory_space<vmem>>, vector<16xi32>,
    %get3A_428 = arith.constant 448 : index
    %get3A_429 = tpu.vector_load %arg7[%get3A_428] {strides = array<i32>} : memref<5120xi32, #tpu.memory_space<vmem>>, vector<16xi32>,
    %add3A_430 = arith.addi %get3A_427, %get3A_429 : vector<16xi32>
    %get3A_431 = arith.constant 768 : index
    %get3A_432 = tpu.vector_load %arg7[%get3A_431] {strides = array<i32>} : memref<5120xi32, #tpu.memory_space<vmem>>, vector<16xi32>,
    %add3A_433 = arith.addi %add3A_430, %get3A_432 : vector<16xi32>
    %get3A_434 = arith.constant 1088 : index
    %get3A_435 = tpu.vector_load %arg7[%get3A_434] {strides = array<i32>} : memref<5120xi32, #tpu.memory_space<vmem>>, vector<16xi32>,
    %add3A_436 = arith.addi %add3A_433, %get3A_435 : vector<16xi32>
    %get3A_437 = arith.constant 1408 : index
    %get3A_438 = tpu.vector_load %arg7[%get3A_437] {strides = array<i32>} : memref<5120xi32, #tpu.memory_space<vmem>>, vector<16xi32>,
    %add3A_439 = arith.addi %add3A_436, %get3A_438 : vector<16xi32>
    %get3A_440 = arith.constant 1728 : index
    %get3A_441 = tpu.vector_load %arg7[%get3A_440] {strides = array<i32>} : memref<5120xi32, #tpu.memory_space<vmem>>, vector<16xi32>,
    %add3A_442 = arith.addi %add3A_439, %get3A_441 : vector<16xi32>
    %get3A_443 = arith.constant 2048 : index
    %get3A_444 = tpu.vector_load %arg7[%get3A_443] {strides = array<i32>} : memref<5120xi32, #tpu.memory_space<vmem>>, vector<16xi32>,
    %add3A_445 = arith.addi %add3A_442, %get3A_444 : vector<16xi32>
    %get3A_446 = arith.constant 2368 : index
    %get3A_447 = tpu.vector_load %arg7[%get3A_446] {strides = array<i32>} : memref<5120xi32, #tpu.memory_space<vmem>>, vector<16xi32>,
    %add3A_448 = arith.addi %add3A_445, %get3A_447 : vector<16xi32>
    %get3A_449 = arith.constant 2688 : index
    %get3A_450 = tpu.vector_load %arg7[%get3A_449] {strides = array<i32>} : memref<5120xi32, #tpu.memory_space<vmem>>, vector<16xi32>,
    %add3A_451 = arith.addi %add3A_448, %get3A_450 : vector<16xi32>
    %get3A_452 = arith.constant 3008 : index
    %get3A_453 = tpu.vector_load %arg7[%get3A_452] {strides = array<i32>} : memref<5120xi32, #tpu.memory_space<vmem>>, vector<16xi32>,
    %add3A_454 = arith.addi %add3A_451, %get3A_453 : vector<16xi32>
    %get3A_455 = arith.constant 3328 : index
    %get3A_456 = tpu.vector_load %arg7[%get3A_455] {strides = array<i32>} : memref<5120xi32, #tpu.memory_space<vmem>>, vector<16xi32>,
    %add3A_457 = arith.addi %add3A_454, %get3A_456 : vector<16xi32>
    %get3A_458 = arith.constant 3648 : index
    %get3A_459 = tpu.vector_load %arg7[%get3A_458] {strides = array<i32>} : memref<5120xi32, #tpu.memory_space<vmem>>, vector<16xi32>,
    %add3A_460 = arith.addi %add3A_457, %get3A_459 : vector<16xi32>
    %get3A_461 = arith.constant 3968 : index
    %get3A_462 = tpu.vector_load %arg7[%get3A_461] {strides = array<i32>} : memref<5120xi32, #tpu.memory_space<vmem>>, vector<16xi32>,
    %add3A_463 = arith.addi %add3A_460, %get3A_462 : vector<16xi32>
    %get3A_464 = arith.constant 4288 : index
    %get3A_465 = tpu.vector_load %arg7[%get3A_464] {strides = array<i32>} : memref<5120xi32, #tpu.memory_space<vmem>>, vector<16xi32>,
    %add3A_466 = arith.addi %add3A_463, %get3A_465 : vector<16xi32>
    %get3A_467 = arith.constant 4608 : index
    %get3A_468 = tpu.vector_load %arg7[%get3A_467] {strides = array<i32>} : memref<5120xi32, #tpu.memory_space<vmem>>, vector<16xi32>,
    %add3A_469 = arith.addi %add3A_466, %get3A_468 : vector<16xi32>
    %get3A_470 = arith.constant 4928 : index
    %get3A_471 = tpu.vector_load %arg7[%get3A_470] {strides = array<i32>} : memref<5120xi32, #tpu.memory_space<vmem>>, vector<16xi32>,
    %add3A_472 = arith.addi %add3A_469, %get3A_471 : vector<16xi32>
    %swap3A_473 = arith.constant 8 : i32
    %swap3A_474 = arith.index_cast %swap3A_473 : i32 to index
    %swap3A_475 = arith.constant 0 : index
    %swap3A_476 = tpu.vector_load %arg8[%swap3A_474, %swap3A_475] {strides = array<i32>} : memref<20x16xi32, #tpu.memory_space<vmem>>, vector<16xi32>,
    tpu.vector_store %arg8[%swap3A_474, %swap3A_475], %add3A_472 {strides = array<i32>} : memref<20x16xi32, #tpu.memory_space<vmem>>, vector<16xi32>,
    %get3A_477 = arith.constant 144 : index
    %get3A_478 = tpu.vector_load %arg7[%get3A_477] {strides = array<i32>} : memref<5120xi32, #tpu.memory_space<vmem>>, vector<16xi32>,
    %get3A_479 = arith.constant 464 : index
    %get3A_480 = tpu.vector_load %arg7[%get3A_479] {strides = array<i32>} : memref<5120xi32, #tpu.memory_space<vmem>>, vector<16xi32>,
    %add3A_481 = arith.addi %get3A_478, %get3A_480 : vector<16xi32>
    %get3A_482 = arith.constant 784 : index
    %get3A_483 = tpu.vector_load %arg7[%get3A_482] {strides = array<i32>} : memref<5120xi32, #tpu.memory_space<vmem>>, vector<16xi32>,
    %add3A_484 = arith.addi %add3A_481, %get3A_483 : vector<16xi32>
    %get3A_485 = arith.constant 1104 : index
    %get3A_486 = tpu.vector_load %arg7[%get3A_485] {strides = array<i32>} : memref<5120xi32, #tpu.memory_space<vmem>>, vector<16xi32>,
    %add3A_487 = arith.addi %add3A_484, %get3A_486 : vector<16xi32>
    %get3A_488 = arith.constant 1424 : index
    %get3A_489 = tpu.vector_load %arg7[%get3A_488] {strides = array<i32>} : memref<5120xi32, #tpu.memory_space<vmem>>, vector<16xi32>,
    %add3A_490 = arith.addi %add3A_487, %get3A_489 : vector<16xi32>
    %get3A_491 = arith.constant 1744 : index
    %get3A_492 = tpu.vector_load %arg7[%get3A_491] {strides = array<i32>} : memref<5120xi32, #tpu.memory_space<vmem>>, vector<16xi32>,
    %add3A_493 = arith.addi %add3A_490, %get3A_492 : vector<16xi32>
    %get3A_494 = arith.constant 2064 : index
    %get3A_495 = tpu.vector_load %arg7[%get3A_494] {strides = array<i32>} : memref<5120xi32, #tpu.memory_space<vmem>>, vector<16xi32>,
    %add3A_496 = arith.addi %add3A_493, %get3A_495 : vector<16xi32>
    %get3A_497 = arith.constant 2384 : index
    %get3A_498 = tpu.vector_load %arg7[%get3A_497] {strides = array<i32>} : memref<5120xi32, #tpu.memory_space<vmem>>, vector<16xi32>,
    %add3A_499 = arith.addi %add3A_496, %get3A_498 : vector<16xi32>
    %get3A_500 = arith.constant 2704 : index
    %get3A_501 = tpu.vector_load %arg7[%get3A_500] {strides = array<i32>} : memref<5120xi32, #tpu.memory_space<vmem>>, vector<16xi32>,
    %add3A_502 = arith.addi %add3A_499, %get3A_501 : vector<16xi32>
    %get3A_503 = arith.constant 3024 : index
    %get3A_504 = tpu.vector_load %arg7[%get3A_503] {strides = array<i32>} : memref<5120xi32, #tpu.memory_space<vmem>>, vector<16xi32>,
    %add3A_505 = arith.addi %add3A_502, %get3A_504 : vector<16xi32>
    %get3A_506 = arith.constant 3344 : index
    %get3A_507 = tpu.vector_load %arg7[%get3A_506] {strides = array<i32>} : memref<5120xi32, #tpu.memory_space<vmem>>, vector<16xi32>,
    %add3A_508 = arith.addi %add3A_505, %get3A_507 : vector<16xi32>
    %get3A_509 = arith.constant 3664 : index
    %get3A_510 = tpu.vector_load %arg7[%get3A_509] {strides = array<i32>} : memref<5120xi32, #tpu.memory_space<vmem>>, vector<16xi32>,
    %add3A_511 = arith.addi %add3A_508, %get3A_510 : vector<16xi32>
    %get3A_512 = arith.constant 3984 : index
    %get3A_513 = tpu.vector_load %arg7[%get3A_512] {strides = array<i32>} : memref<5120xi32, #tpu.memory_space<vmem>>, vector<16xi32>,
    %add3A_514 = arith.addi %add3A_511, %get3A_513 : vector<16xi32>
    %get3A_515 = arith.constant 4304 : index
    %get3A_516 = tpu.vector_load %arg7[%get3A_515] {strides = array<i32>} : memref<5120xi32, #tpu.memory_space<vmem>>, vector<16xi32>,
    %add3A_517 = arith.addi %add3A_514, %get3A_516 : vector<16xi32>
    %get3A_518 = arith.constant 4624 : index
    %get3A_519 = tpu.vector_load %arg7[%get3A_518] {strides = array<i32>} : memref<5120xi32, #tpu.memory_space<vmem>>, vector<16xi32>,
    %add3A_520 = arith.addi %add3A_517, %get3A_519 : vector<16xi32>
    %get3A_521 = arith.constant 4944 : index
    %get3A_522 = tpu.vector_load %arg7[%get3A_521] {strides = array<i32>} : memref<5120xi32, #tpu.memory_space<vmem>>, vector<16xi32>,
    %add3A_523 = arith.addi %add3A_520, %get3A_522 : vector<16xi32>
    %swap3A_524 = arith.constant 9 : i32
    %swap3A_525 = arith.index_cast %swap3A_524 : i32 to index
    %swap3A_526 = arith.constant 0 : index
    %swap3A_527 = tpu.vector_load %arg8[%swap3A_525, %swap3A_526] {strides = array<i32>} : memref<20x16xi32, #tpu.memory_space<vmem>>, vector<16xi32>,
    tpu.vector_store %arg8[%swap3A_525, %swap3A_526], %add3A_523 {strides = array<i32>} : memref<20x16xi32, #tpu.memory_space<vmem>>, vector<16xi32>,
    %get3A_528 = arith.constant 160 : index
    %get3A_529 = tpu.vector_load %arg7[%get3A_528] {strides = array<i32>} : memref<5120xi32, #tpu.memory_space<vmem>>, vector<16xi32>,
    %get3A_530 = arith.constant 480 : index
    %get3A_531 = tpu.vector_load %arg7[%get3A_530] {strides = array<i32>} : memref<5120xi32, #tpu.memory_space<vmem>>, vector<16xi32>,
    %add3A_532 = arith.addi %get3A_529, %get3A_531 : vector<16xi32>
    %get3A_533 = arith.constant 800 : index
    %get3A_534 = tpu.vector_load %arg7[%get3A_533] {strides = array<i32>} : memref<5120xi32, #tpu.memory_space<vmem>>, vector<16xi32>,
    %add3A_535 = arith.addi %add3A_532, %get3A_534 : vector<16xi32>
    %get3A_536 = arith.constant 1120 : index
    %get3A_537 = tpu.vector_load %arg7[%get3A_536] {strides = array<i32>} : memref<5120xi32, #tpu.memory_space<vmem>>, vector<16xi32>,
    %add3A_538 = arith.addi %add3A_535, %get3A_537 : vector<16xi32>
    %get3A_539 = arith.constant 1440 : index
    %get3A_540 = tpu.vector_load %arg7[%get3A_539] {strides = array<i32>} : memref<5120xi32, #tpu.memory_space<vmem>>, vector<16xi32>,
    %add3A_541 = arith.addi %add3A_538, %get3A_540 : vector<16xi32>
    %get3A_542 = arith.constant 1760 : index
    %get3A_543 = tpu.vector_load %arg7[%get3A_542] {strides = array<i32>} : memref<5120xi32, #tpu.memory_space<vmem>>, vector<16xi32>,
    %add3A_544 = arith.addi %add3A_541, %get3A_543 : vector<16xi32>
    %get3A_545 = arith.constant 2080 : index
    %get3A_546 = tpu.vector_load %arg7[%get3A_545] {strides = array<i32>} : memref<5120xi32, #tpu.memory_space<vmem>>, vector<16xi32>,
    %add3A_547 = arith.addi %add3A_544, %get3A_546 : vector<16xi32>
    %get3A_548 = arith.constant 2400 : index
    %get3A_549 = tpu.vector_load %arg7[%get3A_548] {strides = array<i32>} : memref<5120xi32, #tpu.memory_space<vmem>>, vector<16xi32>,
    %add3A_550 = arith.addi %add3A_547, %get3A_549 : vector<16xi32>
    %get3A_551 = arith.constant 2720 : index
    %get3A_552 = tpu.vector_load %arg7[%get3A_551] {strides = array<i32>} : memref<5120xi32, #tpu.memory_space<vmem>>, vector<16xi32>,
    %add3A_553 = arith.addi %add3A_550, %get3A_552 : vector<16xi32>
    %get3A_554 = arith.constant 3040 : index
    %get3A_555 = tpu.vector_load %arg7[%get3A_554] {strides = array<i32>} : memref<5120xi32, #tpu.memory_space<vmem>>, vector<16xi32>,
    %add3A_556 = arith.addi %add3A_553, %get3A_555 : vector<16xi32>
    %get3A_557 = arith.constant 3360 : index
    %get3A_558 = tpu.vector_load %arg7[%get3A_557] {strides = array<i32>} : memref<5120xi32, #tpu.memory_space<vmem>>, vector<16xi32>,
    %add3A_559 = arith.addi %add3A_556, %get3A_558 : vector<16xi32>
    %get3A_560 = arith.constant 3680 : index
    %get3A_561 = tpu.vector_load %arg7[%get3A_560] {strides = array<i32>} : memref<5120xi32, #tpu.memory_space<vmem>>, vector<16xi32>,
    %add3A_562 = arith.addi %add3A_559, %get3A_561 : vector<16xi32>
    %get3A_563 = arith.constant 4000 : index
    %get3A_564 = tpu.vector_load %arg7[%get3A_563] {strides = array<i32>} : memref<5120xi32, #tpu.memory_space<vmem>>, vector<16xi32>,
    %add3A_565 = arith.addi %add3A_562, %get3A_564 : vector<16xi32>
    %get3A_566 = arith.constant 4320 : index
    %get3A_567 = tpu.vector_load %arg7[%get3A_566] {strides = array<i32>} : memref<5120xi32, #tpu.memory_space<vmem>>, vector<16xi32>,
    %add3A_568 = arith.addi %add3A_565, %get3A_567 : vector<16xi32>
    %get3A_569 = arith.constant 4640 : index
    %get3A_570 = tpu.vector_load %arg7[%get3A_569] {strides = array<i32>} : memref<5120xi32, #tpu.memory_space<vmem>>, vector<16xi32>,
    %add3A_571 = arith.addi %add3A_568, %get3A_570 : vector<16xi32>
    %get3A_572 = arith.constant 4960 : index
    %get3A_573 = tpu.vector_load %arg7[%get3A_572] {strides = array<i32>} : memref<5120xi32, #tpu.memory_space<vmem>>, vector<16xi32>,
    %add3A_574 = arith.addi %add3A_571, %get3A_573 : vector<16xi32>
    %swap3A_575 = arith.constant 10 : i32
    %swap3A_576 = arith.index_cast %swap3A_575 : i32 to index
    %swap3A_577 = arith.constant 0 : index
    %swap3A_578 = tpu.vector_load %arg8[%swap3A_576, %swap3A_577] {strides = array<i32>} : memref<20x16xi32, #tpu.memory_space<vmem>>, vector<16xi32>,
    tpu.vector_store %arg8[%swap3A_576, %swap3A_577], %add3A_574 {strides = array<i32>} : memref<20x16xi32, #tpu.memory_space<vmem>>, vector<16xi32>,
    %get3A_579 = arith.constant 176 : index
    %get3A_580 = tpu.vector_load %arg7[%get3A_579] {strides = array<i32>} : memref<5120xi32, #tpu.memory_space<vmem>>, vector<16xi32>,
    %get3A_581 = arith.constant 496 : index
    %get3A_582 = tpu.vector_load %arg7[%get3A_581] {strides = array<i32>} : memref<5120xi32, #tpu.memory_space<vmem>>, vector<16xi32>,
    %add3A_583 = arith.addi %get3A_580, %get3A_582 : vector<16xi32>
    %get3A_584 = arith.constant 816 : index
    %get3A_585 = tpu.vector_load %arg7[%get3A_584] {strides = array<i32>} : memref<5120xi32, #tpu.memory_space<vmem>>, vector<16xi32>,
    %add3A_586 = arith.addi %add3A_583, %get3A_585 : vector<16xi32>
    %get3A_587 = arith.constant 1136 : index
    %get3A_588 = tpu.vector_load %arg7[%get3A_587] {strides = array<i32>} : memref<5120xi32, #tpu.memory_space<vmem>>, vector<16xi32>,
    %add3A_589 = arith.addi %add3A_586, %get3A_588 : vector<16xi32>
    %get3A_590 = arith.constant 1456 : index
    %get3A_591 = tpu.vector_load %arg7[%get3A_590] {strides = array<i32>} : memref<5120xi32, #tpu.memory_space<vmem>>, vector<16xi32>,
    %add3A_592 = arith.addi %add3A_589, %get3A_591 : vector<16xi32>
    %get3A_593 = arith.constant 1776 : index
    %get3A_594 = tpu.vector_load %arg7[%get3A_593] {strides = array<i32>} : memref<5120xi32, #tpu.memory_space<vmem>>, vector<16xi32>,
    %add3A_595 = arith.addi %add3A_592, %get3A_594 : vector<16xi32>
    %get3A_596 = arith.constant 2096 : index
    %get3A_597 = tpu.vector_load %arg7[%get3A_596] {strides = array<i32>} : memref<5120xi32, #tpu.memory_space<vmem>>, vector<16xi32>,
    %add3A_598 = arith.addi %add3A_595, %get3A_597 : vector<16xi32>
    %get3A_599 = arith.constant 2416 : index
    %get3A_600 = tpu.vector_load %arg7[%get3A_599] {strides = array<i32>} : memref<5120xi32, #tpu.memory_space<vmem>>, vector<16xi32>,
    %add3A_601 = arith.addi %add3A_598, %get3A_600 : vector<16xi32>
    %get3A_602 = arith.constant 2736 : index
    %get3A_603 = tpu.vector_load %arg7[%get3A_602] {strides = array<i32>} : memref<5120xi32, #tpu.memory_space<vmem>>, vector<16xi32>,
    %add3A_604 = arith.addi %add3A_601, %get3A_603 : vector<16xi32>
    %get3A_605 = arith.constant 3056 : index
    %get3A_606 = tpu.vector_load %arg7[%get3A_605] {strides = array<i32>} : memref<5120xi32, #tpu.memory_space<vmem>>, vector<16xi32>,
    %add3A_607 = arith.addi %add3A_604, %get3A_606 : vector<16xi32>
    %get3A_608 = arith.constant 3376 : index
    %get3A_609 = tpu.vector_load %arg7[%get3A_608] {strides = array<i32>} : memref<5120xi32, #tpu.memory_space<vmem>>, vector<16xi32>,
    %add3A_610 = arith.addi %add3A_607, %get3A_609 : vector<16xi32>
    %get3A_611 = arith.constant 3696 : index
    %get3A_612 = tpu.vector_load %arg7[%get3A_611] {strides = array<i32>} : memref<5120xi32, #tpu.memory_space<vmem>>, vector<16xi32>,
    %add3A_613 = arith.addi %add3A_610, %get3A_612 : vector<16xi32>
    %get3A_614 = arith.constant 4016 : index
    %get3A_615 = tpu.vector_load %arg7[%get3A_614] {strides = array<i32>} : memref<5120xi32, #tpu.memory_space<vmem>>, vector<16xi32>,
    %add3A_616 = arith.addi %add3A_613, %get3A_615 : vector<16xi32>
    %get3A_617 = arith.constant 4336 : index
    %get3A_618 = tpu.vector_load %arg7[%get3A_617] {strides = array<i32>} : memref<5120xi32, #tpu.memory_space<vmem>>, vector<16xi32>,
    %add3A_619 = arith.addi %add3A_616, %get3A_618 : vector<16xi32>
    %get3A_620 = arith.constant 4656 : index
    %get3A_621 = tpu.vector_load %arg7[%get3A_620] {strides = array<i32>} : memref<5120xi32, #tpu.memory_space<vmem>>, vector<16xi32>,
    %add3A_622 = arith.addi %add3A_619, %get3A_621 : vector<16xi32>
    %get3A_623 = arith.constant 4976 : index
    %get3A_624 = tpu.vector_load %arg7[%get3A_623] {strides = array<i32>} : memref<5120xi32, #tpu.memory_space<vmem>>, vector<16xi32>,
    %add3A_625 = arith.addi %add3A_622, %get3A_624 : vector<16xi32>
    %swap3A_626 = arith.constant 11 : i32
    %swap3A_627 = arith.index_cast %swap3A_626 : i32 to index
    %swap3A_628 = arith.constant 0 : index
    %swap3A_629 = tpu.vector_load %arg8[%swap3A_627, %swap3A_628] {strides = array<i32>} : memref<20x16xi32, #tpu.memory_space<vmem>>, vector<16xi32>,
    tpu.vector_store %arg8[%swap3A_627, %swap3A_628], %add3A_625 {strides = array<i32>} : memref<20x16xi32, #tpu.memory_space<vmem>>, vector<16xi32>,
    %get3A_630 = arith.constant 192 : index
    %get3A_631 = tpu.vector_load %arg7[%get3A_630] {strides = array<i32>} : memref<5120xi32, #tpu.memory_space<vmem>>, vector<16xi32>,
    %get3A_632 = arith.constant 512 : index
    %get3A_633 = tpu.vector_load %arg7[%get3A_632] {strides = array<i32>} : memref<5120xi32, #tpu.memory_space<vmem>>, vector<16xi32>,
    %add3A_634 = arith.addi %get3A_631, %get3A_633 : vector<16xi32>
    %get3A_635 = arith.constant 832 : index
    %get3A_636 = tpu.vector_load %arg7[%get3A_635] {strides = array<i32>} : memref<5120xi32, #tpu.memory_space<vmem>>, vector<16xi32>,
    %add3A_637 = arith.addi %add3A_634, %get3A_636 : vector<16xi32>
    %get3A_638 = arith.constant 1152 : index
    %get3A_639 = tpu.vector_load %arg7[%get3A_638] {strides = array<i32>} : memref<5120xi32, #tpu.memory_space<vmem>>, vector<16xi32>,
    %add3A_640 = arith.addi %add3A_637, %get3A_639 : vector<16xi32>
    %get3A_641 = arith.constant 1472 : index
    %get3A_642 = tpu.vector_load %arg7[%get3A_641] {strides = array<i32>} : memref<5120xi32, #tpu.memory_space<vmem>>, vector<16xi32>,
    %add3A_643 = arith.addi %add3A_640, %get3A_642 : vector<16xi32>
    %get3A_644 = arith.constant 1792 : index
    %get3A_645 = tpu.vector_load %arg7[%get3A_644] {strides = array<i32>} : memref<5120xi32, #tpu.memory_space<vmem>>, vector<16xi32>,
    %add3A_646 = arith.addi %add3A_643, %get3A_645 : vector<16xi32>
    %get3A_647 = arith.constant 2112 : index
    %get3A_648 = tpu.vector_load %arg7[%get3A_647] {strides = array<i32>} : memref<5120xi32, #tpu.memory_space<vmem>>, vector<16xi32>,
    %add3A_649 = arith.addi %add3A_646, %get3A_648 : vector<16xi32>
    %get3A_650 = arith.constant 2432 : index
    %get3A_651 = tpu.vector_load %arg7[%get3A_650] {strides = array<i32>} : memref<5120xi32, #tpu.memory_space<vmem>>, vector<16xi32>,
    %add3A_652 = arith.addi %add3A_649, %get3A_651 : vector<16xi32>
    %get3A_653 = arith.constant 2752 : index
    %get3A_654 = tpu.vector_load %arg7[%get3A_653] {strides = array<i32>} : memref<5120xi32, #tpu.memory_space<vmem>>, vector<16xi32>,
    %add3A_655 = arith.addi %add3A_652, %get3A_654 : vector<16xi32>
    %get3A_656 = arith.constant 3072 : index
    %get3A_657 = tpu.vector_load %arg7[%get3A_656] {strides = array<i32>} : memref<5120xi32, #tpu.memory_space<vmem>>, vector<16xi32>,
    %add3A_658 = arith.addi %add3A_655, %get3A_657 : vector<16xi32>
    %get3A_659 = arith.constant 3392 : index
    %get3A_660 = tpu.vector_load %arg7[%get3A_659] {strides = array<i32>} : memref<5120xi32, #tpu.memory_space<vmem>>, vector<16xi32>,
    %add3A_661 = arith.addi %add3A_658, %get3A_660 : vector<16xi32>
    %get3A_662 = arith.constant 3712 : index
    %get3A_663 = tpu.vector_load %arg7[%get3A_662] {strides = array<i32>} : memref<5120xi32, #tpu.memory_space<vmem>>, vector<16xi32>,
    %add3A_664 = arith.addi %add3A_661, %get3A_663 : vector<16xi32>
    %get3A_665 = arith.constant 4032 : index
    %get3A_666 = tpu.vector_load %arg7[%get3A_665] {strides = array<i32>} : memref<5120xi32, #tpu.memory_space<vmem>>, vector<16xi32>,
    %add3A_667 = arith.addi %add3A_664, %get3A_666 : vector<16xi32>
    %get3A_668 = arith.constant 4352 : index
    %get3A_669 = tpu.vector_load %arg7[%get3A_668] {strides = array<i32>} : memref<5120xi32, #tpu.memory_space<vmem>>, vector<16xi32>,
    %add3A_670 = arith.addi %add3A_667, %get3A_669 : vector<16xi32>
    %get3A_671 = arith.constant 4672 : index
    %get3A_672 = tpu.vector_load %arg7[%get3A_671] {strides = array<i32>} : memref<5120xi32, #tpu.memory_space<vmem>>, vector<16xi32>,
    %add3A_673 = arith.addi %add3A_670, %get3A_672 : vector<16xi32>
    %get3A_674 = arith.constant 4992 : index
    %get3A_675 = tpu.vector_load %arg7[%get3A_674] {strides = array<i32>} : memref<5120xi32, #tpu.memory_space<vmem>>, vector<16xi32>,
    %add3A_676 = arith.addi %add3A_673, %get3A_675 : vector<16xi32>
    %swap3A_677 = arith.constant 12 : i32
    %swap3A_678 = arith.index_cast %swap3A_677 : i32 to index
    %swap3A_679 = arith.constant 0 : index
    %swap3A_680 = tpu.vector_load %arg8[%swap3A_678, %swap3A_679] {strides = array<i32>} : memref<20x16xi32, #tpu.memory_space<vmem>>, vector<16xi32>,
    tpu.vector_store %arg8[%swap3A_678, %swap3A_679], %add3A_676 {strides = array<i32>} : memref<20x16xi32, #tpu.memory_space<vmem>>, vector<16xi32>,
    %get3A_681 = arith.constant 208 : index
    %get3A_682 = tpu.vector_load %arg7[%get3A_681] {strides = array<i32>} : memref<5120xi32, #tpu.memory_space<vmem>>, vector<16xi32>,
    %get3A_683 = arith.constant 528 : index
    %get3A_684 = tpu.vector_load %arg7[%get3A_683] {strides = array<i32>} : memref<5120xi32, #tpu.memory_space<vmem>>, vector<16xi32>,
    %add3A_685 = arith.addi %get3A_682, %get3A_684 : vector<16xi32>
    %get3A_686 = arith.constant 848 : index
    %get3A_687 = tpu.vector_load %arg7[%get3A_686] {strides = array<i32>} : memref<5120xi32, #tpu.memory_space<vmem>>, vector<16xi32>,
    %add3A_688 = arith.addi %add3A_685, %get3A_687 : vector<16xi32>
    %get3A_689 = arith.constant 1168 : index
    %get3A_690 = tpu.vector_load %arg7[%get3A_689] {strides = array<i32>} : memref<5120xi32, #tpu.memory_space<vmem>>, vector<16xi32>,
    %add3A_691 = arith.addi %add3A_688, %get3A_690 : vector<16xi32>
    %get3A_692 = arith.constant 1488 : index
    %get3A_693 = tpu.vector_load %arg7[%get3A_692] {strides = array<i32>} : memref<5120xi32, #tpu.memory_space<vmem>>, vector<16xi32>,
    %add3A_694 = arith.addi %add3A_691, %get3A_693 : vector<16xi32>
    %get3A_695 = arith.constant 1808 : index
    %get3A_696 = tpu.vector_load %arg7[%get3A_695] {strides = array<i32>} : memref<5120xi32, #tpu.memory_space<vmem>>, vector<16xi32>,
    %add3A_697 = arith.addi %add3A_694, %get3A_696 : vector<16xi32>
    %get3A_698 = arith.constant 2128 : index
    %get3A_699 = tpu.vector_load %arg7[%get3A_698] {strides = array<i32>} : memref<5120xi32, #tpu.memory_space<vmem>>, vector<16xi32>,
    %add3A_700 = arith.addi %add3A_697, %get3A_699 : vector<16xi32>
    %get3A_701 = arith.constant 2448 : index
    %get3A_702 = tpu.vector_load %arg7[%get3A_701] {strides = array<i32>} : memref<5120xi32, #tpu.memory_space<vmem>>, vector<16xi32>,
    %add3A_703 = arith.addi %add3A_700, %get3A_702 : vector<16xi32>
    %get3A_704 = arith.constant 2768 : index
    %get3A_705 = tpu.vector_load %arg7[%get3A_704] {strides = array<i32>} : memref<5120xi32, #tpu.memory_space<vmem>>, vector<16xi32>,
    %add3A_706 = arith.addi %add3A_703, %get3A_705 : vector<16xi32>
    %get3A_707 = arith.constant 3088 : index
    %get3A_708 = tpu.vector_load %arg7[%get3A_707] {strides = array<i32>} : memref<5120xi32, #tpu.memory_space<vmem>>, vector<16xi32>,
    %add3A_709 = arith.addi %add3A_706, %get3A_708 : vector<16xi32>
    %get3A_710 = arith.constant 3408 : index
    %get3A_711 = tpu.vector_load %arg7[%get3A_710] {strides = array<i32>} : memref<5120xi32, #tpu.memory_space<vmem>>, vector<16xi32>,
    %add3A_712 = arith.addi %add3A_709, %get3A_711 : vector<16xi32>
    %get3A_713 = arith.constant 3728 : index
    %get3A_714 = tpu.vector_load %arg7[%get3A_713] {strides = array<i32>} : memref<5120xi32, #tpu.memory_space<vmem>>, vector<16xi32>,
    %add3A_715 = arith.addi %add3A_712, %get3A_714 : vector<16xi32>
    %get3A_716 = arith.constant 4048 : index
    %get3A_717 = tpu.vector_load %arg7[%get3A_716] {strides = array<i32>} : memref<5120xi32, #tpu.memory_space<vmem>>, vector<16xi32>,
    %add3A_718 = arith.addi %add3A_715, %get3A_717 : vector<16xi32>
    %get3A_719 = arith.constant 4368 : index
    %get3A_720 = tpu.vector_load %arg7[%get3A_719] {strides = array<i32>} : memref<5120xi32, #tpu.memory_space<vmem>>, vector<16xi32>,
    %add3A_721 = arith.addi %add3A_718, %get3A_720 : vector<16xi32>
    %get3A_722 = arith.constant 4688 : index
    %get3A_723 = tpu.vector_load %arg7[%get3A_722] {strides = array<i32>} : memref<5120xi32, #tpu.memory_space<vmem>>, vector<16xi32>,
    %add3A_724 = arith.addi %add3A_721, %get3A_723 : vector<16xi32>
    %get3A_725 = arith.constant 5008 : index
    %get3A_726 = tpu.vector_load %arg7[%get3A_725] {strides = array<i32>} : memref<5120xi32, #tpu.memory_space<vmem>>, vector<16xi32>,
    %add3A_727 = arith.addi %add3A_724, %get3A_726 : vector<16xi32>
    %swap3A_728 = arith.constant 13 : i32
    %swap3A_729 = arith.index_cast %swap3A_728 : i32 to index
    %swap3A_730 = arith.constant 0 : index
    %swap3A_731 = tpu.vector_load %arg8[%swap3A_729, %swap3A_730] {strides = array<i32>} : memref<20x16xi32, #tpu.memory_space<vmem>>, vector<16xi32>,
    tpu.vector_store %arg8[%swap3A_729, %swap3A_730], %add3A_727 {strides = array<i32>} : memref<20x16xi32, #tpu.memory_space<vmem>>, vector<16xi32>,
    %get3A_732 = arith.constant 224 : index
    %get3A_733 = tpu.vector_load %arg7[%get3A_732] {strides = array<i32>} : memref<5120xi32, #tpu.memory_space<vmem>>, vector<16xi32>,
    %get3A_734 = arith.constant 544 : index
    %get3A_735 = tpu.vector_load %arg7[%get3A_734] {strides = array<i32>} : memref<5120xi32, #tpu.memory_space<vmem>>, vector<16xi32>,
    %add3A_736 = arith.addi %get3A_733, %get3A_735 : vector<16xi32>
    %get3A_737 = arith.constant 864 : index
    %get3A_738 = tpu.vector_load %arg7[%get3A_737] {strides = array<i32>} : memref<5120xi32, #tpu.memory_space<vmem>>, vector<16xi32>,
    %add3A_739 = arith.addi %add3A_736, %get3A_738 : vector<16xi32>
    %get3A_740 = arith.constant 1184 : index
    %get3A_741 = tpu.vector_load %arg7[%get3A_740] {strides = array<i32>} : memref<5120xi32, #tpu.memory_space<vmem>>, vector<16xi32>,
    %add3A_742 = arith.addi %add3A_739, %get3A_741 : vector<16xi32>
    %get3A_743 = arith.constant 1504 : index
    %get3A_744 = tpu.vector_load %arg7[%get3A_743] {strides = array<i32>} : memref<5120xi32, #tpu.memory_space<vmem>>, vector<16xi32>,
    %add3A_745 = arith.addi %add3A_742, %get3A_744 : vector<16xi32>
    %get3A_746 = arith.constant 1824 : index
    %get3A_747 = tpu.vector_load %arg7[%get3A_746] {strides = array<i32>} : memref<5120xi32, #tpu.memory_space<vmem>>, vector<16xi32>,
    %add3A_748 = arith.addi %add3A_745, %get3A_747 : vector<16xi32>
    %get3A_749 = arith.constant 2144 : index
    %get3A_750 = tpu.vector_load %arg7[%get3A_749] {strides = array<i32>} : memref<5120xi32, #tpu.memory_space<vmem>>, vector<16xi32>,
    %add3A_751 = arith.addi %add3A_748, %get3A_750 : vector<16xi32>
    %get3A_752 = arith.constant 2464 : index
    %get3A_753 = tpu.vector_load %arg7[%get3A_752] {strides = array<i32>} : memref<5120xi32, #tpu.memory_space<vmem>>, vector<16xi32>,
    %add3A_754 = arith.addi %add3A_751, %get3A_753 : vector<16xi32>
    %get3A_755 = arith.constant 2784 : index
    %get3A_756 = tpu.vector_load %arg7[%get3A_755] {strides = array<i32>} : memref<5120xi32, #tpu.memory_space<vmem>>, vector<16xi32>,
    %add3A_757 = arith.addi %add3A_754, %get3A_756 : vector<16xi32>
    %get3A_758 = arith.constant 3104 : index
    %get3A_759 = tpu.vector_load %arg7[%get3A_758] {strides = array<i32>} : memref<5120xi32, #tpu.memory_space<vmem>>, vector<16xi32>,
    %add3A_760 = arith.addi %add3A_757, %get3A_759 : vector<16xi32>
    %get3A_761 = arith.constant 3424 : index
    %get3A_762 = tpu.vector_load %arg7[%get3A_761] {strides = array<i32>} : memref<5120xi32, #tpu.memory_space<vmem>>, vector<16xi32>,
    %add3A_763 = arith.addi %add3A_760, %get3A_762 : vector<16xi32>
    %get3A_764 = arith.constant 3744 : index
    %get3A_765 = tpu.vector_load %arg7[%get3A_764] {strides = array<i32>} : memref<5120xi32, #tpu.memory_space<vmem>>, vector<16xi32>,
    %add3A_766 = arith.addi %add3A_763, %get3A_765 : vector<16xi32>
    %get3A_767 = arith.constant 4064 : index
    %get3A_768 = tpu.vector_load %arg7[%get3A_767] {strides = array<i32>} : memref<5120xi32, #tpu.memory_space<vmem>>, vector<16xi32>,
    %add3A_769 = arith.addi %add3A_766, %get3A_768 : vector<16xi32>
    %get3A_770 = arith.constant 4384 : index
    %get3A_771 = tpu.vector_load %arg7[%get3A_770] {strides = array<i32>} : memref<5120xi32, #tpu.memory_space<vmem>>, vector<16xi32>,
    %add3A_772 = arith.addi %add3A_769, %get3A_771 : vector<16xi32>
    %get3A_773 = arith.constant 4704 : index
    %get3A_774 = tpu.vector_load %arg7[%get3A_773] {strides = array<i32>} : memref<5120xi32, #tpu.memory_space<vmem>>, vector<16xi32>,
    %add3A_775 = arith.addi %add3A_772, %get3A_774 : vector<16xi32>
    %get3A_776 = arith.constant 5024 : index
    %get3A_777 = tpu.vector_load %arg7[%get3A_776] {strides = array<i32>} : memref<5120xi32, #tpu.memory_space<vmem>>, vector<16xi32>,
    %add3A_778 = arith.addi %add3A_775, %get3A_777 : vector<16xi32>
    %swap3A_779 = arith.constant 14 : i32
    %swap3A_780 = arith.index_cast %swap3A_779 : i32 to index
    %swap3A_781 = arith.constant 0 : index
    %swap3A_782 = tpu.vector_load %arg8[%swap3A_780, %swap3A_781] {strides = array<i32>} : memref<20x16xi32, #tpu.memory_space<vmem>>, vector<16xi32>,
    tpu.vector_store %arg8[%swap3A_780, %swap3A_781], %add3A_778 {strides = array<i32>} : memref<20x16xi32, #tpu.memory_space<vmem>>, vector<16xi32>,
    %get3A_783 = arith.constant 240 : index
    %get3A_784 = tpu.vector_load %arg7[%get3A_783] {strides = array<i32>} : memref<5120xi32, #tpu.memory_space<vmem>>, vector<16xi32>,
    %get3A_785 = arith.constant 560 : index
    %get3A_786 = tpu.vector_load %arg7[%get3A_785] {strides = array<i32>} : memref<5120xi32, #tpu.memory_space<vmem>>, vector<16xi32>,
    %add3A_787 = arith.addi %get3A_784, %get3A_786 : vector<16xi32>
    %get3A_788 = arith.constant 880 : index
    %get3A_789 = tpu.vector_load %arg7[%get3A_788] {strides = array<i32>} : memref<5120xi32, #tpu.memory_space<vmem>>, vector<16xi32>,
    %add3A_790 = arith.addi %add3A_787, %get3A_789 : vector<16xi32>
    %get3A_791 = arith.constant 1200 : index
    %get3A_792 = tpu.vector_load %arg7[%get3A_791] {strides = array<i32>} : memref<5120xi32, #tpu.memory_space<vmem>>, vector<16xi32>,
    %add3A_793 = arith.addi %add3A_790, %get3A_792 : vector<16xi32>
    %get3A_794 = arith.constant 1520 : index
    %get3A_795 = tpu.vector_load %arg7[%get3A_794] {strides = array<i32>} : memref<5120xi32, #tpu.memory_space<vmem>>, vector<16xi32>,
    %add3A_796 = arith.addi %add3A_793, %get3A_795 : vector<16xi32>
    %get3A_797 = arith.constant 1840 : index
    %get3A_798 = tpu.vector_load %arg7[%get3A_797] {strides = array<i32>} : memref<5120xi32, #tpu.memory_space<vmem>>, vector<16xi32>,
    %add3A_799 = arith.addi %add3A_796, %get3A_798 : vector<16xi32>
    %get3A_800 = arith.constant 2160 : index
    %get3A_801 = tpu.vector_load %arg7[%get3A_800] {strides = array<i32>} : memref<5120xi32, #tpu.memory_space<vmem>>, vector<16xi32>,
    %add3A_802 = arith.addi %add3A_799, %get3A_801 : vector<16xi32>
    %get3A_803 = arith.constant 2480 : index
    %get3A_804 = tpu.vector_load %arg7[%get3A_803] {strides = array<i32>} : memref<5120xi32, #tpu.memory_space<vmem>>, vector<16xi32>,
    %add3A_805 = arith.addi %add3A_802, %get3A_804 : vector<16xi32>
    %get3A_806 = arith.constant 2800 : index
    %get3A_807 = tpu.vector_load %arg7[%get3A_806] {strides = array<i32>} : memref<5120xi32, #tpu.memory_space<vmem>>, vector<16xi32>,
    %add3A_808 = arith.addi %add3A_805, %get3A_807 : vector<16xi32>
    %get3A_809 = arith.constant 3120 : index
    %get3A_810 = tpu.vector_load %arg7[%get3A_809] {strides = array<i32>} : memref<5120xi32, #tpu.memory_space<vmem>>, vector<16xi32>,
    %add3A_811 = arith.addi %add3A_808, %get3A_810 : vector<16xi32>
    %get3A_812 = arith.constant 3440 : index
    %get3A_813 = tpu.vector_load %arg7[%get3A_812] {strides = array<i32>} : memref<5120xi32, #tpu.memory_space<vmem>>, vector<16xi32>,
    %add3A_814 = arith.addi %add3A_811, %get3A_813 : vector<16xi32>
    %get3A_815 = arith.constant 3760 : index
    %get3A_816 = tpu.vector_load %arg7[%get3A_815] {strides = array<i32>} : memref<5120xi32, #tpu.memory_space<vmem>>, vector<16xi32>,
    %add3A_817 = arith.addi %add3A_814, %get3A_816 : vector<16xi32>
    %get3A_818 = arith.constant 4080 : index
    %get3A_819 = tpu.vector_load %arg7[%get3A_818] {strides = array<i32>} : memref<5120xi32, #tpu.memory_space<vmem>>, vector<16xi32>,
    %add3A_820 = arith.addi %add3A_817, %get3A_819 : vector<16xi32>
    %get3A_821 = arith.constant 4400 : index
    %get3A_822 = tpu.vector_load %arg7[%get3A_821] {strides = array<i32>} : memref<5120xi32, #tpu.memory_space<vmem>>, vector<16xi32>,
    %add3A_823 = arith.addi %add3A_820, %get3A_822 : vector<16xi32>
    %get3A_824 = arith.constant 4720 : index
    %get3A_825 = tpu.vector_load %arg7[%get3A_824] {strides = array<i32>} : memref<5120xi32, #tpu.memory_space<vmem>>, vector<16xi32>,
    %add3A_826 = arith.addi %add3A_823, %get3A_825 : vector<16xi32>
    %get3A_827 = arith.constant 5040 : index
    %get3A_828 = tpu.vector_load %arg7[%get3A_827] {strides = array<i32>} : memref<5120xi32, #tpu.memory_space<vmem>>, vector<16xi32>,
    %add3A_829 = arith.addi %add3A_826, %get3A_828 : vector<16xi32>
    %swap3A_830 = arith.constant 15 : i32
    %swap3A_831 = arith.index_cast %swap3A_830 : i32 to index
    %swap3A_832 = arith.constant 0 : index
    %swap3A_833 = tpu.vector_load %arg8[%swap3A_831, %swap3A_832] {strides = array<i32>} : memref<20x16xi32, #tpu.memory_space<vmem>>, vector<16xi32>,
    tpu.vector_store %arg8[%swap3A_831, %swap3A_832], %add3A_829 {strides = array<i32>} : memref<20x16xi32, #tpu.memory_space<vmem>>, vector<16xi32>,
    %get3A_834 = arith.constant 256 : index
    %get3A_835 = tpu.vector_load %arg7[%get3A_834] {strides = array<i32>} : memref<5120xi32, #tpu.memory_space<vmem>>, vector<16xi32>,
    %get3A_836 = arith.constant 576 : index
    %get3A_837 = tpu.vector_load %arg7[%get3A_836] {strides = array<i32>} : memref<5120xi32, #tpu.memory_space<vmem>>, vector<16xi32>,
    %add3A_838 = arith.addi %get3A_835, %get3A_837 : vector<16xi32>
    %get3A_839 = arith.constant 896 : index
    %get3A_840 = tpu.vector_load %arg7[%get3A_839] {strides = array<i32>} : memref<5120xi32, #tpu.memory_space<vmem>>, vector<16xi32>,
    %add3A_841 = arith.addi %add3A_838, %get3A_840 : vector<16xi32>
    %get3A_842 = arith.constant 1216 : index
    %get3A_843 = tpu.vector_load %arg7[%get3A_842] {strides = array<i32>} : memref<5120xi32, #tpu.memory_space<vmem>>, vector<16xi32>,
    %add3A_844 = arith.addi %add3A_841, %get3A_843 : vector<16xi32>
    %get3A_845 = arith.constant 1536 : index
    %get3A_846 = tpu.vector_load %arg7[%get3A_845] {strides = array<i32>} : memref<5120xi32, #tpu.memory_space<vmem>>, vector<16xi32>,
    %add3A_847 = arith.addi %add3A_844, %get3A_846 : vector<16xi32>
    %get3A_848 = arith.constant 1856 : index
    %get3A_849 = tpu.vector_load %arg7[%get3A_848] {strides = array<i32>} : memref<5120xi32, #tpu.memory_space<vmem>>, vector<16xi32>,
    %add3A_850 = arith.addi %add3A_847, %get3A_849 : vector<16xi32>
    %get3A_851 = arith.constant 2176 : index
    %get3A_852 = tpu.vector_load %arg7[%get3A_851] {strides = array<i32>} : memref<5120xi32, #tpu.memory_space<vmem>>, vector<16xi32>,
    %add3A_853 = arith.addi %add3A_850, %get3A_852 : vector<16xi32>
    %get3A_854 = arith.constant 2496 : index
    %get3A_855 = tpu.vector_load %arg7[%get3A_854] {strides = array<i32>} : memref<5120xi32, #tpu.memory_space<vmem>>, vector<16xi32>,
    %add3A_856 = arith.addi %add3A_853, %get3A_855 : vector<16xi32>
    %get3A_857 = arith.constant 2816 : index
    %get3A_858 = tpu.vector_load %arg7[%get3A_857] {strides = array<i32>} : memref<5120xi32, #tpu.memory_space<vmem>>, vector<16xi32>,
    %add3A_859 = arith.addi %add3A_856, %get3A_858 : vector<16xi32>
    %get3A_860 = arith.constant 3136 : index
    %get3A_861 = tpu.vector_load %arg7[%get3A_860] {strides = array<i32>} : memref<5120xi32, #tpu.memory_space<vmem>>, vector<16xi32>,
    %add3A_862 = arith.addi %add3A_859, %get3A_861 : vector<16xi32>
    %get3A_863 = arith.constant 3456 : index
    %get3A_864 = tpu.vector_load %arg7[%get3A_863] {strides = array<i32>} : memref<5120xi32, #tpu.memory_space<vmem>>, vector<16xi32>,
    %add3A_865 = arith.addi %add3A_862, %get3A_864 : vector<16xi32>
    %get3A_866 = arith.constant 3776 : index
    %get3A_867 = tpu.vector_load %arg7[%get3A_866] {strides = array<i32>} : memref<5120xi32, #tpu.memory_space<vmem>>, vector<16xi32>,
    %add3A_868 = arith.addi %add3A_865, %get3A_867 : vector<16xi32>
    %get3A_869 = arith.constant 4096 : index
    %get3A_870 = tpu.vector_load %arg7[%get3A_869] {strides = array<i32>} : memref<5120xi32, #tpu.memory_space<vmem>>, vector<16xi32>,
    %add3A_871 = arith.addi %add3A_868, %get3A_870 : vector<16xi32>
    %get3A_872 = arith.constant 4416 : index
    %get3A_873 = tpu.vector_load %arg7[%get3A_872] {strides = array<i32>} : memref<5120xi32, #tpu.memory_space<vmem>>, vector<16xi32>,
    %add3A_874 = arith.addi %add3A_871, %get3A_873 : vector<16xi32>
    %get3A_875 = arith.constant 4736 : index
    %get3A_876 = tpu.vector_load %arg7[%get3A_875] {strides = array<i32>} : memref<5120xi32, #tpu.memory_space<vmem>>, vector<16xi32>,
    %add3A_877 = arith.addi %add3A_874, %get3A_876 : vector<16xi32>
    %get3A_878 = arith.constant 5056 : index
    %get3A_879 = tpu.vector_load %arg7[%get3A_878] {strides = array<i32>} : memref<5120xi32, #tpu.memory_space<vmem>>, vector<16xi32>,
    %add3A_880 = arith.addi %add3A_877, %get3A_879 : vector<16xi32>
    %swap3A_881 = arith.constant 16 : i32
    %swap3A_882 = arith.index_cast %swap3A_881 : i32 to index
    %swap3A_883 = arith.constant 0 : index
    %swap3A_884 = tpu.vector_load %arg8[%swap3A_882, %swap3A_883] {strides = array<i32>} : memref<20x16xi32, #tpu.memory_space<vmem>>, vector<16xi32>,
    tpu.vector_store %arg8[%swap3A_882, %swap3A_883], %add3A_880 {strides = array<i32>} : memref<20x16xi32, #tpu.memory_space<vmem>>, vector<16xi32>,
    %get3A_885 = arith.constant 272 : index
    %get3A_886 = tpu.vector_load %arg7[%get3A_885] {strides = array<i32>} : memref<5120xi32, #tpu.memory_space<vmem>>, vector<16xi32>,
    %get3A_887 = arith.constant 592 : index
    %get3A_888 = tpu.vector_load %arg7[%get3A_887] {strides = array<i32>} : memref<5120xi32, #tpu.memory_space<vmem>>, vector<16xi32>,
    %add3A_889 = arith.addi %get3A_886, %get3A_888 : vector<16xi32>
    %get3A_890 = arith.constant 912 : index
    %get3A_891 = tpu.vector_load %arg7[%get3A_890] {strides = array<i32>} : memref<5120xi32, #tpu.memory_space<vmem>>, vector<16xi32>,
    %add3A_892 = arith.addi %add3A_889, %get3A_891 : vector<16xi32>
    %get3A_893 = arith.constant 1232 : index
    %get3A_894 = tpu.vector_load %arg7[%get3A_893] {strides = array<i32>} : memref<5120xi32, #tpu.memory_space<vmem>>, vector<16xi32>,
    %add3A_895 = arith.addi %add3A_892, %get3A_894 : vector<16xi32>
    %get3A_896 = arith.constant 1552 : index
    %get3A_897 = tpu.vector_load %arg7[%get3A_896] {strides = array<i32>} : memref<5120xi32, #tpu.memory_space<vmem>>, vector<16xi32>,
    %add3A_898 = arith.addi %add3A_895, %get3A_897 : vector<16xi32>
    %get3A_899 = arith.constant 1872 : index
    %get3A_900 = tpu.vector_load %arg7[%get3A_899] {strides = array<i32>} : memref<5120xi32, #tpu.memory_space<vmem>>, vector<16xi32>,
    %add3A_901 = arith.addi %add3A_898, %get3A_900 : vector<16xi32>
    %get3A_902 = arith.constant 2192 : index
    %get3A_903 = tpu.vector_load %arg7[%get3A_902] {strides = array<i32>} : memref<5120xi32, #tpu.memory_space<vmem>>, vector<16xi32>,
    %add3A_904 = arith.addi %add3A_901, %get3A_903 : vector<16xi32>
    %get3A_905 = arith.constant 2512 : index
    %get3A_906 = tpu.vector_load %arg7[%get3A_905] {strides = array<i32>} : memref<5120xi32, #tpu.memory_space<vmem>>, vector<16xi32>,
    %add3A_907 = arith.addi %add3A_904, %get3A_906 : vector<16xi32>
    %get3A_908 = arith.constant 2832 : index
    %get3A_909 = tpu.vector_load %arg7[%get3A_908] {strides = array<i32>} : memref<5120xi32, #tpu.memory_space<vmem>>, vector<16xi32>,
    %add3A_910 = arith.addi %add3A_907, %get3A_909 : vector<16xi32>
    %get3A_911 = arith.constant 3152 : index
    %get3A_912 = tpu.vector_load %arg7[%get3A_911] {strides = array<i32>} : memref<5120xi32, #tpu.memory_space<vmem>>, vector<16xi32>,
    %add3A_913 = arith.addi %add3A_910, %get3A_912 : vector<16xi32>
    %get3A_914 = arith.constant 3472 : index
    %get3A_915 = tpu.vector_load %arg7[%get3A_914] {strides = array<i32>} : memref<5120xi32, #tpu.memory_space<vmem>>, vector<16xi32>,
    %add3A_916 = arith.addi %add3A_913, %get3A_915 : vector<16xi32>
    %get3A_917 = arith.constant 3792 : index
    %get3A_918 = tpu.vector_load %arg7[%get3A_917] {strides = array<i32>} : memref<5120xi32, #tpu.memory_space<vmem>>, vector<16xi32>,
    %add3A_919 = arith.addi %add3A_916, %get3A_918 : vector<16xi32>
    %get3A_920 = arith.constant 4112 : index
    %get3A_921 = tpu.vector_load %arg7[%get3A_920] {strides = array<i32>} : memref<5120xi32, #tpu.memory_space<vmem>>, vector<16xi32>,
    %add3A_922 = arith.addi %add3A_919, %get3A_921 : vector<16xi32>
    %get3A_923 = arith.constant 4432 : index
    %get3A_924 = tpu.vector_load %arg7[%get3A_923] {strides = array<i32>} : memref<5120xi32, #tpu.memory_space<vmem>>, vector<16xi32>,
    %add3A_925 = arith.addi %add3A_922, %get3A_924 : vector<16xi32>
    %get3A_926 = arith.constant 4752 : index
    %get3A_927 = tpu.vector_load %arg7[%get3A_926] {strides = array<i32>} : memref<5120xi32, #tpu.memory_space<vmem>>, vector<16xi32>,
    %add3A_928 = arith.addi %add3A_925, %get3A_927 : vector<16xi32>
    %get3A_929 = arith.constant 5072 : index
    %get3A_930 = tpu.vector_load %arg7[%get3A_929] {strides = array<i32>} : memref<5120xi32, #tpu.memory_space<vmem>>, vector<16xi32>,
    %add3A_931 = arith.addi %add3A_928, %get3A_930 : vector<16xi32>
    %swap3A_932 = arith.constant 17 : i32
    %swap3A_933 = arith.index_cast %swap3A_932 : i32 to index
    %swap3A_934 = arith.constant 0 : index
    %swap3A_935 = tpu.vector_load %arg8[%swap3A_933, %swap3A_934] {strides = array<i32>} : memref<20x16xi32, #tpu.memory_space<vmem>>, vector<16xi32>,
    tpu.vector_store %arg8[%swap3A_933, %swap3A_934], %add3A_931 {strides = array<i32>} : memref<20x16xi32, #tpu.memory_space<vmem>>, vector<16xi32>,
    %get3A_936 = arith.constant 288 : index
    %get3A_937 = tpu.vector_load %arg7[%get3A_936] {strides = array<i32>} : memref<5120xi32, #tpu.memory_space<vmem>>, vector<16xi32>,
    %get3A_938 = arith.constant 608 : index
    %get3A_939 = tpu.vector_load %arg7[%get3A_938] {strides = array<i32>} : memref<5120xi32, #tpu.memory_space<vmem>>, vector<16xi32>,
    %add3A_940 = arith.addi %get3A_937, %get3A_939 : vector<16xi32>
    %get3A_941 = arith.constant 928 : index
    %get3A_942 = tpu.vector_load %arg7[%get3A_941] {strides = array<i32>} : memref<5120xi32, #tpu.memory_space<vmem>>, vector<16xi32>,
    %add3A_943 = arith.addi %add3A_940, %get3A_942 : vector<16xi32>
    %get3A_944 = arith.constant 1248 : index
    %get3A_945 = tpu.vector_load %arg7[%get3A_944] {strides = array<i32>} : memref<5120xi32, #tpu.memory_space<vmem>>, vector<16xi32>,
    %add3A_946 = arith.addi %add3A_943, %get3A_945 : vector<16xi32>
    %get3A_947 = arith.constant 1568 : index
    %get3A_948 = tpu.vector_load %arg7[%get3A_947] {strides = array<i32>} : memref<5120xi32, #tpu.memory_space<vmem>>, vector<16xi32>,
    %add3A_949 = arith.addi %add3A_946, %get3A_948 : vector<16xi32>
    %get3A_950 = arith.constant 1888 : index
    %get3A_951 = tpu.vector_load %arg7[%get3A_950] {strides = array<i32>} : memref<5120xi32, #tpu.memory_space<vmem>>, vector<16xi32>,
    %add3A_952 = arith.addi %add3A_949, %get3A_951 : vector<16xi32>
    %get3A_953 = arith.constant 2208 : index
    %get3A_954 = tpu.vector_load %arg7[%get3A_953] {strides = array<i32>} : memref<5120xi32, #tpu.memory_space<vmem>>, vector<16xi32>,
    %add3A_955 = arith.addi %add3A_952, %get3A_954 : vector<16xi32>
    %get3A_956 = arith.constant 2528 : index
    %get3A_957 = tpu.vector_load %arg7[%get3A_956] {strides = array<i32>} : memref<5120xi32, #tpu.memory_space<vmem>>, vector<16xi32>,
    %add3A_958 = arith.addi %add3A_955, %get3A_957 : vector<16xi32>
    %get3A_959 = arith.constant 2848 : index
    %get3A_960 = tpu.vector_load %arg7[%get3A_959] {strides = array<i32>} : memref<5120xi32, #tpu.memory_space<vmem>>, vector<16xi32>,
    %add3A_961 = arith.addi %add3A_958, %get3A_960 : vector<16xi32>
    %get3A_962 = arith.constant 3168 : index
    %get3A_963 = tpu.vector_load %arg7[%get3A_962] {strides = array<i32>} : memref<5120xi32, #tpu.memory_space<vmem>>, vector<16xi32>,
    %add3A_964 = arith.addi %add3A_961, %get3A_963 : vector<16xi32>
    %get3A_965 = arith.constant 3488 : index
    %get3A_966 = tpu.vector_load %arg7[%get3A_965] {strides = array<i32>} : memref<5120xi32, #tpu.memory_space<vmem>>, vector<16xi32>,
    %add3A_967 = arith.addi %add3A_964, %get3A_966 : vector<16xi32>
    %get3A_968 = arith.constant 3808 : index
    %get3A_969 = tpu.vector_load %arg7[%get3A_968] {strides = array<i32>} : memref<5120xi32, #tpu.memory_space<vmem>>, vector<16xi32>,
    %add3A_970 = arith.addi %add3A_967, %get3A_969 : vector<16xi32>
    %get3A_971 = arith.constant 4128 : index
    %get3A_972 = tpu.vector_load %arg7[%get3A_971] {strides = array<i32>} : memref<5120xi32, #tpu.memory_space<vmem>>, vector<16xi32>,
    %add3A_973 = arith.addi %add3A_970, %get3A_972 : vector<16xi32>
    %get3A_974 = arith.constant 4448 : index
    %get3A_975 = tpu.vector_load %arg7[%get3A_974] {strides = array<i32>} : memref<5120xi32, #tpu.memory_space<vmem>>, vector<16xi32>,
    %add3A_976 = arith.addi %add3A_973, %get3A_975 : vector<16xi32>
    %get3A_977 = arith.constant 4768 : index
    %get3A_978 = tpu.vector_load %arg7[%get3A_977] {strides = array<i32>} : memref<5120xi32, #tpu.memory_space<vmem>>, vector<16xi32>,
    %add3A_979 = arith.addi %add3A_976, %get3A_978 : vector<16xi32>
    %get3A_980 = arith.constant 5088 : index
    %get3A_981 = tpu.vector_load %arg7[%get3A_980] {strides = array<i32>} : memref<5120xi32, #tpu.memory_space<vmem>>, vector<16xi32>,
    %add3A_982 = arith.addi %add3A_979, %get3A_981 : vector<16xi32>
    %swap3A_983 = arith.constant 18 : i32
    %swap3A_984 = arith.index_cast %swap3A_983 : i32 to index
    %swap3A_985 = arith.constant 0 : index
    %swap3A_986 = tpu.vector_load %arg8[%swap3A_984, %swap3A_985] {strides = array<i32>} : memref<20x16xi32, #tpu.memory_space<vmem>>, vector<16xi32>,
    tpu.vector_store %arg8[%swap3A_984, %swap3A_985], %add3A_982 {strides = array<i32>} : memref<20x16xi32, #tpu.memory_space<vmem>>, vector<16xi32>,
    %get3A_987 = arith.constant 304 : index
    %get3A_988 = tpu.vector_load %arg7[%get3A_987] {strides = array<i32>} : memref<5120xi32, #tpu.memory_space<vmem>>, vector<16xi32>,
    %get3A_989 = arith.constant 624 : index
    %get3A_990 = tpu.vector_load %arg7[%get3A_989] {strides = array<i32>} : memref<5120xi32, #tpu.memory_space<vmem>>, vector<16xi32>,
    %add3A_991 = arith.addi %get3A_988, %get3A_990 : vector<16xi32>
    %get3A_992 = arith.constant 944 : index
    %get3A_993 = tpu.vector_load %arg7[%get3A_992] {strides = array<i32>} : memref<5120xi32, #tpu.memory_space<vmem>>, vector<16xi32>,
    %add3A_994 = arith.addi %add3A_991, %get3A_993 : vector<16xi32>
    %get3A_995 = arith.constant 1264 : index
    %get3A_996 = tpu.vector_load %arg7[%get3A_995] {strides = array<i32>} : memref<5120xi32, #tpu.memory_space<vmem>>, vector<16xi32>,
    %add3A_997 = arith.addi %add3A_994, %get3A_996 : vector<16xi32>
    %get3A_998 = arith.constant 1584 : index
    %get3A_999 = tpu.vector_load %arg7[%get3A_998] {strides = array<i32>} : memref<5120xi32, #tpu.memory_space<vmem>>, vector<16xi32>,
    %add3A_1000 = arith.addi %add3A_997, %get3A_999 : vector<16xi32>
    %get3A_1001 = arith.constant 1904 : index
    %get3A_1002 = tpu.vector_load %arg7[%get3A_1001] {strides = array<i32>} : memref<5120xi32, #tpu.memory_space<vmem>>, vector<16xi32>,
    %add3A_1003 = arith.addi %add3A_1000, %get3A_1002 : vector<16xi32>
    %get3A_1004 = arith.constant 2224 : index
    %get3A_1005 = tpu.vector_load %arg7[%get3A_1004] {strides = array<i32>} : memref<5120xi32, #tpu.memory_space<vmem>>, vector<16xi32>,
    %add3A_1006 = arith.addi %add3A_1003, %get3A_1005 : vector<16xi32>
    %get3A_1007 = arith.constant 2544 : index
    %get3A_1008 = tpu.vector_load %arg7[%get3A_1007] {strides = array<i32>} : memref<5120xi32, #tpu.memory_space<vmem>>, vector<16xi32>,
    %add3A_1009 = arith.addi %add3A_1006, %get3A_1008 : vector<16xi32>
    %get3A_1010 = arith.constant 2864 : index
    %get3A_1011 = tpu.vector_load %arg7[%get3A_1010] {strides = array<i32>} : memref<5120xi32, #tpu.memory_space<vmem>>, vector<16xi32>,
    %add3A_1012 = arith.addi %add3A_1009, %get3A_1011 : vector<16xi32>
    %get3A_1013 = arith.constant 3184 : index
    %get3A_1014 = tpu.vector_load %arg7[%get3A_1013] {strides = array<i32>} : memref<5120xi32, #tpu.memory_space<vmem>>, vector<16xi32>,
    %add3A_1015 = arith.addi %add3A_1012, %get3A_1014 : vector<16xi32>
    %get3A_1016 = arith.constant 3504 : index
    %get3A_1017 = tpu.vector_load %arg7[%get3A_1016] {strides = array<i32>} : memref<5120xi32, #tpu.memory_space<vmem>>, vector<16xi32>,
    %add3A_1018 = arith.addi %add3A_1015, %get3A_1017 : vector<16xi32>
    %get3A_1019 = arith.constant 3824 : index
    %get3A_1020 = tpu.vector_load %arg7[%get3A_1019] {strides = array<i32>} : memref<5120xi32, #tpu.memory_space<vmem>>, vector<16xi32>,
    %add3A_1021 = arith.addi %add3A_1018, %get3A_1020 : vector<16xi32>
    %get3A_1022 = arith.constant 4144 : index
    %get3A_1023 = tpu.vector_load %arg7[%get3A_1022] {strides = array<i32>} : memref<5120xi32, #tpu.memory_space<vmem>>, vector<16xi32>,
    %add3A_1024 = arith.addi %add3A_1021, %get3A_1023 : vector<16xi32>
    %get3A_1025 = arith.constant 4464 : index
    %get3A_1026 = tpu.vector_load %arg7[%get3A_1025] {strides = array<i32>} : memref<5120xi32, #tpu.memory_space<vmem>>, vector<16xi32>,
    %add3A_1027 = arith.addi %add3A_1024, %get3A_1026 : vector<16xi32>
    %get3A_1028 = arith.constant 4784 : index
    %get3A_1029 = tpu.vector_load %arg7[%get3A_1028] {strides = array<i32>} : memref<5120xi32, #tpu.memory_space<vmem>>, vector<16xi32>,
    %add3A_1030 = arith.addi %add3A_1027, %get3A_1029 : vector<16xi32>
    %get3A_1031 = arith.constant 5104 : index
    %get3A_1032 = tpu.vector_load %arg7[%get3A_1031] {strides = array<i32>} : memref<5120xi32, #tpu.memory_space<vmem>>, vector<16xi32>,
    %add3A_1033 = arith.addi %add3A_1030, %get3A_1032 : vector<16xi32>
    %swap3A_1034 = arith.constant 19 : i32
    %swap3A_1035 = arith.index_cast %swap3A_1034 : i32 to index
    %swap3A_1036 = arith.constant 0 : index
    %swap3A_1037 = tpu.vector_load %arg8[%swap3A_1035, %swap3A_1036] {strides = array<i32>} : memref<20x16xi32, #tpu.memory_space<vmem>>, vector<16xi32>,
    tpu.vector_store %arg8[%swap3A_1035, %swap3A_1036], %add3A_1033 {strides = array<i32>} : memref<20x16xi32, #tpu.memory_space<vmem>>, vector<16xi32>,
    "tpu.region"() ({
      %run_scoped3A = tpu.sem_alloc : memref<!tpu.dma_semaphore, #tpu.memory_space<semaphore_mem>>
      %dma_start3A = arith.constant 0 : i32
      %dma_start3A_1038 = arith.constant 0 : i32
      %dma_start3A_1039 = tpu.memref_slice %arg4[%add3A, %dma_start3A, %dma_start3A_1038] : memref<32x20x16xi32, #tpu.memory_space<hbm>> -> memref<1x20x16xi32, #tpu.memory_space<hbm>>
      %dma_start3A_1040 = tpu.memref_squeeze %dma_start3A_1039 : memref<1x20x16xi32, #tpu.memory_space<hbm>> -> memref<20x16xi32, #tpu.memory_space<hbm>>
      %dma_start3A_1041 = arith.constant 0 : i32
      %dma_start3A_1042 = arith.constant 0 : i32
      %dma_start3A_1043 = tpu.memref_slice %arg4[%add3A, %dma_start3A_1041, %dma_start3A_1042] : memref<32x20x16xi32, #tpu.memory_space<hbm>> -> memref<1x20x16xi32, #tpu.memory_space<hbm>>
      %dma_start3A_1044 = tpu.memref_squeeze %dma_start3A_1043 : memref<1x20x16xi32, #tpu.memory_space<hbm>> -> memref<20x16xi32, #tpu.memory_space<hbm>>
      tpu.enqueue_dma source(%arg8 : memref<20x16xi32, #tpu.memory_space<vmem>>) target(%dma_start3A_1044 : memref<20x16xi32, #tpu.memory_space<hbm>>) target_semaphore(%run_scoped3A : memref<!tpu.dma_semaphore, #tpu.memory_space<semaphore_mem>>)
      %dma_wait3A = arith.constant 0 : i32
      %dma_wait3A_1045 = arith.constant 0 : i32
      %dma_wait3A_1046 = tpu.memref_slice %arg4[%add3A, %dma_wait3A, %dma_wait3A_1045] : memref<32x20x16xi32, #tpu.memory_space<hbm>> -> memref<1x20x16xi32, #tpu.memory_space<hbm>>
      %dma_wait3A_1047 = tpu.memref_squeeze %dma_wait3A_1046 : memref<1x20x16xi32, #tpu.memory_space<hbm>> -> memref<20x16xi32, #tpu.memory_space<hbm>>
      %dma_wait3A_1048 = arith.constant 0 : i32
      %dma_wait3A_1049 = arith.constant 0 : i32
      %dma_wait3A_1050 = tpu.memref_slice %arg4[%add3A, %dma_wait3A_1048, %dma_wait3A_1049] : memref<32x20x16xi32, #tpu.memory_space<hbm>> -> memref<1x20x16xi32, #tpu.memory_space<hbm>>
      %dma_wait3A_1051 = tpu.memref_squeeze %dma_wait3A_1050 : memref<1x20x16xi32, #tpu.memory_space<hbm>> -> memref<20x16xi32, #tpu.memory_space<hbm>>
      tpu.wait_dma2 semaphore(%run_scoped3A : memref<!tpu.dma_semaphore, #tpu.memory_space<semaphore_mem>>) src(%arg8 : memref<20x16xi32, #tpu.memory_space<vmem>>) dst(%dma_wait3A_1051 : memref<20x16xi32, #tpu.memory_space<hbm>>)
      tpu.yield
    }) : () -> ()
    return
  }
}

module attributes {stable_mosaic.version = 14 : i64} {
  func.func @_final_body(%arg0: i32, %arg1: memref<8x1xi32, #tpu.memory_space<smem>>, %arg2: memref<32x128x128xi32, #tpu.memory_space<vmem>>, %arg3: memref<32x128x128xi32, #tpu.memory_space<vmem>>, %arg4: memref<32x128x128xi32, #tpu.memory_space<vmem>>, %arg5: memref<32x128x128xi32, #tpu.memory_space<vmem>>, %arg6: memref<32x128x128xi32, #tpu.memory_space<vmem>>) attributes {dimension_semantics = [#tpu.dimension_semantics<arbitrary>], iteration_bounds = array<i64: 4>, scalar_prefetch = 0 : i64, scratch_operands = 0 : i64, tpu.core_type = #tpu.core_type<tc>, window_params = [{transform_indices = @transform_0, window_bounds = array<i64: 8, 1>}, {transform_indices = @transform_1, window_bounds = array<i64: 32, 128, 128>}, {transform_indices = @transform_2, window_bounds = array<i64: 32, 128, 128>}, {transform_indices = @transform_3, window_bounds = array<i64: 32, 128, 128>}, {transform_indices = @transform_4, window_bounds = array<i64: 32, 128, 128>}, {transform_indices = @transform_5, window_bounds = array<i64: 32, 128, 128>}]} {
    %get3A = arith.constant 0 : index
    %get3A_0 = arith.constant 0 : index
    %get3A_1 = arith.constant 0 : index
    %get3A_2 = vector.load %arg3[%get3A, %get3A_0, %get3A_1] : memref<32x128x128xi32, #tpu.memory_space<vmem>>, vector<32x128x128xi32>
    %get3A_3 = arith.constant 29 : index
    %get3A_4 = arith.constant 0 : index
    %get3A_5 = arith.constant 0 : index
    %get3A_6 = vector.load %arg2[%get3A_3, %get3A_4, %get3A_5] : memref<32x128x128xi32, #tpu.memory_space<vmem>>, vector<3x128x128xi32>
    %get3A_7 = arith.constant 0 : index
    %get3A_8 = arith.constant 0 : index
    %get3A_9 = arith.constant 0 : index
    %get3A_10 = vector.load %arg4[%get3A_7, %get3A_8, %get3A_9] : memref<32x128x128xi32, #tpu.memory_space<vmem>>, vector<2x128x128xi32>
    %concatenate3A = tpu.concatenate %get3A_6, %get3A_2, %get3A_10 in 0 : vector<3x128x128xi32>, vector<32x128x128xi32>, vector<2x128x128xi32> -> vector<37x128x128xi32>
    %iota3A = tpu.iota {dimensions = array<i32: 0>} : vector<37x128x128xi32>
    %mul3A = arith.constant 32 : i32
    %mul3A_11 = arith.muli %arg0, %mul3A : i32
    %sub3A = arith.constant 3 : i32
    %sub3A_12 = arith.subi %mul3A_11, %sub3A : i32
    %add3A = vector.broadcast %sub3A_12 : i32 to vector<37x128x128xi32>
    %add3A_13 = arith.addi %add3A, %iota3A : vector<37x128x128xi32>
    %lt3A = arith.constant 0 : i32
    %lt3A_14 = vector.broadcast %lt3A : i32 to vector<37x128x128xi32>
    %lt3A_15 = arith.cmpi slt, %add3A_13, %lt3A_14 : vector<37x128x128xi32>
    %get3A_16 = arith.constant 0 : index
    %get3A_17 = arith.constant 0 : index
    %get3A_18 = arith.constant 0 : index
    %get3A_19 = vector.load %arg3[%get3A_16, %get3A_17, %get3A_18] : memref<32x128x128xi32, #tpu.memory_space<vmem>>, vector<1x128x128xi32>
    %broadcast_in_dim3A = vector.shape_cast %get3A_19 : vector<1x128x128xi32> to vector<1x128x128xi32>
    %broadcast_in_dim3A_20 = vector.broadcast %broadcast_in_dim3A : vector<1x128x128xi32> to vector<37x128x128xi32>
    %select_n3A = arith.select %lt3A_15, %broadcast_in_dim3A_20, %concatenate3A : vector<37x128x128xi1>, vector<37x128x128xi32>
    %gt3A = arith.constant 127 : i32
    %gt3A_21 = vector.broadcast %gt3A : i32 to vector<37x128x128xi32>
    %gt3A_22 = arith.cmpi sgt, %add3A_13, %gt3A_21 : vector<37x128x128xi32>
    %get3A_23 = arith.constant 31 : index
    %get3A_24 = arith.constant 0 : index
    %get3A_25 = arith.constant 0 : index
    %get3A_26 = vector.load %arg3[%get3A_23, %get3A_24, %get3A_25] : memref<32x128x128xi32, #tpu.memory_space<vmem>>, vector<1x128x128xi32>
    %broadcast_in_dim3A_27 = vector.shape_cast %get3A_26 : vector<1x128x128xi32> to vector<1x128x128xi32>
    %broadcast_in_dim3A_28 = vector.broadcast %broadcast_in_dim3A_27 : vector<1x128x128xi32> to vector<37x128x128xi32>
    %select_n3A_29 = arith.select %gt3A_22, %broadcast_in_dim3A_28, %select_n3A : vector<37x128x128xi1>, vector<37x128x128xi32>
    %slice3A = vector.extract_strided_slice %select_n3A_29 {offsets = [0, 0, 0], sizes = [32, 128, 128], strides = [1, 1, 1]} : vector<37x128x128xi32> to vector<32x128x128xi32>
    %shift_right_arithmetic3A = arith.constant 6 : i32
    %shift_right_arithmetic3A_30 = vector.broadcast %shift_right_arithmetic3A : i32 to vector<32x128x128xi32>
    %shift_right_arithmetic3A_31 = arith.shrsi %slice3A, %shift_right_arithmetic3A_30 : vector<32x128x128xi32>
    %add3A_32 = arith.constant 0 : i32
    %add3A_33 = vector.broadcast %add3A_32 : i32 to vector<32x128x128xi32>
    %add3A_34 = arith.addi %shift_right_arithmetic3A_31, %add3A_33 : vector<32x128x128xi32>
    %slice3A_35 = vector.extract_strided_slice %select_n3A_29 {offsets = [1, 0, 0], sizes = [32, 128, 128], strides = [1, 1, 1]} : vector<37x128x128xi32> to vector<32x128x128xi32>
    %shift_right_arithmetic3A_36 = arith.constant 6 : i32
    %shift_right_arithmetic3A_37 = vector.broadcast %shift_right_arithmetic3A_36 : i32 to vector<32x128x128xi32>
    %shift_right_arithmetic3A_38 = arith.shrsi %slice3A_35, %shift_right_arithmetic3A_37 : vector<32x128x128xi32>
    %add3A_39 = arith.constant 9216 : i32
    %add3A_40 = vector.broadcast %add3A_39 : i32 to vector<32x128x128xi32>
    %add3A_41 = arith.addi %shift_right_arithmetic3A_38, %add3A_40 : vector<32x128x128xi32>
    %min3A = arith.minsi %add3A_34, %add3A_41 : vector<32x128x128xi32>
    %slice3A_42 = vector.extract_strided_slice %select_n3A_29 {offsets = [2, 0, 0], sizes = [32, 128, 128], strides = [1, 1, 1]} : vector<37x128x128xi32> to vector<32x128x128xi32>
    %shift_right_arithmetic3A_43 = arith.constant 6 : i32
    %shift_right_arithmetic3A_44 = vector.broadcast %shift_right_arithmetic3A_43 : i32 to vector<32x128x128xi32>
    %shift_right_arithmetic3A_45 = arith.shrsi %slice3A_42, %shift_right_arithmetic3A_44 : vector<32x128x128xi32>
    %add3A_46 = arith.constant 18432 : i32
    %add3A_47 = vector.broadcast %add3A_46 : i32 to vector<32x128x128xi32>
    %add3A_48 = arith.addi %shift_right_arithmetic3A_45, %add3A_47 : vector<32x128x128xi32>
    %min3A_49 = arith.minsi %min3A, %add3A_48 : vector<32x128x128xi32>
    %slice3A_50 = vector.extract_strided_slice %select_n3A_29 {offsets = [3, 0, 0], sizes = [32, 128, 128], strides = [1, 1, 1]} : vector<37x128x128xi32> to vector<32x128x128xi32>
    %shift_right_arithmetic3A_51 = arith.constant 6 : i32
    %shift_right_arithmetic3A_52 = vector.broadcast %shift_right_arithmetic3A_51 : i32 to vector<32x128x128xi32>
    %shift_right_arithmetic3A_53 = arith.shrsi %slice3A_50, %shift_right_arithmetic3A_52 : vector<32x128x128xi32>
    %add3A_54 = arith.constant 27648 : i32
    %add3A_55 = vector.broadcast %add3A_54 : i32 to vector<32x128x128xi32>
    %add3A_56 = arith.addi %shift_right_arithmetic3A_53, %add3A_55 : vector<32x128x128xi32>
    %min3A_57 = arith.minsi %min3A_49, %add3A_56 : vector<32x128x128xi32>
    %slice3A_58 = vector.extract_strided_slice %select_n3A_29 {offsets = [4, 0, 0], sizes = [32, 128, 128], strides = [1, 1, 1]} : vector<37x128x128xi32> to vector<32x128x128xi32>
    %shift_right_arithmetic3A_59 = arith.constant 6 : i32
    %shift_right_arithmetic3A_60 = vector.broadcast %shift_right_arithmetic3A_59 : i32 to vector<32x128x128xi32>
    %shift_right_arithmetic3A_61 = arith.shrsi %slice3A_58, %shift_right_arithmetic3A_60 : vector<32x128x128xi32>
    %add3A_62 = arith.constant 36864 : i32
    %add3A_63 = vector.broadcast %add3A_62 : i32 to vector<32x128x128xi32>
    %add3A_64 = arith.addi %shift_right_arithmetic3A_61, %add3A_63 : vector<32x128x128xi32>
    %min3A_65 = arith.minsi %min3A_57, %add3A_64 : vector<32x128x128xi32>
    %slice3A_66 = vector.extract_strided_slice %select_n3A_29 {offsets = [5, 0, 0], sizes = [32, 128, 128], strides = [1, 1, 1]} : vector<37x128x128xi32> to vector<32x128x128xi32>
    %shift_right_arithmetic3A_67 = arith.constant 6 : i32
    %shift_right_arithmetic3A_68 = vector.broadcast %shift_right_arithmetic3A_67 : i32 to vector<32x128x128xi32>
    %shift_right_arithmetic3A_69 = arith.shrsi %slice3A_66, %shift_right_arithmetic3A_68 : vector<32x128x128xi32>
    %add3A_70 = arith.constant 46080 : i32
    %add3A_71 = vector.broadcast %add3A_70 : i32 to vector<32x128x128xi32>
    %add3A_72 = arith.addi %shift_right_arithmetic3A_69, %add3A_71 : vector<32x128x128xi32>
    %min3A_73 = arith.minsi %min3A_65, %add3A_72 : vector<32x128x128xi32>
    %and3A = arith.constant 63 : i32
    %and3A_74 = vector.broadcast %and3A : i32 to vector<32x128x128xi32>
    %and3A_75 = arith.andi %get3A_2, %and3A_74 : vector<32x128x128xi32>
    %shift_right_arithmetic3A_76 = arith.constant 1 : i32
    %shift_right_arithmetic3A_77 = vector.broadcast %shift_right_arithmetic3A_76 : i32 to vector<32x128x128xi32>
    %shift_right_arithmetic3A_78 = arith.shrsi %and3A_75, %shift_right_arithmetic3A_77 : vector<32x128x128xi32>
    %lt3A_79 = arith.constant 65536 : i32
    %lt3A_80 = vector.broadcast %lt3A_79 : i32 to vector<32x128x128xi32>
    %lt3A_81 = arith.cmpi slt, %min3A_73, %lt3A_80 : vector<32x128x128xi32>
    %and3A_82 = arith.constant 255 : i32
    %and3A_83 = vector.broadcast %and3A_82 : i32 to vector<32x128x128xi32>
    %and3A_84 = arith.andi %min3A_73, %and3A_83 : vector<32x128x128xi32>
    %jit3A = arith.constant 0 : i32
    %broadcast_in_dim3A_85 = vector.broadcast %jit3A : i32 to vector<32x128x128xi32>
    %select_n3A_86 = arith.select %lt3A_81, %and3A_84, %broadcast_in_dim3A_85 : vector<32x128x128xi1>, vector<32x128x128xi32>
    %eq3A = arith.constant 1 : i32
    %eq3A_87 = vector.broadcast %eq3A : i32 to vector<32x128x128xi32>
    %eq3A_88 = arith.cmpi eq, %and3A_75, %eq3A_87 : vector<32x128x128xi32>
    %select_n3A_89 = arith.select %eq3A_88, %select_n3A_86, %shift_right_arithmetic3A_78 : vector<32x128x128xi1>, vector<32x128x128xi32>
    %mul3A_90 = arith.constant 21846 : i32
    %mul3A_91 = vector.broadcast %mul3A_90 : i32 to vector<32x128x128xi32>
    %mul3A_92 = arith.muli %select_n3A_89, %mul3A_91 : vector<32x128x128xi32>
    %shift_right_arithmetic3A_93 = arith.constant 16 : i32
    %shift_right_arithmetic3A_94 = vector.broadcast %shift_right_arithmetic3A_93 : i32 to vector<32x128x128xi32>
    %shift_right_arithmetic3A_95 = arith.shrsi %mul3A_92, %shift_right_arithmetic3A_94 : vector<32x128x128xi32>
    %mul3A_96 = arith.constant 3 : i32
    %mul3A_97 = vector.broadcast %mul3A_96 : i32 to vector<32x128x128xi32>
    %mul3A_98 = arith.muli %shift_right_arithmetic3A_95, %mul3A_97 : vector<32x128x128xi32>
    %sub3A_99 = arith.subi %select_n3A_89, %mul3A_98 : vector<32x128x128xi32>
    %and3A_100 = arith.constant 1 : i32
    %and3A_101 = vector.broadcast %and3A_100 : i32 to vector<32x128x128xi32>
    %and3A_102 = arith.andi %shift_right_arithmetic3A_95, %and3A_101 : vector<32x128x128xi32>
    %eq3A_103 = arith.constant 1 : i32
    %eq3A_104 = vector.broadcast %eq3A_103 : i32 to vector<32x128x128xi32>
    %eq3A_105 = arith.cmpi eq, %and3A_102, %eq3A_104 : vector<32x128x128xi32>
    %and3A_106 = arith.constant 2 : i32
    %and3A_107 = vector.broadcast %and3A_106 : i32 to vector<32x128x128xi32>
    %and3A_108 = arith.andi %shift_right_arithmetic3A_95, %and3A_107 : vector<32x128x128xi32>
    %eq3A_109 = arith.constant 2 : i32
    %eq3A_110 = vector.broadcast %eq3A_109 : i32 to vector<32x128x128xi32>
    %eq3A_111 = arith.cmpi eq, %and3A_108, %eq3A_110 : vector<32x128x128xi32>
    %and3A_112 = arith.constant 4 : i32
    %and3A_113 = vector.broadcast %and3A_112 : i32 to vector<32x128x128xi32>
    %and3A_114 = arith.andi %shift_right_arithmetic3A_95, %and3A_113 : vector<32x128x128xi32>
    %eq3A_115 = arith.constant 4 : i32
    %eq3A_116 = vector.broadcast %eq3A_115 : i32 to vector<32x128x128xi32>
    %eq3A_117 = arith.cmpi eq, %and3A_114, %eq3A_116 : vector<32x128x128xi32>
    %get3A_118 = arith.constant 1 : index
    %get3A_119 = arith.constant 0 : index
    %get3A_120 = memref.load %arg1[%get3A_118, %get3A_119] : memref<8x1xi32, #tpu.memory_space<smem>>
    %get3A_121 = arith.constant 0 : index
    %get3A_122 = arith.constant 0 : index
    %get3A_123 = memref.load %arg1[%get3A_121, %get3A_122] : memref<8x1xi32, #tpu.memory_space<smem>>
    %broadcast_in_dim3A_124 = vector.broadcast %get3A_120 : i32 to vector<32x128x128xi32>
    %broadcast_in_dim3A_125 = vector.broadcast %get3A_123 : i32 to vector<32x128x128xi32>
    %select_n3A_126 = arith.select %eq3A_105, %broadcast_in_dim3A_124, %broadcast_in_dim3A_125 : vector<32x128x128xi1>, vector<32x128x128xi32>
    %get3A_127 = arith.constant 3 : index
    %get3A_128 = arith.constant 0 : index
    %get3A_129 = memref.load %arg1[%get3A_127, %get3A_128] : memref<8x1xi32, #tpu.memory_space<smem>>
    %get3A_130 = arith.constant 2 : index
    %get3A_131 = arith.constant 0 : index
    %get3A_132 = memref.load %arg1[%get3A_130, %get3A_131] : memref<8x1xi32, #tpu.memory_space<smem>>
    %broadcast_in_dim3A_133 = vector.broadcast %get3A_129 : i32 to vector<32x128x128xi32>
    %broadcast_in_dim3A_134 = vector.broadcast %get3A_132 : i32 to vector<32x128x128xi32>
    %select_n3A_135 = arith.select %eq3A_105, %broadcast_in_dim3A_133, %broadcast_in_dim3A_134 : vector<32x128x128xi1>, vector<32x128x128xi32>
    %get3A_136 = arith.constant 5 : index
    %get3A_137 = arith.constant 0 : index
    %get3A_138 = memref.load %arg1[%get3A_136, %get3A_137] : memref<8x1xi32, #tpu.memory_space<smem>>
    %get3A_139 = arith.constant 4 : index
    %get3A_140 = arith.constant 0 : index
    %get3A_141 = memref.load %arg1[%get3A_139, %get3A_140] : memref<8x1xi32, #tpu.memory_space<smem>>
    %broadcast_in_dim3A_142 = vector.broadcast %get3A_138 : i32 to vector<32x128x128xi32>
    %broadcast_in_dim3A_143 = vector.broadcast %get3A_141 : i32 to vector<32x128x128xi32>
    %select_n3A_144 = arith.select %eq3A_105, %broadcast_in_dim3A_142, %broadcast_in_dim3A_143 : vector<32x128x128xi1>, vector<32x128x128xi32>
    %get3A_145 = arith.constant 7 : index
    %get3A_146 = arith.constant 0 : index
    %get3A_147 = memref.load %arg1[%get3A_145, %get3A_146] : memref<8x1xi32, #tpu.memory_space<smem>>
    %get3A_148 = arith.constant 6 : index
    %get3A_149 = arith.constant 0 : index
    %get3A_150 = memref.load %arg1[%get3A_148, %get3A_149] : memref<8x1xi32, #tpu.memory_space<smem>>
    %broadcast_in_dim3A_151 = vector.broadcast %get3A_147 : i32 to vector<32x128x128xi32>
    %broadcast_in_dim3A_152 = vector.broadcast %get3A_150 : i32 to vector<32x128x128xi32>
    %select_n3A_153 = arith.select %eq3A_105, %broadcast_in_dim3A_151, %broadcast_in_dim3A_152 : vector<32x128x128xi1>, vector<32x128x128xi32>
    %select_n3A_154 = arith.select %eq3A_111, %select_n3A_135, %select_n3A_126 : vector<32x128x128xi1>, vector<32x128x128xi32>
    %select_n3A_155 = arith.select %eq3A_111, %select_n3A_153, %select_n3A_144 : vector<32x128x128xi1>, vector<32x128x128xi32>
    %select_n3A_156 = arith.select %eq3A_117, %select_n3A_155, %select_n3A_154 : vector<32x128x128xi1>, vector<32x128x128xi32>
    %mul3A_157 = arith.constant 9 : i32
    %mul3A_158 = vector.broadcast %mul3A_157 : i32 to vector<32x128x128xi32>
    %mul3A_159 = arith.muli %sub3A_99, %mul3A_158 : vector<32x128x128xi32>
    %shift_right_arithmetic3A_160 = arith.shrsi %select_n3A_156, %mul3A_159 : vector<32x128x128xi32>
    %and3A_161 = arith.constant 511 : i32
    %and3A_162 = vector.broadcast %and3A_161 : i32 to vector<32x128x128xi32>
    %and3A_163 = arith.andi %shift_right_arithmetic3A_160, %and3A_162 : vector<32x128x128xi32>
    %and3A_164 = arith.constant 31 : i32
    %and3A_165 = vector.broadcast %and3A_164 : i32 to vector<32x128x128xi32>
    %and3A_166 = arith.andi %and3A_163, %and3A_165 : vector<32x128x128xi32>
    %swap3A = arith.constant 0 : index
    %swap3A_167 = arith.constant 0 : index
    %swap3A_168 = arith.constant 0 : index
    %swap3A_169 = vector.load %arg5[%swap3A, %swap3A_167, %swap3A_168] : memref<32x128x128xi32, #tpu.memory_space<vmem>>, vector<32x128x128xi32>
    tpu.vector_store %arg5[%swap3A, %swap3A_167, %swap3A_168], %and3A_166 {strides = array<i32>} : memref<32x128x128xi32, #tpu.memory_space<vmem>>, vector<32x128x128xi32>,
    %shift_right_arithmetic3A_170 = arith.constant 5 : i32
    %shift_right_arithmetic3A_171 = vector.broadcast %shift_right_arithmetic3A_170 : i32 to vector<32x128x128xi32>
    %shift_right_arithmetic3A_172 = arith.shrsi %and3A_163, %shift_right_arithmetic3A_171 : vector<32x128x128xi32>
    %swap3A_173 = arith.constant 0 : index
    %swap3A_174 = arith.constant 0 : index
    %swap3A_175 = arith.constant 0 : index
    %swap3A_176 = vector.load %arg6[%swap3A_173, %swap3A_174, %swap3A_175] : memref<32x128x128xi32, #tpu.memory_space<vmem>>, vector<32x128x128xi32>
    tpu.vector_store %arg6[%swap3A_173, %swap3A_174, %swap3A_175], %shift_right_arithmetic3A_172 {strides = array<i32>} : memref<32x128x128xi32, #tpu.memory_space<vmem>>, vector<32x128x128xi32>,
    return
  }
  func.func @transform_0(%arg0: i32) -> (i32, i32) {
    %c0_i32 = arith.constant 0 : i32
    %c0_i32_0 = arith.constant 0 : i32
    %c0_i32_1 = arith.constant 0 : i32
    return %c0_i32, %c0_i32_0 : i32, i32
  }
  func.func @transform_1(%arg0: i32) -> (i32, i32, i32) {
    %sub3A = arith.constant 1 : i32
    %sub3A_0 = arith.subi %arg0, %sub3A : i32
    %max3A = arith.constant 0 : i32
    %max3A_1 = arith.maxsi %sub3A_0, %max3A : i32
    %c0_i32 = arith.constant 0 : i32
    %c0_i32_2 = arith.constant 0 : i32
    %c0_i32_3 = arith.constant 0 : i32
    return %max3A_1, %c0_i32, %c0_i32_2 : i32, i32, i32
  }
  func.func @transform_2(%arg0: i32) -> (i32, i32, i32) {
    %c0_i32 = arith.constant 0 : i32
    %c0_i32_0 = arith.constant 0 : i32
    %c0_i32_1 = arith.constant 0 : i32
    return %arg0, %c0_i32, %c0_i32_0 : i32, i32, i32
  }
  func.func @transform_3(%arg0: i32) -> (i32, i32, i32) {
    %add3A = arith.constant 1 : i32
    %add3A_0 = arith.addi %arg0, %add3A : i32
    %min3A = arith.constant 3 : i32
    %min3A_1 = arith.minsi %add3A_0, %min3A : i32
    %c0_i32 = arith.constant 0 : i32
    %c0_i32_2 = arith.constant 0 : i32
    %c0_i32_3 = arith.constant 0 : i32
    return %min3A_1, %c0_i32, %c0_i32_2 : i32, i32, i32
  }
  func.func @transform_4(%arg0: i32) -> (i32, i32, i32) {
    %c0_i32 = arith.constant 0 : i32
    %c0_i32_0 = arith.constant 0 : i32
    %c0_i32_1 = arith.constant 0 : i32
    return %arg0, %c0_i32, %c0_i32_0 : i32, i32, i32
  }
  func.func @transform_5(%arg0: i32) -> (i32, i32, i32) {
    %c0_i32 = arith.constant 0 : i32
    %c0_i32_0 = arith.constant 0 : i32
    %c0_i32_1 = arith.constant 0 : i32
    return %arg0, %c0_i32, %c0_i32_0 : i32, i32, i32
  }
}

module attributes {stable_mosaic.version = 14 : i64} {
  func.func @_stencil_body(%arg0: i32, %arg1: memref<16xi32, #tpu.memory_space<smem>>, %arg2: memref<32x128x128xf32, #tpu.memory_space<vmem>>, %arg3: memref<32x128x128xi32, #tpu.memory_space<vmem>>, %arg4: memref<32x128x128xi32, #tpu.memory_space<vmem>>, %arg5: memref<32x128x128xi32, #tpu.memory_space<vmem>>) attributes {dimension_semantics = [#tpu.dimension_semantics<arbitrary>], iteration_bounds = array<i64: 4>, scalar_prefetch = 0 : i64, scratch_operands = 0 : i64, tpu.core_type = #tpu.core_type<tc>, window_params = [{transform_indices = @transform_0, window_bounds = array<i64: 16>}, {transform_indices = @transform_1, window_bounds = array<i64: 32, 128, 128>}, {transform_indices = @transform_2, window_bounds = array<i64: 32, 128, 128>}, {transform_indices = @transform_3, window_bounds = array<i64: 32, 128, 128>}, {transform_indices = @transform_4, window_bounds = array<i64: 32, 128, 128>}]} {
    %get3A = arith.constant 0 : index
    %get3A_0 = memref.load %arg1[%get3A] : memref<16xi32, #tpu.memory_space<smem>>
    %add3A = arith.constant 1 : i32
    %add3A_1 = arith.addi %get3A_0, %add3A : i32
    %shift_left3A = arith.constant 1 : i32
    %shift_left3A_2 = arith.shli %shift_left3A, %add3A_1 : i32
    %or3A = arith.constant 0 : i32
    %or3A_3 = arith.ori %or3A, %shift_left3A_2 : i32
    %get3A_4 = arith.constant 1 : index
    %get3A_5 = memref.load %arg1[%get3A_4] : memref<16xi32, #tpu.memory_space<smem>>
    %add3A_6 = arith.constant 1 : i32
    %add3A_7 = arith.addi %get3A_5, %add3A_6 : i32
    %shift_left3A_8 = arith.constant 1 : i32
    %shift_left3A_9 = arith.shli %shift_left3A_8, %add3A_7 : i32
    %or3A_10 = arith.ori %or3A_3, %shift_left3A_9 : i32
    %get3A_11 = arith.constant 2 : index
    %get3A_12 = memref.load %arg1[%get3A_11] : memref<16xi32, #tpu.memory_space<smem>>
    %add3A_13 = arith.constant 1 : i32
    %add3A_14 = arith.addi %get3A_12, %add3A_13 : i32
    %shift_left3A_15 = arith.constant 1 : i32
    %shift_left3A_16 = arith.shli %shift_left3A_15, %add3A_14 : i32
    %or3A_17 = arith.ori %or3A_10, %shift_left3A_16 : i32
    %get3A_18 = arith.constant 3 : index
    %get3A_19 = memref.load %arg1[%get3A_18] : memref<16xi32, #tpu.memory_space<smem>>
    %add3A_20 = arith.constant 1 : i32
    %add3A_21 = arith.addi %get3A_19, %add3A_20 : i32
    %shift_left3A_22 = arith.constant 1 : i32
    %shift_left3A_23 = arith.shli %shift_left3A_22, %add3A_21 : i32
    %or3A_24 = arith.ori %or3A_17, %shift_left3A_23 : i32
    %get3A_25 = arith.constant 4 : index
    %get3A_26 = memref.load %arg1[%get3A_25] : memref<16xi32, #tpu.memory_space<smem>>
    %add3A_27 = arith.constant 1 : i32
    %add3A_28 = arith.addi %get3A_26, %add3A_27 : i32
    %shift_left3A_29 = arith.constant 1 : i32
    %shift_left3A_30 = arith.shli %shift_left3A_29, %add3A_28 : i32
    %or3A_31 = arith.ori %or3A_24, %shift_left3A_30 : i32
    %get3A_32 = arith.constant 5 : index
    %get3A_33 = memref.load %arg1[%get3A_32] : memref<16xi32, #tpu.memory_space<smem>>
    %add3A_34 = arith.constant 1 : i32
    %add3A_35 = arith.addi %get3A_33, %add3A_34 : i32
    %shift_left3A_36 = arith.constant 1 : i32
    %shift_left3A_37 = arith.shli %shift_left3A_36, %add3A_35 : i32
    %or3A_38 = arith.ori %or3A_31, %shift_left3A_37 : i32
    %get3A_39 = arith.constant 6 : index
    %get3A_40 = memref.load %arg1[%get3A_39] : memref<16xi32, #tpu.memory_space<smem>>
    %add3A_41 = arith.constant 1 : i32
    %add3A_42 = arith.addi %get3A_40, %add3A_41 : i32
    %shift_left3A_43 = arith.constant 1 : i32
    %shift_left3A_44 = arith.shli %shift_left3A_43, %add3A_42 : i32
    %or3A_45 = arith.ori %or3A_38, %shift_left3A_44 : i32
    %get3A_46 = arith.constant 7 : index
    %get3A_47 = memref.load %arg1[%get3A_46] : memref<16xi32, #tpu.memory_space<smem>>
    %add3A_48 = arith.constant 1 : i32
    %add3A_49 = arith.addi %get3A_47, %add3A_48 : i32
    %shift_left3A_50 = arith.constant 1 : i32
    %shift_left3A_51 = arith.shli %shift_left3A_50, %add3A_49 : i32
    %or3A_52 = arith.ori %or3A_45, %shift_left3A_51 : i32
    %get3A_53 = arith.constant 8 : index
    %get3A_54 = memref.load %arg1[%get3A_53] : memref<16xi32, #tpu.memory_space<smem>>
    %add3A_55 = arith.constant 1 : i32
    %add3A_56 = arith.addi %get3A_54, %add3A_55 : i32
    %shift_left3A_57 = arith.constant 1 : i32
    %shift_left3A_58 = arith.shli %shift_left3A_57, %add3A_56 : i32
    %or3A_59 = arith.ori %or3A_52, %shift_left3A_58 : i32
    %get3A_60 = arith.constant 9 : index
    %get3A_61 = memref.load %arg1[%get3A_60] : memref<16xi32, #tpu.memory_space<smem>>
    %add3A_62 = arith.constant 1 : i32
    %add3A_63 = arith.addi %get3A_61, %add3A_62 : i32
    %shift_left3A_64 = arith.constant 1 : i32
    %shift_left3A_65 = arith.shli %shift_left3A_64, %add3A_63 : i32
    %or3A_66 = arith.ori %or3A_59, %shift_left3A_65 : i32
    %get3A_67 = arith.constant 10 : index
    %get3A_68 = memref.load %arg1[%get3A_67] : memref<16xi32, #tpu.memory_space<smem>>
    %add3A_69 = arith.constant 1 : i32
    %add3A_70 = arith.addi %get3A_68, %add3A_69 : i32
    %shift_left3A_71 = arith.constant 1 : i32
    %shift_left3A_72 = arith.shli %shift_left3A_71, %add3A_70 : i32
    %or3A_73 = arith.ori %or3A_66, %shift_left3A_72 : i32
    %get3A_74 = arith.constant 11 : index
    %get3A_75 = memref.load %arg1[%get3A_74] : memref<16xi32, #tpu.memory_space<smem>>
    %add3A_76 = arith.constant 1 : i32
    %add3A_77 = arith.addi %get3A_75, %add3A_76 : i32
    %shift_left3A_78 = arith.constant 1 : i32
    %shift_left3A_79 = arith.shli %shift_left3A_78, %add3A_77 : i32
    %or3A_80 = arith.ori %or3A_73, %shift_left3A_79 : i32
    %get3A_81 = arith.constant 0 : index
    %get3A_82 = arith.constant 0 : index
    %get3A_83 = arith.constant 0 : index
    %get3A_84 = vector.load %arg3[%get3A_81, %get3A_82, %get3A_83] : memref<32x128x128xi32, #tpu.memory_space<vmem>>, vector<32x128x128xi32>
    %get3A_85 = arith.constant 0 : index
    %get3A_86 = arith.constant 0 : index
    %get3A_87 = arith.constant 0 : index
    %get3A_88 = vector.load %arg4[%get3A_85, %get3A_86, %get3A_87] : memref<32x128x128xi32, #tpu.memory_space<vmem>>, vector<32x128x128xi32>
    %shift_right_arithmetic3A = vector.broadcast %or3A_80 : i32 to vector<32x128x128xi32>
    %shift_right_arithmetic3A_89 = arith.shrsi %shift_right_arithmetic3A, %get3A_84 : vector<32x128x128xi32>
    %and3A = arith.constant 1 : i32
    %and3A_90 = vector.broadcast %and3A : i32 to vector<32x128x128xi32>
    %and3A_91 = arith.andi %shift_right_arithmetic3A_89, %and3A_90 : vector<32x128x128xi32>
    %eq3A = arith.constant 1 : i32
    %eq3A_92 = vector.broadcast %eq3A : i32 to vector<32x128x128xi32>
    %eq3A_93 = arith.cmpi eq, %and3A_91, %eq3A_92 : vector<32x128x128xi32>
    %eq3A_94 = arith.constant 10 : i32
    %eq3A_95 = vector.broadcast %eq3A_94 : i32 to vector<32x128x128xi32>
    %eq3A_96 = arith.cmpi eq, %get3A_88, %eq3A_95 : vector<32x128x128xi32>
    %eq3A_97 = arith.constant 11 : i32
    %eq3A_98 = vector.broadcast %eq3A_97 : i32 to vector<32x128x128xi32>
    %eq3A_99 = arith.cmpi eq, %get3A_88, %eq3A_98 : vector<32x128x128xi32>
    %add3A_100 = arith.constant 2 : i32
    %add3A_101 = vector.broadcast %add3A_100 : i32 to vector<32x128x128xi32>
    %add3A_102 = arith.addi %get3A_84, %add3A_101 : vector<32x128x128xi32>
    %jit3A = arith.constant 0 : i32
    %broadcast_in_dim3A = vector.broadcast %jit3A : i32 to vector<32x128x128xi32>
    %select_n3A = arith.select %eq3A_93, %add3A_102, %broadcast_in_dim3A : vector<32x128x128xi1>, vector<32x128x128xi32>
    %jit3A_103 = arith.constant 2 : i32
    %broadcast_in_dim3A_104 = vector.broadcast %jit3A_103 : i32 to vector<32x128x128xi32>
    %select_n3A_105 = arith.select %eq3A_99, %broadcast_in_dim3A_104, %select_n3A : vector<32x128x128xi1>, vector<32x128x128xi32>
    %jit3A_106 = arith.constant 1 : i32
    %broadcast_in_dim3A_107 = vector.broadcast %jit3A_106 : i32 to vector<32x128x128xi32>
    %select_n3A_108 = arith.select %eq3A_96, %broadcast_in_dim3A_107, %select_n3A_105 : vector<32x128x128xi1>, vector<32x128x128xi32>
    %get3A_109 = arith.constant 0 : index
    %get3A_110 = arith.constant 0 : index
    %get3A_111 = arith.constant 0 : index
    %get3A_112 = vector.load %arg2[%get3A_109, %get3A_110, %get3A_111] : memref<32x128x128xf32, #tpu.memory_space<vmem>>, vector<32x128x128xf32>
    %abs3A = math.absf %get3A_112 : vector<32x128x128xf32>
    %le3A = arith.constant 1.500000e+00 : f32
    %le3A_113 = vector.broadcast %le3A : f32 to vector<32x128x128xf32>
    %le3A_114 = arith.cmpf ole, %abs3A, %le3A_113 : vector<32x128x128xf32>
    %gt3A = arith.constant 0 : i32
    %gt3A_115 = vector.broadcast %gt3A : i32 to vector<32x128x128xi32>
    %gt3A_116 = arith.cmpi sgt, %select_n3A_108, %gt3A_115 : vector<32x128x128xi32>
    %jit3A_117 = arith.constant 131072 : i32
    %broadcast_in_dim3A_118 = vector.broadcast %jit3A_117 : i32 to vector<32x128x128xi32>
    %select_n3A_119 = arith.select %gt3A_116, %select_n3A_108, %broadcast_in_dim3A_118 : vector<32x128x128xi1>, vector<32x128x128xi32>
    %slice3A = vector.extract_strided_slice %select_n3A_119 {offsets = [0, 0, 0], sizes = [32, 128, 125], strides = [1, 1, 1]} : vector<32x128x128xi32> to vector<32x128x125xi32>
    %slice3A_120 = vector.extract_strided_slice %select_n3A_119 {offsets = [0, 0, 0], sizes = [32, 128, 1], strides = [1, 1, 1]} : vector<32x128x128xi32> to vector<32x128x1xi32>
    %concatenate3A = tpu.concatenate %slice3A_120, %slice3A_120, %slice3A_120, %slice3A in 2 : vector<32x128x1xi32>, vector<32x128x1xi32>, vector<32x128x1xi32>, vector<32x128x125xi32> -> vector<32x128x128xi32>
    %add3A_121 = arith.constant 0 : i32
    %add3A_122 = vector.broadcast %add3A_121 : i32 to vector<32x128x128xi32>
    %add3A_123 = arith.addi %concatenate3A, %add3A_122 : vector<32x128x128xi32>
    %slice3A_124 = vector.extract_strided_slice %select_n3A_119 {offsets = [0, 0, 0], sizes = [32, 128, 126], strides = [1, 1, 1]} : vector<32x128x128xi32> to vector<32x128x126xi32>
    %slice3A_125 = vector.extract_strided_slice %select_n3A_119 {offsets = [0, 0, 0], sizes = [32, 128, 1], strides = [1, 1, 1]} : vector<32x128x128xi32> to vector<32x128x1xi32>
    %concatenate3A_126 = tpu.concatenate %slice3A_125, %slice3A_125, %slice3A_124 in 2 : vector<32x128x1xi32>, vector<32x128x1xi32>, vector<32x128x126xi32> -> vector<32x128x128xi32>
    %add3A_127 = arith.constant 256 : i32
    %add3A_128 = vector.broadcast %add3A_127 : i32 to vector<32x128x128xi32>
    %add3A_129 = arith.addi %concatenate3A_126, %add3A_128 : vector<32x128x128xi32>
    %min3A = arith.minsi %add3A_123, %add3A_129 : vector<32x128x128xi32>
    %slice3A_130 = vector.extract_strided_slice %select_n3A_119 {offsets = [0, 0, 0], sizes = [32, 128, 127], strides = [1, 1, 1]} : vector<32x128x128xi32> to vector<32x128x127xi32>
    %slice3A_131 = vector.extract_strided_slice %select_n3A_119 {offsets = [0, 0, 0], sizes = [32, 128, 1], strides = [1, 1, 1]} : vector<32x128x128xi32> to vector<32x128x1xi32>
    %concatenate3A_132 = tpu.concatenate %slice3A_131, %slice3A_130 in 2 : vector<32x128x1xi32>, vector<32x128x127xi32> -> vector<32x128x128xi32>
    %add3A_133 = arith.constant 512 : i32
    %add3A_134 = vector.broadcast %add3A_133 : i32 to vector<32x128x128xi32>
    %add3A_135 = arith.addi %concatenate3A_132, %add3A_134 : vector<32x128x128xi32>
    %min3A_136 = arith.minsi %min3A, %add3A_135 : vector<32x128x128xi32>
    %add3A_137 = arith.constant 768 : i32
    %add3A_138 = vector.broadcast %add3A_137 : i32 to vector<32x128x128xi32>
    %add3A_139 = arith.addi %select_n3A_119, %add3A_138 : vector<32x128x128xi32>
    %min3A_140 = arith.minsi %min3A_136, %add3A_139 : vector<32x128x128xi32>
    %slice3A_141 = vector.extract_strided_slice %select_n3A_119 {offsets = [0, 0, 1], sizes = [32, 128, 127], strides = [1, 1, 1]} : vector<32x128x128xi32> to vector<32x128x127xi32>
    %slice3A_142 = vector.extract_strided_slice %select_n3A_119 {offsets = [0, 0, 127], sizes = [32, 128, 1], strides = [1, 1, 1]} : vector<32x128x128xi32> to vector<32x128x1xi32>
    %concatenate3A_143 = tpu.concatenate %slice3A_141, %slice3A_142 in 2 : vector<32x128x127xi32>, vector<32x128x1xi32> -> vector<32x128x128xi32>
    %add3A_144 = arith.constant 1024 : i32
    %add3A_145 = vector.broadcast %add3A_144 : i32 to vector<32x128x128xi32>
    %add3A_146 = arith.addi %concatenate3A_143, %add3A_145 : vector<32x128x128xi32>
    %min3A_147 = arith.minsi %min3A_140, %add3A_146 : vector<32x128x128xi32>
    %slice3A_148 = vector.extract_strided_slice %select_n3A_119 {offsets = [0, 0, 2], sizes = [32, 128, 126], strides = [1, 1, 1]} : vector<32x128x128xi32> to vector<32x128x126xi32>
    %slice3A_149 = vector.extract_strided_slice %select_n3A_119 {offsets = [0, 0, 127], sizes = [32, 128, 1], strides = [1, 1, 1]} : vector<32x128x128xi32> to vector<32x128x1xi32>
    %concatenate3A_150 = tpu.concatenate %slice3A_148, %slice3A_149, %slice3A_149 in 2 : vector<32x128x126xi32>, vector<32x128x1xi32>, vector<32x128x1xi32> -> vector<32x128x128xi32>
    %add3A_151 = arith.constant 1280 : i32
    %add3A_152 = vector.broadcast %add3A_151 : i32 to vector<32x128x128xi32>
    %add3A_153 = arith.addi %concatenate3A_150, %add3A_152 : vector<32x128x128xi32>
    %min3A_154 = arith.minsi %min3A_147, %add3A_153 : vector<32x128x128xi32>
    %slice3A_155 = vector.extract_strided_slice %min3A_154 {offsets = [0, 0, 0], sizes = [32, 125, 128], strides = [1, 1, 1]} : vector<32x128x128xi32> to vector<32x125x128xi32>
    %slice3A_156 = vector.extract_strided_slice %min3A_154 {offsets = [0, 0, 0], sizes = [32, 1, 128], strides = [1, 1, 1]} : vector<32x128x128xi32> to vector<32x1x128xi32>
    %concatenate3A_157 = tpu.concatenate %slice3A_156, %slice3A_156, %slice3A_156, %slice3A_155 in 1 : vector<32x1x128xi32>, vector<32x1x128xi32>, vector<32x1x128xi32>, vector<32x125x128xi32> -> vector<32x128x128xi32>
    %add3A_158 = arith.constant 0 : i32
    %add3A_159 = vector.broadcast %add3A_158 : i32 to vector<32x128x128xi32>
    %add3A_160 = arith.addi %concatenate3A_157, %add3A_159 : vector<32x128x128xi32>
    %slice3A_161 = vector.extract_strided_slice %min3A_154 {offsets = [0, 0, 0], sizes = [32, 126, 128], strides = [1, 1, 1]} : vector<32x128x128xi32> to vector<32x126x128xi32>
    %slice3A_162 = vector.extract_strided_slice %min3A_154 {offsets = [0, 0, 0], sizes = [32, 1, 128], strides = [1, 1, 1]} : vector<32x128x128xi32> to vector<32x1x128xi32>
    %concatenate3A_163 = tpu.concatenate %slice3A_162, %slice3A_162, %slice3A_161 in 1 : vector<32x1x128xi32>, vector<32x1x128xi32>, vector<32x126x128xi32> -> vector<32x128x128xi32>
    %add3A_164 = arith.constant 1536 : i32
    %add3A_165 = vector.broadcast %add3A_164 : i32 to vector<32x128x128xi32>
    %add3A_166 = arith.addi %concatenate3A_163, %add3A_165 : vector<32x128x128xi32>
    %min3A_167 = arith.minsi %add3A_160, %add3A_166 : vector<32x128x128xi32>
    %slice3A_168 = vector.extract_strided_slice %min3A_154 {offsets = [0, 0, 0], sizes = [32, 127, 128], strides = [1, 1, 1]} : vector<32x128x128xi32> to vector<32x127x128xi32>
    %slice3A_169 = vector.extract_strided_slice %min3A_154 {offsets = [0, 0, 0], sizes = [32, 1, 128], strides = [1, 1, 1]} : vector<32x128x128xi32> to vector<32x1x128xi32>
    %concatenate3A_170 = tpu.concatenate %slice3A_169, %slice3A_168 in 1 : vector<32x1x128xi32>, vector<32x127x128xi32> -> vector<32x128x128xi32>
    %add3A_171 = arith.constant 3072 : i32
    %add3A_172 = vector.broadcast %add3A_171 : i32 to vector<32x128x128xi32>
    %add3A_173 = arith.addi %concatenate3A_170, %add3A_172 : vector<32x128x128xi32>
    %min3A_174 = arith.minsi %min3A_167, %add3A_173 : vector<32x128x128xi32>
    %add3A_175 = arith.constant 4608 : i32
    %add3A_176 = vector.broadcast %add3A_175 : i32 to vector<32x128x128xi32>
    %add3A_177 = arith.addi %min3A_154, %add3A_176 : vector<32x128x128xi32>
    %min3A_178 = arith.minsi %min3A_174, %add3A_177 : vector<32x128x128xi32>
    %slice3A_179 = vector.extract_strided_slice %min3A_154 {offsets = [0, 1, 0], sizes = [32, 127, 128], strides = [1, 1, 1]} : vector<32x128x128xi32> to vector<32x127x128xi32>
    %slice3A_180 = vector.extract_strided_slice %min3A_154 {offsets = [0, 127, 0], sizes = [32, 1, 128], strides = [1, 1, 1]} : vector<32x128x128xi32> to vector<32x1x128xi32>
    %concatenate3A_181 = tpu.concatenate %slice3A_179, %slice3A_180 in 1 : vector<32x127x128xi32>, vector<32x1x128xi32> -> vector<32x128x128xi32>
    %add3A_182 = arith.constant 6144 : i32
    %add3A_183 = vector.broadcast %add3A_182 : i32 to vector<32x128x128xi32>
    %add3A_184 = arith.addi %concatenate3A_181, %add3A_183 : vector<32x128x128xi32>
    %min3A_185 = arith.minsi %min3A_178, %add3A_184 : vector<32x128x128xi32>
    %slice3A_186 = vector.extract_strided_slice %min3A_154 {offsets = [0, 2, 0], sizes = [32, 126, 128], strides = [1, 1, 1]} : vector<32x128x128xi32> to vector<32x126x128xi32>
    %slice3A_187 = vector.extract_strided_slice %min3A_154 {offsets = [0, 127, 0], sizes = [32, 1, 128], strides = [1, 1, 1]} : vector<32x128x128xi32> to vector<32x1x128xi32>
    %concatenate3A_188 = tpu.concatenate %slice3A_186, %slice3A_187, %slice3A_187 in 1 : vector<32x126x128xi32>, vector<32x1x128xi32>, vector<32x1x128xi32> -> vector<32x128x128xi32>
    %add3A_189 = arith.constant 7680 : i32
    %add3A_190 = vector.broadcast %add3A_189 : i32 to vector<32x128x128xi32>
    %add3A_191 = arith.addi %concatenate3A_188, %add3A_190 : vector<32x128x128xi32>
    %min3A_192 = arith.minsi %min3A_185, %add3A_191 : vector<32x128x128xi32>
    %min3A_193 = arith.constant 65536 : i32
    %min3A_194 = vector.broadcast %min3A_193 : i32 to vector<32x128x128xi32>
    %min3A_195 = arith.minsi %min3A_192, %min3A_194 : vector<32x128x128xi32>
    %shift_left3A_196 = arith.constant 6 : i32
    %shift_left3A_197 = vector.broadcast %shift_left3A_196 : i32 to vector<32x128x128xi32>
    %shift_left3A_198 = arith.shli %min3A_195, %shift_left3A_197 : vector<32x128x128xi32>
    %shift_left3A_199 = arith.constant 1 : i32
    %shift_left3A_200 = vector.broadcast %shift_left3A_199 : i32 to vector<32x128x128xi32>
    %shift_left3A_201 = arith.shli %select_n3A_108, %shift_left3A_200 : vector<32x128x128xi32>
    %or3A_202 = arith.ori %shift_left3A_198, %shift_left3A_201 : vector<32x128x128xi32>
    %convert_element_type3A = arith.extui %le3A_114 : vector<32x128x128xi1> to vector<32x128x128xi32>
    %or3A_203 = arith.ori %or3A_202, %convert_element_type3A : vector<32x128x128xi32>
    %swap3A = arith.constant 0 : index
    %swap3A_204 = arith.constant 0 : index
    %swap3A_205 = arith.constant 0 : index
    %swap3A_206 = vector.load %arg5[%swap3A, %swap3A_204, %swap3A_205] : memref<32x128x128xi32, #tpu.memory_space<vmem>>, vector<32x128x128xi32>
    tpu.vector_store %arg5[%swap3A, %swap3A_204, %swap3A_205], %or3A_203 {strides = array<i32>} : memref<32x128x128xi32, #tpu.memory_space<vmem>>, vector<32x128x128xi32>,
    return
  }
  func.func @transform_0(%arg0: i32) -> i32 {
    %c0_i32 = arith.constant 0 : i32
    %c0_i32_0 = arith.constant 0 : i32
    return %c0_i32 : i32
  }
  func.func @transform_1(%arg0: i32) -> (i32, i32, i32) {
    %c0_i32 = arith.constant 0 : i32
    %c0_i32_0 = arith.constant 0 : i32
    %c0_i32_1 = arith.constant 0 : i32
    return %arg0, %c0_i32, %c0_i32_0 : i32, i32, i32
  }
  func.func @transform_2(%arg0: i32) -> (i32, i32, i32) {
    %c0_i32 = arith.constant 0 : i32
    %c0_i32_0 = arith.constant 0 : i32
    %c0_i32_1 = arith.constant 0 : i32
    return %arg0, %c0_i32, %c0_i32_0 : i32, i32, i32
  }
  func.func @transform_3(%arg0: i32) -> (i32, i32, i32) {
    %c0_i32 = arith.constant 0 : i32
    %c0_i32_0 = arith.constant 0 : i32
    %c0_i32_1 = arith.constant 0 : i32
    return %arg0, %c0_i32, %c0_i32_0 : i32, i32, i32
  }
  func.func @transform_4(%arg0: i32) -> (i32, i32, i32) {
    %c0_i32 = arith.constant 0 : i32
    %c0_i32_0 = arith.constant 0 : i32
    %c0_i32_1 = arith.constant 0 : i32
    return %arg0, %c0_i32, %c0_i32_0 : i32, i32, i32
  }
}

module attributes {stable_mosaic.version = 14 : i64} {
  func.func @_maps_body(%arg0: memref<16xi32, #tpu.memory_space<smem>>, %arg1: memref<32x20x16xi32, #tpu.memory_space<vmem>>, %arg2: memref<8x1xi32, #tpu.memory_space<vmem>>) attributes {dimension_semantics = [], scalar_prefetch = 0 : i64, scratch_operands = 0 : i64, tpu.core_type = #tpu.core_type<tc>} {
    %get3A = arith.constant 0 : index
    %get3A_0 = memref.load %arg0[%get3A] : memref<16xi32, #tpu.memory_space<smem>>
    %add3A = arith.constant 1 : i32
    %add3A_1 = arith.addi %get3A_0, %add3A : i32
    %shift_left3A = arith.constant 1 : i32
    %shift_left3A_2 = arith.shli %shift_left3A, %add3A_1 : i32
    %or3A = arith.constant 0 : i32
    %or3A_3 = arith.ori %or3A, %shift_left3A_2 : i32
    %get3A_4 = arith.constant 1 : index
    %get3A_5 = memref.load %arg0[%get3A_4] : memref<16xi32, #tpu.memory_space<smem>>
    %add3A_6 = arith.constant 1 : i32
    %add3A_7 = arith.addi %get3A_5, %add3A_6 : i32
    %shift_left3A_8 = arith.constant 1 : i32
    %shift_left3A_9 = arith.shli %shift_left3A_8, %add3A_7 : i32
    %or3A_10 = arith.ori %or3A_3, %shift_left3A_9 : i32
    %get3A_11 = arith.constant 2 : index
    %get3A_12 = memref.load %arg0[%get3A_11] : memref<16xi32, #tpu.memory_space<smem>>
    %add3A_13 = arith.constant 1 : i32
    %add3A_14 = arith.addi %get3A_12, %add3A_13 : i32
    %shift_left3A_15 = arith.constant 1 : i32
    %shift_left3A_16 = arith.shli %shift_left3A_15, %add3A_14 : i32
    %or3A_17 = arith.ori %or3A_10, %shift_left3A_16 : i32
    %get3A_18 = arith.constant 3 : index
    %get3A_19 = memref.load %arg0[%get3A_18] : memref<16xi32, #tpu.memory_space<smem>>
    %add3A_20 = arith.constant 1 : i32
    %add3A_21 = arith.addi %get3A_19, %add3A_20 : i32
    %shift_left3A_22 = arith.constant 1 : i32
    %shift_left3A_23 = arith.shli %shift_left3A_22, %add3A_21 : i32
    %or3A_24 = arith.ori %or3A_17, %shift_left3A_23 : i32
    %get3A_25 = arith.constant 4 : index
    %get3A_26 = memref.load %arg0[%get3A_25] : memref<16xi32, #tpu.memory_space<smem>>
    %add3A_27 = arith.constant 1 : i32
    %add3A_28 = arith.addi %get3A_26, %add3A_27 : i32
    %shift_left3A_29 = arith.constant 1 : i32
    %shift_left3A_30 = arith.shli %shift_left3A_29, %add3A_28 : i32
    %or3A_31 = arith.ori %or3A_24, %shift_left3A_30 : i32
    %get3A_32 = arith.constant 5 : index
    %get3A_33 = memref.load %arg0[%get3A_32] : memref<16xi32, #tpu.memory_space<smem>>
    %add3A_34 = arith.constant 1 : i32
    %add3A_35 = arith.addi %get3A_33, %add3A_34 : i32
    %shift_left3A_36 = arith.constant 1 : i32
    %shift_left3A_37 = arith.shli %shift_left3A_36, %add3A_35 : i32
    %or3A_38 = arith.ori %or3A_31, %shift_left3A_37 : i32
    %get3A_39 = arith.constant 6 : index
    %get3A_40 = memref.load %arg0[%get3A_39] : memref<16xi32, #tpu.memory_space<smem>>
    %add3A_41 = arith.constant 1 : i32
    %add3A_42 = arith.addi %get3A_40, %add3A_41 : i32
    %shift_left3A_43 = arith.constant 1 : i32
    %shift_left3A_44 = arith.shli %shift_left3A_43, %add3A_42 : i32
    %or3A_45 = arith.ori %or3A_38, %shift_left3A_44 : i32
    %get3A_46 = arith.constant 7 : index
    %get3A_47 = memref.load %arg0[%get3A_46] : memref<16xi32, #tpu.memory_space<smem>>
    %add3A_48 = arith.constant 1 : i32
    %add3A_49 = arith.addi %get3A_47, %add3A_48 : i32
    %shift_left3A_50 = arith.constant 1 : i32
    %shift_left3A_51 = arith.shli %shift_left3A_50, %add3A_49 : i32
    %or3A_52 = arith.ori %or3A_45, %shift_left3A_51 : i32
    %get3A_53 = arith.constant 8 : index
    %get3A_54 = memref.load %arg0[%get3A_53] : memref<16xi32, #tpu.memory_space<smem>>
    %add3A_55 = arith.constant 1 : i32
    %add3A_56 = arith.addi %get3A_54, %add3A_55 : i32
    %shift_left3A_57 = arith.constant 1 : i32
    %shift_left3A_58 = arith.shli %shift_left3A_57, %add3A_56 : i32
    %or3A_59 = arith.ori %or3A_52, %shift_left3A_58 : i32
    %get3A_60 = arith.constant 9 : index
    %get3A_61 = memref.load %arg0[%get3A_60] : memref<16xi32, #tpu.memory_space<smem>>
    %add3A_62 = arith.constant 1 : i32
    %add3A_63 = arith.addi %get3A_61, %add3A_62 : i32
    %shift_left3A_64 = arith.constant 1 : i32
    %shift_left3A_65 = arith.shli %shift_left3A_64, %add3A_63 : i32
    %or3A_66 = arith.ori %or3A_59, %shift_left3A_65 : i32
    %get3A_67 = arith.constant 10 : index
    %get3A_68 = memref.load %arg0[%get3A_67] : memref<16xi32, #tpu.memory_space<smem>>
    %add3A_69 = arith.constant 1 : i32
    %add3A_70 = arith.addi %get3A_68, %add3A_69 : i32
    %shift_left3A_71 = arith.constant 1 : i32
    %shift_left3A_72 = arith.shli %shift_left3A_71, %add3A_70 : i32
    %or3A_73 = arith.ori %or3A_66, %shift_left3A_72 : i32
    %get3A_74 = arith.constant 11 : index
    %get3A_75 = memref.load %arg0[%get3A_74] : memref<16xi32, #tpu.memory_space<smem>>
    %add3A_76 = arith.constant 1 : i32
    %add3A_77 = arith.addi %get3A_75, %add3A_76 : i32
    %shift_left3A_78 = arith.constant 1 : i32
    %shift_left3A_79 = arith.shli %shift_left3A_78, %add3A_77 : i32
    %or3A_80 = arith.ori %or3A_73, %shift_left3A_79 : i32
    %get3A_81 = arith.constant 0 : index
    %get3A_82 = arith.constant 0 : index
    %get3A_83 = arith.constant 0 : index
    %get3A_84 = vector.load %arg1[%get3A_81, %get3A_82, %get3A_83] : memref<32x20x16xi32, #tpu.memory_space<vmem>>, vector<32x20x16xi32>
    %reduce_sum3A = arith.constant dense<0> : vector<20x16xi32>
    %reduce_sum3A_85 = vector.multi_reduction <add>, %get3A_84, %reduce_sum3A [0] : vector<32x20x16xi32> to vector<20x16xi32>
    %iota3A = tpu.iota {dimensions = array<i32: 0>} : vector<20x1xi32>
    %shift_right_arithmetic3A = vector.broadcast %or3A_80 : i32 to vector<20x1xi32>
    %shift_right_arithmetic3A_86 = arith.shrsi %shift_right_arithmetic3A, %iota3A : vector<20x1xi32>
    %and3A = arith.constant 1 : i32
    %and3A_87 = vector.broadcast %and3A : i32 to vector<20x1xi32>
    %and3A_88 = arith.andi %shift_right_arithmetic3A_86, %and3A_87 : vector<20x1xi32>
    %eq3A = arith.constant 1 : i32
    %eq3A_89 = vector.broadcast %eq3A : i32 to vector<20x1xi32>
    %eq3A_90 = arith.cmpi eq, %and3A_88, %eq3A_89 : vector<20x1xi32>
    %jit3A = arith.constant 0 : i32
    %broadcast_in_dim3A = vector.shape_cast %eq3A_90 : vector<20x1xi1> to vector<20x1xi1>
    %broadcast_in_dim3A_91 = vector.broadcast %broadcast_in_dim3A : vector<20x1xi1> to vector<20x16xi1>
    %broadcast_in_dim3A_92 = vector.broadcast %jit3A : i32 to vector<20x16xi32>
    %select_n3A = arith.select %broadcast_in_dim3A_91, %reduce_sum3A_85, %broadcast_in_dim3A_92 : vector<20x16xi1>, vector<20x16xi32>
    %reduce_sum3A_93 = vector.shape_cast %select_n3A : vector<20x16xi32> to vector<1x20x16xi32>
    %reduce_sum3A_94 = arith.constant dense<0> : vector<1xi32>
    %reduce_sum3A_95 = vector.multi_reduction <add>, %reduce_sum3A_93, %reduce_sum3A_94 [1, 2] : vector<1x20x16xi32> to vector<1xi32>
    %reduce_sum3A_96 = vector.shape_cast %reduce_sum3A_95 : vector<1xi32> to vector<1x1x1xi32>
    %reduce_sum3A_97 = vector.extract %reduce_sum3A_96[0, 0, 0] : i32 from vector<1x1x1xi32>
    %sub3A = arith.constant 2097152 : i32
    %sub3A_98 = arith.subi %sub3A, %reduce_sum3A_97 : i32
    %broadcast_in_dim3A_99 = vector.broadcast %sub3A_98 : i32 to vector<1x16xi32>
    %slice3A = vector.extract_strided_slice %select_n3A {offsets = [1, 0], sizes = [19, 16], strides = [1, 1]} : vector<20x16xi32> to vector<19x16xi32>
    %broadcast_in_dim3A_100 = arith.constant 0 : i32
    %broadcast_in_dim3A_101 = vector.broadcast %broadcast_in_dim3A_100 : i32 to vector<1x16xi32>
    %concatenate3A = tpu.concatenate %broadcast_in_dim3A_99, %slice3A, %broadcast_in_dim3A_101 in 0 : vector<1x16xi32>, vector<19x16xi32>, vector<1x16xi32> -> vector<21x16xi32>
    %reduce_sum3A_102 = arith.constant dense<0> : vector<21xi32>
    %reduce_sum3A_103 = vector.multi_reduction <add>, %concatenate3A, %reduce_sum3A_102 [1] : vector<21x16xi32> to vector<21xi32>
    %broadcast_in_dim3A_104 = vector.shape_cast %reduce_sum3A_103 : vector<21xi32> to vector<21x1xi32>
    %gt3A = arith.constant 0 : i32
    %gt3A_105 = vector.broadcast %gt3A : i32 to vector<21x1xi32>
    %gt3A_106 = arith.cmpi sgt, %broadcast_in_dim3A_104, %gt3A_105 : vector<21x1xi32>
    %iota3A_107 = tpu.iota {dimensions = array<i32: 0>} : vector<21x1xi32>
    %ge3A = arith.constant 1 : i32
    %ge3A_108 = vector.broadcast %ge3A : i32 to vector<21x1xi32>
    %ge3A_109 = arith.cmpi sge, %iota3A_107, %ge3A_108 : vector<21x1xi32>
    %and3A_110 = arith.andi %gt3A_106, %ge3A_109 : vector<21x1xi1>
    %jit3A_111 = arith.constant 1 : i32
    %jit3A_112 = arith.constant 0 : i32
    %broadcast_in_dim3A_113 = vector.broadcast %jit3A_111 : i32 to vector<21x1xi32>
    %broadcast_in_dim3A_114 = vector.broadcast %jit3A_112 : i32 to vector<21x1xi32>
    %select_n3A_115 = arith.select %and3A_110, %broadcast_in_dim3A_113, %broadcast_in_dim3A_114 : vector<21x1xi1>, vector<21x1xi32>
    %slice3A_116 = vector.extract_strided_slice %gt3A_106 {offsets = [0, 0], sizes = [1, 1], strides = [1, 1]} : vector<21x1xi1> to vector<1x1xi1>
    %jit3A_117 = arith.constant 1 : i32
    %jit3A_118 = arith.constant 0 : i32
    %broadcast_in_dim3A_119 = vector.broadcast %jit3A_117 : i32 to vector<1x1xi32>
    %broadcast_in_dim3A_120 = vector.broadcast %jit3A_118 : i32 to vector<1x1xi32>
    %select_n3A_121 = arith.select %slice3A_116, %broadcast_in_dim3A_119, %broadcast_in_dim3A_120 : vector<1x1xi1>, vector<1x1xi32>
    %broadcast_in_dim3A_122 = arith.constant 0 : i32
    %broadcast_in_dim3A_123 = vector.broadcast %broadcast_in_dim3A_122 : i32 to vector<1x1xi32>
    %slice3A_124 = vector.extract_strided_slice %select_n3A_115 {offsets = [0, 0], sizes = [20, 1], strides = [1, 1]} : vector<21x1xi32> to vector<20x1xi32>
    %concatenate3A_125 = tpu.concatenate %broadcast_in_dim3A_123, %slice3A_124 in 0 : vector<1x1xi32>, vector<20x1xi32> -> vector<21x1xi32>
    %add3A_126 = arith.addi %select_n3A_115, %concatenate3A_125 : vector<21x1xi32>
    %broadcast_in_dim3A_127 = arith.constant 0 : i32
    %broadcast_in_dim3A_128 = vector.broadcast %broadcast_in_dim3A_127 : i32 to vector<2x1xi32>
    %slice3A_129 = vector.extract_strided_slice %add3A_126 {offsets = [0, 0], sizes = [19, 1], strides = [1, 1]} : vector<21x1xi32> to vector<19x1xi32>
    %concatenate3A_130 = tpu.concatenate %broadcast_in_dim3A_128, %slice3A_129 in 0 : vector<2x1xi32>, vector<19x1xi32> -> vector<21x1xi32>
    %add3A_131 = arith.addi %add3A_126, %concatenate3A_130 : vector<21x1xi32>
    %broadcast_in_dim3A_132 = arith.constant 0 : i32
    %broadcast_in_dim3A_133 = vector.broadcast %broadcast_in_dim3A_132 : i32 to vector<4x1xi32>
    %slice3A_134 = vector.extract_strided_slice %add3A_131 {offsets = [0, 0], sizes = [17, 1], strides = [1, 1]} : vector<21x1xi32> to vector<17x1xi32>
    %concatenate3A_135 = tpu.concatenate %broadcast_in_dim3A_133, %slice3A_134 in 0 : vector<4x1xi32>, vector<17x1xi32> -> vector<21x1xi32>
    %add3A_136 = arith.addi %add3A_131, %concatenate3A_135 : vector<21x1xi32>
    %broadcast_in_dim3A_137 = arith.constant 0 : i32
    %broadcast_in_dim3A_138 = vector.broadcast %broadcast_in_dim3A_137 : i32 to vector<8x1xi32>
    %slice3A_139 = vector.extract_strided_slice %add3A_136 {offsets = [0, 0], sizes = [13, 1], strides = [1, 1]} : vector<21x1xi32> to vector<13x1xi32>
    %concatenate3A_140 = tpu.concatenate %broadcast_in_dim3A_138, %slice3A_139 in 0 : vector<8x1xi32>, vector<13x1xi32> -> vector<21x1xi32>
    %add3A_141 = arith.addi %add3A_136, %concatenate3A_140 : vector<21x1xi32>
    %broadcast_in_dim3A_142 = arith.constant 0 : i32
    %broadcast_in_dim3A_143 = vector.broadcast %broadcast_in_dim3A_142 : i32 to vector<16x1xi32>
    %slice3A_144 = vector.extract_strided_slice %add3A_141 {offsets = [0, 0], sizes = [5, 1], strides = [1, 1]} : vector<21x1xi32> to vector<5x1xi32>
    %concatenate3A_145 = tpu.concatenate %broadcast_in_dim3A_143, %slice3A_144 in 0 : vector<16x1xi32>, vector<5x1xi32> -> vector<21x1xi32>
    %add3A_146 = arith.addi %add3A_141, %concatenate3A_145 : vector<21x1xi32>
    %sub3A_147 = arith.subi %add3A_146, %select_n3A_115 : vector<21x1xi32>
    %add3A_148 = arith.constant 2 : i32
    %add3A_149 = vector.broadcast %add3A_148 : i32 to vector<1x1xi32>
    %add3A_150 = arith.addi %add3A_149, %select_n3A_121 : vector<1x1xi32>
    %add3A_151 = vector.broadcast %add3A_150 : vector<1x1xi32> to vector<21x1xi32>
    %add3A_152 = arith.addi %add3A_151, %sub3A_147 : vector<21x1xi32>
    %iota3A_153 = tpu.iota {dimensions = array<i32: 1>} : vector<1x16xi32>
    %ge3A_154 = arith.constant 1 : i32
    %ge3A_155 = vector.broadcast %ge3A_154 : i32 to vector<1x16xi32>
    %ge3A_156 = arith.cmpi sge, %iota3A_153, %ge3A_155 : vector<1x16xi32>
    %le3A = arith.constant 9 : i32
    %le3A_157 = vector.broadcast %le3A : i32 to vector<1x16xi32>
    %le3A_158 = arith.cmpi sle, %iota3A_153, %le3A_157 : vector<1x16xi32>
    %and3A_159 = arith.andi %ge3A_156, %le3A_158 : vector<1x16xi1>
    %eq3A_160 = arith.constant 12 : i32
    %eq3A_161 = vector.broadcast %eq3A_160 : i32 to vector<1x16xi32>
    %eq3A_162 = arith.cmpi eq, %iota3A_153, %eq3A_161 : vector<1x16xi32>
    %or3A_163 = arith.ori %and3A_159, %eq3A_162 : vector<1x16xi1>
    %eq3A_164 = arith.constant 13 : i32
    %eq3A_165 = vector.broadcast %eq3A_164 : i32 to vector<1x16xi32>
    %eq3A_166 = arith.cmpi eq, %iota3A_153, %eq3A_165 : vector<1x16xi32>
    %or3A_167 = arith.ori %or3A_163, %eq3A_166 : vector<1x16xi1>
    %convert_element_type3A = arith.extui %or3A_167 : vector<1x16xi1> to vector<1x16xi32>
    %mul3A = vector.broadcast %convert_element_type3A : vector<1x16xi32> to vector<21x16xi32>
    %mul3A_168 = arith.muli %concatenate3A, %mul3A : vector<21x16xi32>
    %reduce_sum3A_169 = arith.constant dense<0> : vector<21xi32>
    %reduce_sum3A_170 = vector.multi_reduction <add>, %mul3A_168, %reduce_sum3A_169 [1] : vector<21x16xi32> to vector<21xi32>
    %broadcast_in_dim3A_171 = vector.shape_cast %reduce_sum3A_170 : vector<21xi32> to vector<21x1xi32>
    %gt3A_172 = arith.constant 0 : i32
    %gt3A_173 = vector.broadcast %gt3A_172 : i32 to vector<21x1xi32>
    %gt3A_174 = arith.cmpi sgt, %broadcast_in_dim3A_171, %gt3A_173 : vector<21x1xi32>
    %reduce_max3A = arith.constant dense<-2147483648> : vector<21xi32>
    %reduce_max3A_175 = vector.multi_reduction <maxsi>, %mul3A_168, %reduce_max3A [1] : vector<21x16xi32> to vector<21xi32>
    %broadcast_in_dim3A_176 = vector.shape_cast %reduce_max3A_175 : vector<21xi32> to vector<21x1xi32>
    %iota3A_177 = tpu.iota {dimensions = array<i32: 1>} : vector<21x16xi32>
    %eq3A_178 = vector.broadcast %broadcast_in_dim3A_176 : vector<21x1xi32> to vector<21x16xi32>
    %eq3A_179 = arith.cmpi eq, %mul3A_168, %eq3A_178 : vector<21x16xi32>
    %and3A_180 = vector.broadcast %or3A_167 : vector<1x16xi1> to vector<21x16xi1>
    %and3A_181 = arith.andi %eq3A_179, %and3A_180 : vector<21x16xi1>
    %jit3A_182 = arith.constant 999 : i32
    %broadcast_in_dim3A_183 = vector.broadcast %jit3A_182 : i32 to vector<21x16xi32>
    %select_n3A_184 = arith.select %and3A_181, %iota3A_177, %broadcast_in_dim3A_183 : vector<21x16xi1>, vector<21x16xi32>
    %reduce_min3A = arith.constant dense<2147483647> : vector<21xi32>
    %reduce_min3A_185 = vector.multi_reduction <minsi>, %select_n3A_184, %reduce_min3A [1] : vector<21x16xi32> to vector<21xi32>
    %broadcast_in_dim3A_186 = vector.shape_cast %reduce_min3A_185 : vector<21xi32> to vector<21x1xi32>
    %eq3A_187 = arith.constant 2 : i32
    %eq3A_188 = vector.broadcast %eq3A_187 : i32 to vector<21x1xi32>
    %eq3A_189 = arith.cmpi eq, %add3A_152, %eq3A_188 : vector<21x1xi32>
    %jit3A_190 = arith.constant 0 : i32
    %broadcast_in_dim3A_191 = vector.broadcast %jit3A_190 : i32 to vector<21x1xi32>
    %select_n3A_192 = arith.select %gt3A_174, %broadcast_in_dim3A_186, %broadcast_in_dim3A_191 : vector<21x1xi1>, vector<21x1xi32>
    %jit3A_193 = arith.constant 11 : i32
    %broadcast_in_dim3A_194 = vector.broadcast %jit3A_193 : i32 to vector<21x1xi32>
    %select_n3A_195 = arith.select %eq3A_189, %broadcast_in_dim3A_194, %select_n3A_192 : vector<21x1xi1>, vector<21x1xi32>
    %mul3A_196 = arith.constant 32 : i32
    %mul3A_197 = vector.broadcast %mul3A_196 : i32 to vector<21x1xi32>
    %mul3A_198 = arith.muli %select_n3A_195, %mul3A_197 : vector<21x1xi32>
    %add3A_199 = arith.addi %add3A_152, %mul3A_198 : vector<21x1xi32>
    %broadcast_in_dim3A_200 = arith.constant 0 : i32
    %broadcast_in_dim3A_201 = vector.broadcast %broadcast_in_dim3A_200 : i32 to vector<2x1xi32>
    %broadcast_in_dim3A_202 = arith.constant 0 : i32
    %broadcast_in_dim3A_203 = vector.broadcast %broadcast_in_dim3A_202 : i32 to vector<9x1xi32>
    %concatenate3A_204 = tpu.concatenate %broadcast_in_dim3A_201, %add3A_199, %broadcast_in_dim3A_203 in 0 : vector<2x1xi32>, vector<21x1xi32>, vector<9x1xi32> -> vector<32x1xi32>
    %iota3A_205 = tpu.iota {dimensions = array<i32: 0>} : vector<32x1xi32>
    %eq3A_206 = arith.constant 1 : i32
    %eq3A_207 = vector.broadcast %eq3A_206 : i32 to vector<32x1xi32>
    %eq3A_208 = arith.cmpi eq, %iota3A_205, %eq3A_207 : vector<32x1xi32>
    %eq3A_209 = arith.constant 2 : i32
    %eq3A_210 = vector.broadcast %eq3A_209 : i32 to vector<32x1xi32>
    %eq3A_211 = arith.cmpi eq, %iota3A_205, %eq3A_210 : vector<32x1xi32>
    %eq3A_212 = arith.constant 0 : i32
    %eq3A_213 = vector.broadcast %eq3A_212 : i32 to vector<32x1xi32>
    %eq3A_214 = arith.cmpi eq, %iota3A_205, %eq3A_213 : vector<32x1xi32>
    %jit3A_215 = arith.constant 0 : i32
    %broadcast_in_dim3A_216 = vector.broadcast %jit3A_215 : i32 to vector<32x1xi32>
    %select_n3A_217 = arith.select %eq3A_214, %broadcast_in_dim3A_216, %concatenate3A_204 : vector<32x1xi1>, vector<32x1xi32>
    %jit3A_218 = arith.constant 354 : i32
    %broadcast_in_dim3A_219 = vector.broadcast %jit3A_218 : i32 to vector<32x1xi32>
    %select_n3A_220 = arith.select %eq3A_211, %broadcast_in_dim3A_219, %select_n3A_217 : vector<32x1xi1>, vector<32x1xi32>
    %jit3A_221 = arith.constant 321 : i32
    %broadcast_in_dim3A_222 = vector.broadcast %jit3A_221 : i32 to vector<32x1xi32>
    %select_n3A_223 = arith.select %eq3A_208, %broadcast_in_dim3A_222, %select_n3A_220 : vector<32x1xi1>, vector<32x1xi32>
    %slice3A_224 = vector.extract_strided_slice %select_n3A_223 {offsets = [0, 0], sizes = [1, 1], strides = [1, 1]} : vector<32x1xi32> to vector<1x1xi32>
    %slice3A_225 = vector.extract_strided_slice %select_n3A_223 {offsets = [1, 0], sizes = [1, 1], strides = [1, 1]} : vector<32x1xi32> to vector<1x1xi32>
    %mul3A_226 = arith.constant 512 : i32
    %mul3A_227 = vector.broadcast %mul3A_226 : i32 to vector<1x1xi32>
    %mul3A_228 = arith.muli %mul3A_227, %slice3A_225 : vector<1x1xi32>
    %add3A_229 = arith.addi %slice3A_224, %mul3A_228 : vector<1x1xi32>
    %slice3A_230 = vector.extract_strided_slice %select_n3A_223 {offsets = [2, 0], sizes = [1, 1], strides = [1, 1]} : vector<32x1xi32> to vector<1x1xi32>
    %mul3A_231 = arith.constant 262144 : i32
    %mul3A_232 = vector.broadcast %mul3A_231 : i32 to vector<1x1xi32>
    %mul3A_233 = arith.muli %mul3A_232, %slice3A_230 : vector<1x1xi32>
    %add3A_234 = arith.addi %add3A_229, %mul3A_233 : vector<1x1xi32>
    %slice3A_235 = vector.extract_strided_slice %select_n3A_223 {offsets = [3, 0], sizes = [1, 1], strides = [1, 1]} : vector<32x1xi32> to vector<1x1xi32>
    %slice3A_236 = vector.extract_strided_slice %select_n3A_223 {offsets = [4, 0], sizes = [1, 1], strides = [1, 1]} : vector<32x1xi32> to vector<1x1xi32>
    %mul3A_237 = arith.constant 512 : i32
    %mul3A_238 = vector.broadcast %mul3A_237 : i32 to vector<1x1xi32>
    %mul3A_239 = arith.muli %mul3A_238, %slice3A_236 : vector<1x1xi32>
    %add3A_240 = arith.addi %slice3A_235, %mul3A_239 : vector<1x1xi32>
    %slice3A_241 = vector.extract_strided_slice %select_n3A_223 {offsets = [5, 0], sizes = [1, 1], strides = [1, 1]} : vector<32x1xi32> to vector<1x1xi32>
    %mul3A_242 = arith.constant 262144 : i32
    %mul3A_243 = vector.broadcast %mul3A_242 : i32 to vector<1x1xi32>
    %mul3A_244 = arith.muli %mul3A_243, %slice3A_241 : vector<1x1xi32>
    %add3A_245 = arith.addi %add3A_240, %mul3A_244 : vector<1x1xi32>
    %slice3A_246 = vector.extract_strided_slice %select_n3A_223 {offsets = [6, 0], sizes = [1, 1], strides = [1, 1]} : vector<32x1xi32> to vector<1x1xi32>
    %slice3A_247 = vector.extract_strided_slice %select_n3A_223 {offsets = [7, 0], sizes = [1, 1], strides = [1, 1]} : vector<32x1xi32> to vector<1x1xi32>
    %mul3A_248 = arith.constant 512 : i32
    %mul3A_249 = vector.broadcast %mul3A_248 : i32 to vector<1x1xi32>
    %mul3A_250 = arith.muli %mul3A_249, %slice3A_247 : vector<1x1xi32>
    %add3A_251 = arith.addi %slice3A_246, %mul3A_250 : vector<1x1xi32>
    %slice3A_252 = vector.extract_strided_slice %select_n3A_223 {offsets = [8, 0], sizes = [1, 1], strides = [1, 1]} : vector<32x1xi32> to vector<1x1xi32>
    %mul3A_253 = arith.constant 262144 : i32
    %mul3A_254 = vector.broadcast %mul3A_253 : i32 to vector<1x1xi32>
    %mul3A_255 = arith.muli %mul3A_254, %slice3A_252 : vector<1x1xi32>
    %add3A_256 = arith.addi %add3A_251, %mul3A_255 : vector<1x1xi32>
    %slice3A_257 = vector.extract_strided_slice %select_n3A_223 {offsets = [9, 0], sizes = [1, 1], strides = [1, 1]} : vector<32x1xi32> to vector<1x1xi32>
    %slice3A_258 = vector.extract_strided_slice %select_n3A_223 {offsets = [10, 0], sizes = [1, 1], strides = [1, 1]} : vector<32x1xi32> to vector<1x1xi32>
    %mul3A_259 = arith.constant 512 : i32
    %mul3A_260 = vector.broadcast %mul3A_259 : i32 to vector<1x1xi32>
    %mul3A_261 = arith.muli %mul3A_260, %slice3A_258 : vector<1x1xi32>
    %add3A_262 = arith.addi %slice3A_257, %mul3A_261 : vector<1x1xi32>
    %slice3A_263 = vector.extract_strided_slice %select_n3A_223 {offsets = [11, 0], sizes = [1, 1], strides = [1, 1]} : vector<32x1xi32> to vector<1x1xi32>
    %mul3A_264 = arith.constant 262144 : i32
    %mul3A_265 = vector.broadcast %mul3A_264 : i32 to vector<1x1xi32>
    %mul3A_266 = arith.muli %mul3A_265, %slice3A_263 : vector<1x1xi32>
    %add3A_267 = arith.addi %add3A_262, %mul3A_266 : vector<1x1xi32>
    %slice3A_268 = vector.extract_strided_slice %select_n3A_223 {offsets = [12, 0], sizes = [1, 1], strides = [1, 1]} : vector<32x1xi32> to vector<1x1xi32>
    %slice3A_269 = vector.extract_strided_slice %select_n3A_223 {offsets = [13, 0], sizes = [1, 1], strides = [1, 1]} : vector<32x1xi32> to vector<1x1xi32>
    %mul3A_270 = arith.constant 512 : i32
    %mul3A_271 = vector.broadcast %mul3A_270 : i32 to vector<1x1xi32>
    %mul3A_272 = arith.muli %mul3A_271, %slice3A_269 : vector<1x1xi32>
    %add3A_273 = arith.addi %slice3A_268, %mul3A_272 : vector<1x1xi32>
    %slice3A_274 = vector.extract_strided_slice %select_n3A_223 {offsets = [14, 0], sizes = [1, 1], strides = [1, 1]} : vector<32x1xi32> to vector<1x1xi32>
    %mul3A_275 = arith.constant 262144 : i32
    %mul3A_276 = vector.broadcast %mul3A_275 : i32 to vector<1x1xi32>
    %mul3A_277 = arith.muli %mul3A_276, %slice3A_274 : vector<1x1xi32>
    %add3A_278 = arith.addi %add3A_273, %mul3A_277 : vector<1x1xi32>
    %slice3A_279 = vector.extract_strided_slice %select_n3A_223 {offsets = [15, 0], sizes = [1, 1], strides = [1, 1]} : vector<32x1xi32> to vector<1x1xi32>
    %slice3A_280 = vector.extract_strided_slice %select_n3A_223 {offsets = [16, 0], sizes = [1, 1], strides = [1, 1]} : vector<32x1xi32> to vector<1x1xi32>
    %mul3A_281 = arith.constant 512 : i32
    %mul3A_282 = vector.broadcast %mul3A_281 : i32 to vector<1x1xi32>
    %mul3A_283 = arith.muli %mul3A_282, %slice3A_280 : vector<1x1xi32>
    %add3A_284 = arith.addi %slice3A_279, %mul3A_283 : vector<1x1xi32>
    %slice3A_285 = vector.extract_strided_slice %select_n3A_223 {offsets = [17, 0], sizes = [1, 1], strides = [1, 1]} : vector<32x1xi32> to vector<1x1xi32>
    %mul3A_286 = arith.constant 262144 : i32
    %mul3A_287 = vector.broadcast %mul3A_286 : i32 to vector<1x1xi32>
    %mul3A_288 = arith.muli %mul3A_287, %slice3A_285 : vector<1x1xi32>
    %add3A_289 = arith.addi %add3A_284, %mul3A_288 : vector<1x1xi32>
    %slice3A_290 = vector.extract_strided_slice %select_n3A_223 {offsets = [18, 0], sizes = [1, 1], strides = [1, 1]} : vector<32x1xi32> to vector<1x1xi32>
    %slice3A_291 = vector.extract_strided_slice %select_n3A_223 {offsets = [19, 0], sizes = [1, 1], strides = [1, 1]} : vector<32x1xi32> to vector<1x1xi32>
    %mul3A_292 = arith.constant 512 : i32
    %mul3A_293 = vector.broadcast %mul3A_292 : i32 to vector<1x1xi32>
    %mul3A_294 = arith.muli %mul3A_293, %slice3A_291 : vector<1x1xi32>
    %add3A_295 = arith.addi %slice3A_290, %mul3A_294 : vector<1x1xi32>
    %slice3A_296 = vector.extract_strided_slice %select_n3A_223 {offsets = [20, 0], sizes = [1, 1], strides = [1, 1]} : vector<32x1xi32> to vector<1x1xi32>
    %mul3A_297 = arith.constant 262144 : i32
    %mul3A_298 = vector.broadcast %mul3A_297 : i32 to vector<1x1xi32>
    %mul3A_299 = arith.muli %mul3A_298, %slice3A_296 : vector<1x1xi32>
    %add3A_300 = arith.addi %add3A_295, %mul3A_299 : vector<1x1xi32>
    %slice3A_301 = vector.extract_strided_slice %select_n3A_223 {offsets = [21, 0], sizes = [1, 1], strides = [1, 1]} : vector<32x1xi32> to vector<1x1xi32>
    %slice3A_302 = vector.extract_strided_slice %select_n3A_223 {offsets = [22, 0], sizes = [1, 1], strides = [1, 1]} : vector<32x1xi32> to vector<1x1xi32>
    %mul3A_303 = arith.constant 512 : i32
    %mul3A_304 = vector.broadcast %mul3A_303 : i32 to vector<1x1xi32>
    %mul3A_305 = arith.muli %mul3A_304, %slice3A_302 : vector<1x1xi32>
    %add3A_306 = arith.addi %slice3A_301, %mul3A_305 : vector<1x1xi32>
    %slice3A_307 = vector.extract_strided_slice %select_n3A_223 {offsets = [23, 0], sizes = [1, 1], strides = [1, 1]} : vector<32x1xi32> to vector<1x1xi32>
    %mul3A_308 = arith.constant 262144 : i32
    %mul3A_309 = vector.broadcast %mul3A_308 : i32 to vector<1x1xi32>
    %mul3A_310 = arith.muli %mul3A_309, %slice3A_307 : vector<1x1xi32>
    %add3A_311 = arith.addi %add3A_306, %mul3A_310 : vector<1x1xi32>
    %concatenate3A_312 = tpu.concatenate %add3A_234, %add3A_245, %add3A_256, %add3A_267, %add3A_278, %add3A_289, %add3A_300, %add3A_311 in 0 : vector<1x1xi32>, vector<1x1xi32>, vector<1x1xi32>, vector<1x1xi32>, vector<1x1xi32>, vector<1x1xi32>, vector<1x1xi32>, vector<1x1xi32> -> vector<8x1xi32>
    %swap3A = arith.constant 0 : index
    %swap3A_313 = arith.constant 0 : index
    %swap3A_314 = vector.load %arg2[%swap3A, %swap3A_313] : memref<8x1xi32, #tpu.memory_space<vmem>>, vector<8x1xi32>
    tpu.vector_store %arg2[%swap3A, %swap3A_313], %concatenate3A_312 {strides = array<i32>} : memref<8x1xi32, #tpu.memory_space<vmem>>, vector<8x1xi32>,
    return
  }
}

</mosaic_0001>

<sc_bundles>
// kernel: kernel.6.cloned.1.call-start
scs
__scs_entry_jumppad:
0x0: {  	(pc) =	sbr.rel $0x88, $3  }
0x1: {  	(tag) =	ssettag $0x0;
	lr =	simm.s32 $0x1  }
0x2: {  	[smem:$0x3F9D] =	sst lr;
	_ =	strace $0xD0000000  }
0x3: {  	_ = 	snop  }
0x4: {  	_ = 	snop  }
0x5: {  	_ = 	snop  }
0x6: {  	_ = 	snop  }
0x7: {  	_ = 	snop  }
__scs_overlays_trampoline_lowered:
0x8: {  	[smem:$0x3FAC] =	sst s0  }
0x9: {  	[smem:$0x3FAD] =	sst s1  }
0xa: {  	[smem:$0x3FAE] =	sst s2  }
0xb: {  	[smem:$0x3FAF] =	sst s3  }
0xc: {  	[smem:$0x3FB0] =	sst s4  }
0xd: {  	[smem:$0x3FB1] =	sst s5  }
0xe: {  	[smem:$0x3FB2] =	sst s6  }
0xf: {  	[smem:$0x3FB3] =	sst s7  }
0x10: {  	[smem:$0x3FB4] =	sst s8  }
0x11: {  	[smem:$0x3FB5] =	sst s9;
	s0 =	simm.s32 @!p0 $0x0  }
0x12: {  	s1 =	sld [smem:$0x3F9B];
	s0 =	simm.s32 @p0 $0x1  }
0x13: {  	[smem:$0x3FB6] =	sst s0;
	s0 =	simm.s32 @!p1 $0x0  }
0x14: {  	s2 =	sld [smem:$0x3F9A];
	s0 =	simm.s32 @p1 $0x1  }
0x15: {  	[smem:$0x3FB7] =	sst s0;
	s0 =	simm.s32 @!p2 $0x0  }
0x16: {  	s3 =	sld [smem:$0x3FDB];
	s0 =	simm.s32 @p2 $0x1  }
0x17: {  	s4 =	simm.s32 $0x1BF5;
	[smem:$0x3FB9] =	sst s0  }
0x18: {  	s0 =	sld [smem:$0x3F9C];
	_ =	swait.ge [sflag:s4], $0x0  }
0x19: {  	s7 =	sld [smem:$0x3F9D]  }
0x1a: {  	s8 =	sadd.s32 $0xFFFFE003, lr  }
0x1b: {  	s9 =	sadd.s32 $0xFFFFFEF7, lr;
	s5 =	simm.s32 $0xFFFFFFFF;
	p2 =	slt.u32 s8, $0xFFFFF086  }
0x1c: {  	p1 =	slt.u32 s9, $0xF7A;
	s5 =	simm.s32 @!p2 $0x0  }
0x1d: {  	s5 =	simm.s32 @p1 $0x1;
	p0 =	seq.s32 s7, s2  }
0x1e: {  	s7 =	smul.u32 @!p0 $0xF7A, s2;
	p2 =	seq.s32 @!p0 s5, $0x0  }
0x1f: {  	s9 =	smul.u32 $0xF7A, s1;
	s8 =	simm.s32 @!p0 $0x1BF5;
	p2 =	por !p2, p0  }
0x20: {  	[sflag:s8] =	ssyncset.s32 @!p0 $0xFFFFF086;
	s6 =	sadd.s32 @!p0 s3, s7;
	s7 =	simm.s32 @!p0 $0x108  }
0x21: {  	s3 =	sadd.s32 s3, s9;
	s6 =	sadd.s32 @!p0 $0x88, s6;
	s7 =	simm.s32 @p2 $0x1082  }
0x22: {  	[simem:s7], [sflag:s8] =	dma.local @!p0 [hbm:s6], $0xF7A  }
0x23: {  	s9 =	sor.u32 $0xD0000000, s2;
	s6 =	simm.s32 $0x108;
	_ =	swait.ge @!p0 [sflag:s8], $0x0  }
0x24: {  	s3 =	sadd.s32 $0x88, s3;
	s6 =	simm.s32 @!p1 $0x1082;
	[sflag:s4] =	ssyncset.s32 $0xFFFFF086  }
0x25: {  	[simem:s6], [sflag:s4] =	dma.local [hbm:s3], $0xF7A  }
0x26: {  	[smem:$0x3F9D] =	sst s1;
	(tag) =	ssettag s2;
	_ =	strace s9  }
0x27: {  	s1 =	sld [smem:$0x3FAD]  }
0x28: {  	s2 =	sld [smem:$0x3FAE]  }
0x29: {  	s4 =	sld [smem:$0x3FB0]  }
0x2a: {  	p0 =	seq.s32 s5, $0x0;
	s5 =	sld [smem:$0x3FB1]  }
0x2b: {  	s6 =	sld [smem:$0x3FB2]  }
0x2c: {  	s7 =	sld [smem:$0x3FB3]  }
0x2d: {  	s3 =	simm.s32 $0x108;
	s8 =	sld [smem:$0x3FB4]  }
0x2e: {  	s3 =	simm.s32 @!p0 $0x1082;
	s9 =	sld [smem:$0x3FB5]  }
0x2f: {  	lr =	sadd.s32 s0, s3;
	s0 =	sld [smem:$0x3FAC]  }
0x30: {  	s3 =	sld [smem:$0x3FAF]  }
0x31: {  	[smem:$0x3FB8] =	sst s10  }
0x32: {  	s10 =	sld [smem:$0x3FB6];
	_ =	sdelay $0x3  }
0x33: {  	p0 =	seq.s32 s10, $0x1;
	s10 =	sld [smem:$0x3FB8];
	_ =	sdelay $0x3  }
0x34: {  	[smem:$0x3FB8] =	sst s10  }
0x35: {  	s10 =	sld [smem:$0x3FB7];
	_ =	sdelay $0x3  }
0x36: {  	p1 =	seq.s32 s10, $0x1;
	s10 =	sld [smem:$0x3FB8];
	_ =	sdelay $0x3  }
0x37: {  	[smem:$0x3FB8] =	sst s10  }
0x38: {  	s10 =	sld [smem:$0x3FB9]  }
0x39: {  	_ = 	snop;
	(pc) =	sbr.ind lr, $3  }
0x3a: {  	_ = 	snop  }
0x3b: {  	_ = 	snop  }
0x3c: {  	p2 =	seq.s32 s10, $0x1;
	s10 =	sld [smem:$0x3FB8]  }
0x3d: {  	_ =	shalt  }
0x3e: {  	_ =	shalt  }
0x3f: {  	_ =	shalt  }
0x40: {  	_ =	shalt  }
0x41: {  	_ =	shalt  }
0x42: {  	_ =	shalt  }
0x43: {  	_ =	shalt  }
0x44: {  	_ =	shalt  }
0x45: {  	_ =	shalt  }
0x46: {  	_ =	shalt  }
0x47: {  	_ =	shalt  }
0x48: {  	_ =	shalt  }
0x49: {  	_ =	shalt  }
0x4a: {  	_ =	shalt  }
0x4b: {  	_ =	shalt  }
0x4c: {  	_ =	shalt  }
0x4d: {  	_ =	shalt  }
0x4e: {  	_ =	shalt  }
0x4f: {  	_ =	shalt  }
0x50: {  	_ =	shalt  }
0x51: {  	_ =	shalt  }
0x52: {  	_ =	shalt  }
0x53: {  	_ =	shalt  }
0x54: {  	_ =	shalt  }
0x55: {  	_ =	shalt  }
0x56: {  	_ =	shalt  }
0x57: {  	_ =	shalt  }
0x58: {  	_ =	shalt  }
0x59: {  	_ =	shalt  }
0x5a: {  	_ =	shalt  }
0x5b: {  	_ =	shalt  }
0x5c: {  	_ =	shalt  }
0x5d: {  	_ =	shalt  }
0x5e: {  	_ =	shalt  }
0x5f: {  	_ =	shalt  }
0x60: {  	_ =	shalt  }
0x61: {  	_ =	shalt  }
0x62: {  	_ =	shalt  }
0x63: {  	_ =	shalt  }
0x64: {  	_ =	shalt  }
0x65: {  	_ =	shalt  }
0x66: {  	_ =	shalt  }
0x67: {  	_ =	shalt  }
0x68: {  	_ =	shalt  }
0x69: {  	_ =	shalt  }
0x6a: {  	_ =	shalt  }
0x6b: {  	_ =	shalt  }
0x6c: {  	_ =	shalt  }
0x6d: {  	_ =	shalt  }
0x6e: {  	_ =	shalt  }
0x6f: {  	_ =	shalt  }
0x70: {  	_ =	shalt  }
0x71: {  	_ =	shalt  }
0x72: {  	_ =	shalt  }
0x73: {  	_ =	shalt  }
0x74: {  	_ =	shalt  }
0x75: {  	_ =	shalt  }
0x76: {  	_ =	shalt  }
0x77: {  	_ =	shalt  }
0x78: {  	_ =	shalt  }
0x79: {  	_ =	shalt  }
0x7a: {  	_ =	shalt  }
0x7b: {  	_ =	shalt  }
0x7c: {  	_ =	shalt  }
0x7d: {  	_ =	shalt  }
0x7e: {  	_ =	shalt  }
0x7f: {  	_ =	shalt  }
0x80: {  	_ =	shalt  }
0x81: {  	_ =	shalt  }
0x82: {  	_ =	shalt  }
0x83: {  	_ =	shalt  }
0x84: {  	_ =	shalt  }
0x85: {  	_ =	shalt  }
0x86: {  	_ =	shalt  }
0x87: {  	_ =	shalt  }
.Lfunc_end0:
.L_simem_size_0:
called_computation_lowered:
.L_overlay_start_0:
0x88: {  	s2 =	sld [smem:$0x3FD9]  }
0x89: {  	s3 =	sld [smem:$0x3FFE];
	_ =	sdelay $0x1  }
0x8a: {  	s1 =	srdreg.scid  }
0x8b: {  	s0 =	sand.u32 $0x1, s1  }
0x8c: {  	s15 =	sshll.u32 s0, $0xA;
	s2 =	sadd.s32 s3, s2  }
0x8d: {  	s2 =	sadd.s32 s2, s15  }
0x8e: {  	[smem:$0x3FC4] =	sst s2  }
0x8f: {  	_ = 	snop  }
0x90: {  	s2 =	sld [smem:$0x3FD0];
	_ =	sdelay $0x1  }
0x91: {  	s16 =	sld [smem:$0x3FC8]  }
0x92: {  	s5 =	simm.s32 $0xA;
	s6 =	simm.s32 $0x10;
	s4 =	sld [smem:$0x3FC7]  }
0x93: {  	[smem:s6], [sflag:s5] =	dma.local [hbm:s2], $0x1  }
0x94: {  	_ =	swait.eq [sflag:s5], $0x1  }
0x95: {  	[sflag:s5] =	ssyncset.done $0x0  }
0x96: {  	[sflag:s5] =	ssyncadd.s32 $0xFFFFFFFF  }
0x97: {  	s17 =	sld [smem:$0x11];
	(tm) =	ssettm $0x1  }
0x98: {  	s18 =	sld [smem:$0x3FFB];
	_ =	sdelay $0x3  }
0x99: {  	_ =	strace s18  }
0x9a: {  	s5 =	sld [smem:$0x3FFC];
	_ =	sdelay $0x3  }
0x9b: {  	_ =	strace s5  }
0x9c: {  	s5 =	sld [smem:$0x3FFD];
	_ =	sdelay $0x3  }
0x9d: {  	_ =	strace s5  }
0x9e: {  	_ =	strace $0x8FFFFFFF  }
0x9f: {  	s19 =	sld [smem:$0x3FDB];
	_ =	sdelay $0x1  }
0xa0: {  	s20 =	simm.s32 $_scs_section_size  }
0xa1: {  	s7 =	simm.s32 $_size__tile_overlayer_lowered;
	s8 =	simm.s32 $_tile_overlayer_lowered  }
0xa2: {  	s23 =	simm.s32 $0x1BFF;
	s22 =	sshll.u32 s8, $0x1;
	s5 =	sadd.s32 s20, s19  }
0xa3: {  	s9 =	simm.s32 $0x0;
	s21 =	sshll.u32 s7, $0x1;
	s7 =	sadd.s32 s22, s5  }
0xa4: {  	[timem:s9], [sflag:s23] =	dma.local [hbm:s7], s21  }
0xa5: {  	_ =	swait.ge [sflag:s23], s21  }
0xa6: {  	s6 =	ssub.s32 $0x0, s21;
	[sflag:s23] =	ssyncset.done $0x0  }
0xa7: {  	[sflag:s23] =	ssyncadd.s32 s6;
	_ =	sdelay $0x1  }
0xa8: {  	s24 =	simm.s32 $0x1B8B  }
0xa9: {  	_ =	swait.ge [sflag:s24], $0x1  }
0xaa: {  	[sflag:s24] =	ssyncset.done $0x0  }
0xab: {  	s25 =	simm.s32 $0x1B8E;
	[sflag:s24] =	ssyncadd.s32 $0xFFFFFFFF  }
0xac: {  	s26 =	simm.s32 $execute0_lowered;
	[smem:$0x3FD2] =	sst s25  }
0xad: {  	s6 =	sshll.u32 s26, $0x1;
	_ =	strace $0x80000046;
	[dreg:$0x1] =	wrdreg $0xFFFFFFFF  }
0xae: {  	s28 =	simm.s32 $_size_execute0_lowered;
	s5 =	sadd.s32 s5, s6;
	[dreg:$0x0] =	wrdreg $0x0  }
0xaf: {  	s6 =	sshll.u32 s28, $0x1;
	[dreg:$0x2] =	wrdreg s5  }
0xb0: {  	[dreg:$0x3] =	wrdreg s6  }
0xb1: {  	[dreg:$0x4] =	wrdreg $0xC0  }
0xb2: {  	_ =	task [dreg:s9], $0x5FFFF  }
0xb3: {  	[dreg:$0x1] =	wrdreg $0xFFFFFFFF  }
0xb4: {  	[dreg:$0x0] =	wrdreg $0x60  }
0xb5: {  	[dreg:$0x2] =	wrdreg s16  }
0xb6: {  	[dreg:$0x3] =	wrdreg s4  }
0xb7: {  	[dreg:$0x4] =	wrdreg s17  }
0xb8: {  	[dreg:$0x5] =	wrdreg $0x9  }
0xb9: {  	_ =	task.clear_ibuf [dreg:s9], $0x6FFFF;
	_ =	strace $0x90000046  }
0xba: {  	s29 =	simm.s32 $0x9;
	_ =	strace $0x80000048  }
0xbb: {  	_ =	swait.ge [sflag:s29], $0x1  }
0xbc: {  	[sflag:s29] =	ssyncadd.s32 $0xFFFFFFFF  }
0xbd: {  	_ =	strace $0x90000048  }
0xbe: {  	_ =	sfence  }
0xbf: {  	s30 =	sld [smem:$0x0];
	_ =	sdelay $0x2  }
0xc0: {  	s31 =	sshll.u32 s1, $0xD;
	s1 =	sshrl.u32 s1, $0x2  }
0xc1: {  	s3 =	sand.u32 $0x4000, s31;
	s1 =	sadd.s32 s1, s30  }
0xc2: {  	s0 =	sor.u32 s3, s0;
	s1 =	sshll.u32 s1, $0x11  }
0xc3: {  	s0 =	sor.u32 s1, s0  }
0xc4: {  	s0 =	sadd.s32 $0x8F2B, s0  }
0xc5: {  	[sflag:s0] =	ssyncadd.remote.s32 $0x1  }
0xc6: {  	_ =	sfence.sel $0xFFFF  }
0xc7: {  	[dreg:$0x0] =	wrdreg $0xFFFFFFFF;
	(pc) =	sbr.abs _section_cstart, $3  }
0xc8: {  	[dreg:$0x1] =	wrdreg $0xFFFFFFFF  }
0xc9: {  	_ =	task.clear_ibuf [dreg:s9], $0x2FFFF;
	_ =	strace $0x9FFFFFFF  }
0xca: {  	(tm) =	ssettm $0x7FFFFFFF  }
0xcb: {  	_ =	shalt  }
tec
execute0_lowered:
.L_overlay_start_1:
0x0: {  	(tag) =	ssettag $0x1  }
0x1: {  	s1 =	rddreg [dreg:$0x0]  }
0x2: {  	s3 =	rddreg [dreg:$0x1];
	s2 =	srdreg.scid  }
0x3: {  	s0 =	stileid.u32;
	s6 =	rddreg [dreg:$0x2];
	s4 =	simm.s32 $0x0  }
0x4: {  	s10 =	simm.s32 $0x10000;
	s5 =	sand.u32 $0x1, s2;
	s7 =	sshll.u32 s0, $0x1  }
0x5: {  	s11 =	simm.s32 $0x11400;
	s12 =	simm.s32 $0x0;
	s7 =	sor.u32 s5, s7  }
0x6: {  	[smem:$0x7FF] =	sst s4;
	s5 =	ssub.s32 $0x2, s5;
	s8 =	smul.u32 $0x180, s7  }
0x7: {  	s2 =	rddreg [dreg:$0x3];
	_ =	strace $0x80000047;
	s9 =	sshrl.u32 s5, $0x1  }
0x8: {  	v1 =	vlaneseq.u32;
	s9 =	ssub.s32 s5, s9;
	s5 =	sshll.u32 s7, $0xD;
	s6 =	sadd.s32 s6, s8  }
0x9: {  	v11 =	vimm.s32 $0x0;
	v2 =	vimm.s32 $0x1;
	v1 =	vmul.u32 $0x140, v1;
	s7 =	smax.u32 s9, $0x1;
	s8 =	simm.s32 $0x1;
	s9 =	simm.s32 $0x8000  }
.LBB2_1:
0xa: {  	s13 =	simm.s32 $0x0  }
.LBB2_2:
0xb: {  	p0 =	sne.s32 s13, $0x4FC0  }
.Ltmp0:
0xc: {  	_ = 	snop;
	(pc) =	sbr.rel @p0 .LBB2_2-.Ltmp0, $3  }
0xd: {  	_ =	sdelay $0x1  }
0xe: {  	s14 =	sshra.s32 s13, $0x2  }
0xf: {  	s13 =	sadd.s32 $0x40, s13;
	[tilespmem:s14+$0x10000] =	vst v11  }
0x10: {  	s13 =	simm.s32 $0x0;
	p1 =	por $0x1, $0x1;
	s14 =	simm.s32 $0x0  }
.LBB2_4:
0x11: {  	s14 =	sor.u32 s5, s14  }
0x12: {  	s15 =	sadd.s32 s1, s14  }
0x13: {  	[tilespmem:s13], [sflag:$0x1] =	stream.linear.gather [hbm4b:s15+s13], $0x8000, $0x38;
	[tilespmem:$0x12000] =	vst v63  }
0x14: {  	_ =	swait.ge [sflag:s8], $0x8000  }
0x15: {  	[sflag:s8] =	ssyncset.done $0x0  }
0x16: {  	s14 =	sadd.s32 s3, s14;
	[sflag:s8] =	ssyncadd.s32 $0xFFFF8000  }
0x17: {  	[tilespmem:s9], [sflag:$0x1] =	stream.linear.gather [hbm4b:s14+s13], $0x8000, $0x38;
	[tilespmem:$0x12000] =	vst v63  }
0x18: {  	_ =	swait.ge [sflag:s8], $0x8000  }
0x19: {  	[sflag:s8] =	ssyncset.done $0x0  }
0x1a: {  	p0 =	por p1, p1;
	s14 =	simm.s32 $0x0;
	[sflag:s8] =	ssyncadd.s32 $0xFFFF8000  }
.LBB2_5:
0x1b: {  	s15 =	sshra.s32 s14, $0x2  }
0x1c: {  	v3 =	vld [tilespmem:s15+$0x0]  }
0x1d: {  	v4 =	vld [tilespmem:s15+$0x8000];
	_ =	sdelay $0x3  }
0x1e: {  	v3 =	vshll.u32 v3, $0x4  }
0x1f: {  	v3 =	vadd.s32 v4, v3  }
0x20: {  	v3 =	vadd.s32 v1, v3;
	_ =	sdelay $0x4  }
0x21: {  	[tilespmem:v3+s10+$0x0] =	vst.idx.add.s32.msk $0xffff, v2  }
0x22: {  	v3 =	vld [tilespmem:s15+$0x10]  }
0x23: {  	v57 =	vld [tilespmem:s15+$0x8010];
	_ =	sdelay $0x3  }
0x24: {  	v3 =	vshll.u32 v3, $0x4  }
0x25: {  	v3 =	vadd.s32 v57, v3  }
0x26: {  	v3 =	vadd.s32 v1, v3;
	_ =	sdelay $0x4  }
0x27: {  	[tilespmem:v3+s10+$0x0] =	vst.idx.add.s32.msk $0xffff, v2  }
0x28: {  	v3 =	vld [tilespmem:s15+$0x20]  }
0x29: {  	v58 =	vld [tilespmem:s15+$0x8020];
	_ =	sdelay $0x3  }
0x2a: {  	v3 =	vshll.u32 v3, $0x4  }
0x2b: {  	v3 =	vadd.s32 v58, v3  }
0x2c: {  	v3 =	vadd.s32 v1, v3;
	_ =	sdelay $0x4  }
0x2d: {  	[tilespmem:v3+s10+$0x0] =	vst.idx.add.s32.msk $0xffff, v2  }
0x2e: {  	v3 =	vld [tilespmem:s15+$0x30]  }
0x2f: {  	v59 =	vld [tilespmem:s15+$0x8030];
	_ =	sdelay $0x3  }
0x30: {  	v3 =	vshll.u32 v3, $0x4  }
0x31: {  	v3 =	vadd.s32 v59, v3  }
0x32: {  	v3 =	vadd.s32 v1, v3;
	_ =	sdelay $0x4  }
0x33: {  	[tilespmem:v3+s10+$0x0] =	vst.idx.add.s32.msk $0xffff, v2  }
0x34: {  	v3 =	vld [tilespmem:s15+$0x40]  }
0x35: {  	v60 =	vld [tilespmem:s15+$0x8040];
	_ =	sdelay $0x3  }
0x36: {  	v3 =	vshll.u32 v3, $0x4  }
0x37: {  	v3 =	vadd.s32 v60, v3  }
0x38: {  	v3 =	vadd.s32 v1, v3;
	_ =	sdelay $0x4  }
0x39: {  	[tilespmem:v3+s10+$0x0] =	vst.idx.add.s32.msk $0xffff, v2  }
0x3a: {  	v3 =	vld [tilespmem:s15+$0x50]  }
0x3b: {  	v61 =	vld [tilespmem:s15+$0x8050];
	_ =	sdelay $0x3  }
0x3c: {  	v3 =	vshll.u32 v3, $0x4  }
0x3d: {  	v3 =	vadd.s32 v61, v3  }
0x3e: {  	v3 =	vadd.s32 v1, v3;
	_ =	sdelay $0x4  }
0x3f: {  	[tilespmem:v3+s10+$0x0] =	vst.idx.add.s32.msk $0xffff, v2  }
0x40: {  	v3 =	vld [tilespmem:s15+$0x60]  }
0x41: {  	v62 =	vld [tilespmem:s15+$0x8060];
	_ =	sdelay $0x3  }
0x42: {  	v3 =	vshll.u32 v3, $0x4  }
0x43: {  	v3 =	vadd.s32 v62, v3  }
0x44: {  	v3 =	vadd.s32 v1, v3;
	_ =	sdelay $0x4  }
0x45: {  	[tilespmem:v3+s10+$0x0] =	vst.idx.add.s32.msk $0xffff, v2  }
0x46: {  	v3 =	vld [tilespmem:s15+$0x70]  }
0x47: {  	v63 =	vld [tilespmem:s15+$0x8070];
	_ =	sdelay $0x3  }
0x48: {  	v3 =	vshll.u32 v3, $0x4  }
0x49: {  	v3 =	vadd.s32 v63, v3  }
0x4a: {  	p1 =	sne.s32 s14, $0x1FE00;
	v3 =	vadd.s32 v1, v3  }
.Ltmp1:
0x4b: {  	_ = 	snop;
	(pc) =	sbr.rel @p1 .LBB2_5-.Ltmp1, $2  }
0x4c: {  	_ =	sdelay $0x2  }
0x4d: {  	s14 =	sadd.s32 $0x200, s14;
	[tilespmem:v3+s10+$0x0] =	vst.idx.add.s32.msk $0xffff, v2  }
.Ltmp2:
0x4e: {  	(pc) =	sbr.rel @p0 .LBB2_4-.Ltmp2, $2  }
0x4f: {  	_ =	sdelay $0x2  }
0x50: {  	s14 =	simm.s32 $0x1000;
	p1 =	por $0x0, $0x0  }
0x51: {  	v24 =	vld [tilespmem:$0x10000]  }
0x52: {  	v19 =	vld [tilespmem:$0x10140]  }
0x53: {  	v25 =	vld [tilespmem:$0x10280]  }
0x54: {  	v29 =	vld [tilespmem:$0x103C0]  }
0x55: {  	v31 =	vld [tilespmem:$0x10500]  }
0x56: {  	v36 =	vld [tilespmem:$0x10640]  }
0x57: {  	v41 =	vld [tilespmem:$0x10780]  }
0x58: {  	v45 =	vld [tilespmem:$0x108C0]  }
0x59: {  	v53 =	vld [tilespmem:$0x10A00]  }
0x5a: {  	v63 =	vld [tilespmem:$0x10B40]  }
0x5b: {  	v0 =	vld [tilespmem:$0x10C80]  }
0x5c: {  	v5 =	vld [tilespmem:$0x10010]  }
0x5d: {  	v3 =	vld [tilespmem:$0x10150]  }
0x5e: {  	v7 =	vld [tilespmem:$0x10290]  }
0x5f: {  	v9 =	vld [tilespmem:$0x103D0]  }
0x60: {  	v12 =	vld [tilespmem:$0x10650]  }
0x61: {  	v14 =	vld [tilespmem:$0x10790]  }
0x62: {  	v15 =	vld [tilespmem:$0x108D0]  }
0x63: {  	v22 =	vld [tilespmem:$0x10A10]  }
0x64: {  	v28 =	vld [tilespmem:$0x10B50]  }
0x65: {  	v32 =	vld [tilespmem:$0x10C90]  }
0x66: {  	v37 =	vld [tilespmem:$0x10DD0]  }
0x67: {  	v40 =	vld [tilespmem:$0x10F10]  }
0x68: {  	v46 =	vld [tilespmem:$0x11050]  }
0x69: {  	v54 =	vld [tilespmem:$0x11190]  }
0x6a: {  	v4 =	vld [tilespmem:$0x112D0]  }
0x6b: {  	v51 =	vld [tilespmem:$0x10020]  }
0x6c: {  	v47 =	vld [tilespmem:$0x10160]  }
0x6d: {  	v55 =	vld [tilespmem:$0x102A0]  }
0x6e: {  	v62 =	vld [tilespmem:$0x103E0]  }
0x6f: {  	v61 =	vld [tilespmem:$0x10520]  }
0x70: {  	v13 =	vld [tilespmem:$0x10660]  }
0x71: {  	v16 =	vld [tilespmem:$0x107A0]  }
0x72: {  	v17 =	vld [tilespmem:$0x108E0]  }
0x73: {  	v18 =	vld [tilespmem:$0x10A20]  }
0x74: {  	v20 =	vld [tilespmem:$0x10B60]  }
0x75: {  	v21 =	vld [tilespmem:$0x10CA0]  }
0x76: {  	v23 =	vld [tilespmem:$0x10DE0]  }
0x77: {  	v26 =	vld [tilespmem:$0x10F20]  }
0x78: {  	v27 =	vld [tilespmem:$0x11060]  }
0x79: {  	v30 =	vld [tilespmem:$0x111A0]  }
0x7a: {  	v33 =	vld [tilespmem:$0x112E0]  }
0x7b: {  	v35 =	vld [tilespmem:$0x10530]  }
0x7c: {  	v42 =	vld [tilespmem:$0x10670]  }
0x7d: {  	v56 =	vld [tilespmem:$0x107B0]  }
0x7e: {  	v34 =	vld [tilespmem:$0x108F0]  }
0x7f: {  	v38 =	vld [tilespmem:$0x10A30]  }
0x80: {  	v39 =	vld [tilespmem:$0x10B70]  }
0x81: {  	v43 =	vld [tilespmem:$0x10CB0]  }
0x82: {  	v44 =	vld [tilespmem:$0x10DF0]  }
0x83: {  	v48 =	vld [tilespmem:$0x10F30]  }
0x84: {  	v49 =	vld [tilespmem:$0x11070]  }
0x85: {  	v50 =	vld [tilespmem:$0x111B0]  }
0x86: {  	v52 =	vld [tilespmem:$0x112F0]  }
0x87: {  	v6 =	vld [tilespmem:$0x10040]  }
0x88: {  	v8 =	vld [tilespmem:$0x102C0]  }
0x89: {  	v10 =	vld [tilespmem:$0x10400]  }
0x8a: {  	v60 =	vld [tilespmem:$0x10CC0];
	[tilespmem:$0x1F430] =	vst v0  }
0x8b: {  	v57 =	vld [tilespmem:$0x10F40];
	[tilespmem:$0x1F490] =	vst v4  }
0x8c: {  	v58 =	vld [tilespmem:$0x11080];
	[tilespmem:$0x1F4A0] =	vst v61  }
0x8d: {  	v59 =	vld [tilespmem:$0x111C0];
	[tilespmem:$0x1F4B0] =	vst v13  }
0x8e: {  	v0 =	vld [tilespmem:$0x10DC0];
	[tilespmem:$0x1F4C0] =	vst v16  }
0x8f: {  	[tilespmem:$0x1F4E0] =	vst v18;
	v18 =	vld [tilespmem:$0x10030]  }
0x90: {  	[tilespmem:$0x1F4D0] =	vst v17;
	v16 =	vld [tilespmem:$0x10170]  }
0x91: {  	[tilespmem:$0x1F540] =	vst v23;
	v23 =	vld [tilespmem:$0x102B0]  }
0x92: {  	[tilespmem:$0x1F5B0] =	vst v30;
	v30 =	vld [tilespmem:$0x103F0]  }
0x93: {  	[tilespmem:$0x1F500] =	vst v20;
	v4 =	vld [tilespmem:$0x10180]  }
0x94: {  	[tilespmem:$0x1F520] =	vst v21;
	v13 =	vld [tilespmem:$0x10540]  }
0x95: {  	[tilespmem:$0x1F560] =	vst v26;
	v17 =	vld [tilespmem:$0x10680]  }
0x96: {  	[tilespmem:$0x1F580] =	vst v27;
	v27 =	vld [tilespmem:$0x107C0]  }
0x97: {  	[tilespmem:$0x1F5E0] =	vst v33;
	v33 =	vld [tilespmem:$0x10900]  }
0x98: {  	[tilespmem:$0x1F530] =	vst v39;
	v39 =	vld [tilespmem:$0x10A40]  }
0x99: {  	[tilespmem:$0x1F590] =	vst v48;
	v48 =	vld [tilespmem:$0x10B80]  }
0x9a: {  	[tilespmem:$0x1F4F0] =	vst v34;
	v20 =	vld [tilespmem:$0x10E00]  }
0x9b: {  	[tilespmem:$0x1F510] =	vst v38;
	v61 =	vld [tilespmem:$0x11300]  }
0x9c: {  	[tilespmem:$0x1F550] =	vst v43;
	v26 =	vld [tilespmem:$0x10050]  }
0x9d: {  	[tilespmem:$0x1F570] =	vst v44;
	v34 =	vld [tilespmem:$0x10190]  }
0x9e: {  	[tilespmem:$0x1F5C0] =	vst v49;
	v38 =	vld [tilespmem:$0x102D0]  }
0x9f: {  	[tilespmem:$0x1F5F0] =	vst v50;
	v43 =	vld [tilespmem:$0x10410]  }
0xa0: {  	[tilespmem:$0x1F610] =	vst v52;
	v44 =	vld [tilespmem:$0x10550]  }
0xa1: {  	[tilespmem:$0x1F5D0] =	vst v57;
	v49 =	vld [tilespmem:$0x10690]  }
0xa2: {  	[tilespmem:$0x1F600] =	vst v58;
	v50 =	vld [tilespmem:$0x107D0]  }
0xa3: {  	[tilespmem:$0x1F620] =	vst v59;
	v52 =	vld [tilespmem:$0x10910]  }
0xa4: {  	v57 =	vld [tilespmem:$0x10A50];
	[tilespmem:$0x1F440] =	vst v0  }
0xa5: {  	v58 =	vld [tilespmem:$0x10B90];
	[tilespmem:$0x1F5A0] =	vst v20  }
0xa6: {  	v59 =	vld [tilespmem:$0x10CD0];
	[tilespmem:$0x1F650] =	vst v61  }
0xa7: {  	v21 =	vld [tilespmem:$0x10070];
	[tilespmem:$0x1F630] =	vst v26  }
0xa8: {  	v0 =	vld [tilespmem:$0x10F00];
	[tilespmem:$0x1F640] =	vst v34  }
0xa9: {  	[tilespmem:$0x1F660] =	vst v38;
	v61 =	vld [tilespmem:$0x10E10]  }
0xaa: {  	[tilespmem:$0x1F670] =	vst v43;
	v26 =	vld [tilespmem:$0x10F50]  }
0xab: {  	[tilespmem:$0x1F680] =	vst v44;
	v34 =	vld [tilespmem:$0x11090]  }
0xac: {  	[tilespmem:$0x1F6A0] =	vst v49;
	v38 =	vld [tilespmem:$0x111D0]  }
0xad: {  	[tilespmem:$0x1F6C0] =	vst v50;
	v43 =	vld [tilespmem:$0x11310]  }
0xae: {  	[tilespmem:$0x1F6E0] =	vst v52;
	v52 =	vld [tilespmem:$0x10060]  }
0xaf: {  	[tilespmem:$0x1F700] =	vst v57;
	v49 =	vld [tilespmem:$0x101A0]  }
0xb0: {  	[tilespmem:$0x1F720] =	vst v58;
	v57 =	vld [tilespmem:$0x102E0]  }
0xb1: {  	[tilespmem:$0x1F750] =	vst v59;
	v50 =	vld [tilespmem:$0x10560]  }
0xb2: {  	v59 =	vld [tilespmem:$0x107E0];
	[tilespmem:$0x1F450] =	vst v0  }
0xb3: {  	[tilespmem:$0x1F780] =	vst v61;
	v61 =	vld [tilespmem:$0x10920]  }
0xb4: {  	v44 =	vld [tilespmem:$0x10420];
	[tilespmem:$0x1F7B0] =	vst v26  }
0xb5: {  	v58 =	vld [tilespmem:$0x106A0];
	[tilespmem:$0x1F7E0] =	vst v34  }
0xb6: {  	[tilespmem:$0x1F6B0] =	vst v50;
	v50 =	vld [tilespmem:$0x110A0]  }
0xb7: {  	[tilespmem:$0x1F6F0] =	vst v59;
	v59 =	vld [tilespmem:$0x11320]  }
0xb8: {  	[tilespmem:$0x1F710] =	vst v61;
	v61 =	vld [tilespmem:$0x10A70]  }
0xb9: {  	v20 =	vld [tilespmem:$0x101B0];
	[tilespmem:$0x1F810] =	vst v38  }
0xba: {  	v0 =	vld [tilespmem:$0x11040];
	[tilespmem:$0x1F840] =	vst v43  }
0xbb: {  	[tilespmem:$0x1F820] =	vst v50;
	v50 =	vld [tilespmem:$0x10BB0]  }
0xbc: {  	[tilespmem:$0x1F870] =	vst v59;
	v59 =	vld [tilespmem:$0x10CF0]  }
0xbd: {  	[tilespmem:$0x1F770] =	vst v61;
	v61 =	vld [tilespmem:$0x10E30]  }
0xbe: {  	[tilespmem:$0x1F690] =	vst v44;
	v26 =	vld [tilespmem:$0x10A60]  }
0xbf: {  	[tilespmem:$0x1F6D0] =	vst v58;
	v34 =	vld [tilespmem:$0x10BA0]  }
0xc0: {  	[tilespmem:$0x1F7A0] =	vst v50;
	v50 =	vld [tilespmem:$0x10F70]  }
0xc1: {  	[tilespmem:$0x1F7D0] =	vst v59;
	v59 =	vld [tilespmem:$0x110B0]  }
0xc2: {  	[tilespmem:$0x1F800] =	vst v61;
	v61 =	vld [tilespmem:$0x111F0]  }
0xc3: {  	v38 =	vld [tilespmem:$0x10CE0];
	[tilespmem:$0x1F460] =	vst v0  }
0xc4: {  	v43 =	vld [tilespmem:$0x10E20];
	[tilespmem:$0x1F730] =	vst v26  }
0xc5: {  	[tilespmem:$0x1F830] =	vst v50;
	v50 =	vld [tilespmem:$0x11330]  }
0xc6: {  	[tilespmem:$0x1F860] =	vst v59;
	v59 =	vld [tilespmem:$0x10080]  }
0xc7: {  	[tilespmem:$0x1F880] =	vst v61;
	v61 =	vld [tilespmem:$0x101C0]  }
0xc8: {  	v44 =	vld [tilespmem:$0x10F60];
	[tilespmem:$0x1F760] =	vst v34  }
0xc9: {  	v58 =	vld [tilespmem:$0x111E0];
	[tilespmem:$0x1F790] =	vst v38  }
0xca: {  	[tilespmem:$0x1F8B0] =	vst v50;
	v50 =	vld [tilespmem:$0x10300]  }
0xcb: {  	[tilespmem:$0x1F890] =	vst v59;
	v59 =	vld [tilespmem:$0x10440]  }
0xcc: {  	[tilespmem:$0x1F8A0] =	vst v61;
	v61 =	vld [tilespmem:$0x10580]  }
0xcd: {  	v0 =	vld [tilespmem:$0x11180];
	[tilespmem:$0x1F7C0] =	vst v43  }
0xce: {  	[tilespmem:$0x1F7F0] =	vst v44;
	v26 =	vld [tilespmem:$0x102F0]  }
0xcf: {  	[tilespmem:$0x1F8C0] =	vst v50;
	v50 =	vld [tilespmem:$0x106C0]  }
0xd0: {  	[tilespmem:$0x1F8F0] =	vst v59;
	v59 =	vld [tilespmem:$0x10800]  }
0xd1: {  	[tilespmem:$0x1F910] =	vst v61;
	v61 =	vld [tilespmem:$0x10940]  }
0xd2: {  	[tilespmem:$0x1F850] =	vst v58;
	v44 =	vld [tilespmem:$0x10930]  }
0xd3: {  	[tilespmem:$0x1F470] =	vst v0;
	v0 =	vld [tilespmem:$0x112C0]  }
0xd4: {  	[tilespmem:$0x1F930] =	vst v50;
	v50 =	vld [tilespmem:$0x10A80]  }
0xd5: {  	[tilespmem:$0x1F960] =	vst v59;
	v59 =	vld [tilespmem:$0x10BC0]  }
0xd6: {  	[tilespmem:$0x1F990] =	vst v61;
	v61 =	vld [tilespmem:$0x10D00]  }
0xd7: {  	v34 =	vld [tilespmem:$0x10430];
	[tilespmem:$0x1F740] =	vst v44  }
0xd8: {  	[tilespmem:$0x1F480] =	vst v0;
	v0 =	vld [tilespmem:$0x10510]  }
0xd9: {  	v38 =	vld [tilespmem:$0x10570];
	[tilespmem:$0x1F9C0] =	vst v50  }
0xda: {  	v3 =	vadd.s32 v5, v3;
	v43 =	vld [tilespmem:$0x106B0];
	[tilespmem:$0x1F9F0] =	vst v59  }
0xdb: {  	v3 =	vadd.s32 v7, v3;
	v58 =	vld [tilespmem:$0x107F0];
	[tilespmem:$0x1FA20] =	vst v61  }
0xdc: {  	v3 =	vadd.s32 v9, v3;
	v44 =	vld [tilespmem:$0x10E40]  }
0xdd: {  	v3 =	vadd.s32 v0, v3;
	v0 =	vld [tilespmem:$0x11390];
	_ =	sdelay $0x4  }
0xde: {  	[tilespmem:$0x1FE60] =	vst v0;
	v0 =	vld [tilespmem:$0x100E0];
	_ =	sdelay $0x4  }
0xdf: {  	[tilespmem:$0x1FE40] =	vst v0;
	v0 =	vld [tilespmem:$0x10220];
	_ =	sdelay $0x4  }
0xe0: {  	[tilespmem:$0x1FE50] =	vst v0;
	v0 =	vld [tilespmem:$0x10360];
	_ =	sdelay $0x4  }
0xe1: {  	[tilespmem:$0x1FE70] =	vst v0;
	v0 =	vld [tilespmem:$0x104A0]  }
0xe2: {  	v19 =	vadd.s32 v24, v19  }
0xe3: {  	v19 =	vadd.s32 v25, v19  }
0xe4: {  	v29 =	vadd.s32 v29, v19  }
0xe5: {  	v5 =	vadd.s32 v31, v29  }
0xe6: {  	v5 =	vadd.s32 v36, v5;
	[tilespmem:$0x1FEA0] =	vst v0;
	v0 =	vld [tilespmem:$0x1F430]  }
0xe7: {  	v5 =	vadd.s32 v41, v5  }
0xe8: {  	v5 =	vadd.s32 v45, v5  }
0xe9: {  	v5 =	vadd.s32 v53, v5  }
0xea: {  	v5 =	vadd.s32 v63, v5  }
0xeb: {  	v5 =	vadd.s32 v0, v5;
	v0 =	vld [tilespmem:$0x105E0];
	_ =	sdelay $0x4  }
0xec: {  	[tilespmem:$0x1FEC0] =	vst v0;
	v0 =	vld [tilespmem:$0x1F440];
	_ =	sdelay $0x4  }
0xed: {  	v5 =	vadd.s32 v0, v5;
	v0 =	vld [tilespmem:$0x10720];
	_ =	sdelay $0x4  }
0xee: {  	[tilespmem:$0x1FED0] =	vst v0;
	v0 =	vld [tilespmem:$0x1F450];
	_ =	sdelay $0x4  }
0xef: {  	v5 =	vadd.s32 v0, v5;
	v0 =	vld [tilespmem:$0x10860];
	_ =	sdelay $0x4  }
0xf0: {  	[tilespmem:$0x1FEE0] =	vst v0;
	v0 =	vld [tilespmem:$0x1F460];
	_ =	sdelay $0x4  }
0xf1: {  	v5 =	vadd.s32 v0, v5;
	v0 =	vld [tilespmem:$0x109A0];
	_ =	sdelay $0x4  }
0xf2: {  	[tilespmem:$0x1FEF0] =	vst v0;
	v0 =	vld [tilespmem:$0x1F470];
	_ =	sdelay $0x4  }
0xf3: {  	v5 =	vadd.s32 v0, v5;
	v0 =	vld [tilespmem:$0x10AE0];
	_ =	sdelay $0x4  }
0xf4: {  	[tilespmem:$0x1FF00] =	vst v0;
	v0 =	vld [tilespmem:$0x1F480];
	_ =	sdelay $0x4  }
0xf5: {  	v0 =	vadd.s32 v0, v5  }
0xf6: {  	v3 =	vadd.s32 v12, v3;
	[tilespmem:$0x1FF60] =	vst v0;
	v0 =	vld [tilespmem:$0x10C20]  }
0xf7: {  	v3 =	vadd.s32 v14, v3  }
0xf8: {  	v3 =	vadd.s32 v15, v3  }
0xf9: {  	v3 =	vadd.s32 v22, v3  }
0xfa: {  	v3 =	vadd.s32 v28, v3  }
0xfb: {  	v3 =	vadd.s32 v32, v3;
	[tilespmem:$0x1FF10] =	vst v0;
	v0 =	vld [tilespmem:$0x1F490]  }
0xfc: {  	v3 =	vadd.s32 v37, v3  }
0xfd: {  	v3 =	vadd.s32 v40, v3  }
0xfe: {  	v3 =	vadd.s32 v46, v3  }
0xff: {  	v3 =	vadd.s32 v54, v3  }
0x100: {  	v0 =	vadd.s32 v0, v3  }
0x101: {  	[tilespmem:$0x1FF90] =	vst v0;
	v0 =	vld [tilespmem:$0x10D60];
	_ =	sdelay $0x4  }
0x102: {  	[tilespmem:$0x1FF20] =	vst v0;
	v0 =	vld [tilespmem:$0x10EA0];
	_ =	sdelay $0x4  }
0x103: {  	[tilespmem:$0x1FF30] =	vst v0;
	v0 =	vld [tilespmem:$0x1F4A0];
	_ =	sdelay $0x1  }
0x104: {  	v36 =	vadd.s32 v51, v47  }
0x105: {  	v3 =	vadd.s32 v55, v36  }
0x106: {  	v3 =	vadd.s32 v62, v3  }
0x107: {  	v3 =	vadd.s32 v0, v3;
	v0 =	vld [tilespmem:$0x10FE0];
	_ =	sdelay $0x4  }
0x108: {  	[tilespmem:$0x1FF40] =	vst v0;
	v0 =	vld [tilespmem:$0x1F4B0];
	_ =	sdelay $0x4  }
0x109: {  	v3 =	vadd.s32 v0, v3;
	v0 =	vld [tilespmem:$0x11120];
	_ =	sdelay $0x4  }
0x10a: {  	[tilespmem:$0x1FF50] =	vst v0;
	v0 =	vld [tilespmem:$0x1F4C0];
	_ =	sdelay $0x4  }
0x10b: {  	v3 =	vadd.s32 v0, v3;
	v0 =	vld [tilespmem:$0x11260];
	_ =	sdelay $0x4  }
0x10c: {  	[tilespmem:$0x1FF70] =	vst v0;
	v0 =	vld [tilespmem:$0x1F4D0];
	_ =	sdelay $0x4  }
0x10d: {  	v3 =	vadd.s32 v0, v3;
	v0 =	vld [tilespmem:$0x113A0];
	_ =	sdelay $0x4  }
0x10e: {  	[tilespmem:$0x1FFA0] =	vst v0;
	v0 =	vld [tilespmem:$0x1F4E0];
	_ =	sdelay $0x3  }
0x10f: {  	v37 =	vadd.s32 v18, v16  }
0x110: {  	v5 =	vadd.s32 v23, v37;
	v3 =	vadd.s32 v0, v3;
	v0 =	vld [tilespmem:$0x1F4F0]  }
0x111: {  	v5 =	vadd.s32 v30, v5  }
0x112: {  	v5 =	vadd.s32 v35, v5  }
0x113: {  	v5 =	vadd.s32 v42, v5  }
0x114: {  	v5 =	vadd.s32 v56, v5  }
0x115: {  	v5 =	vadd.s32 v0, v5;
	v0 =	vld [tilespmem:$0x100F0];
	_ =	sdelay $0x4  }
0x116: {  	[tilespmem:$0x1FE80] =	vst v0;
	v0 =	vld [tilespmem:$0x1F500];
	_ =	sdelay $0x4  }
0x117: {  	v3 =	vadd.s32 v0, v3;
	v0 =	vld [tilespmem:$0x1F510];
	_ =	sdelay $0x4  }
0x118: {  	v5 =	vadd.s32 v0, v5;
	v0 =	vld [tilespmem:$0x10230];
	_ =	sdelay $0x4  }
0x119: {  	[tilespmem:$0x1FE90] =	vst v0;
	v0 =	vld [tilespmem:$0x1F520];
	_ =	sdelay $0x4  }
0x11a: {  	v3 =	vadd.s32 v0, v3;
	v0 =	vld [tilespmem:$0x1F530];
	_ =	sdelay $0x4  }
0x11b: {  	v5 =	vadd.s32 v0, v5;
	v0 =	vld [tilespmem:$0x10370];
	_ =	sdelay $0x4  }
0x11c: {  	[tilespmem:$0x1FEB0] =	vst v0;
	v0 =	vld [tilespmem:$0x1F540];
	_ =	sdelay $0x4  }
0x11d: {  	v3 =	vadd.s32 v0, v3;
	v0 =	vld [tilespmem:$0x1F550];
	_ =	sdelay $0x4  }
0x11e: {  	v5 =	vadd.s32 v0, v5;
	v0 =	vld [tilespmem:$0x1F560];
	_ =	sdelay $0x4  }
0x11f: {  	v3 =	vadd.s32 v0, v3;
	v0 =	vld [tilespmem:$0x1F570];
	_ =	sdelay $0x4  }
0x120: {  	v5 =	vadd.s32 v0, v5;
	v0 =	vld [tilespmem:$0x1F580];
	_ =	sdelay $0x4  }
0x121: {  	v4 =	vadd.s32 v6, v4;
	v3 =	vadd.s32 v0, v3;
	v0 =	vld [tilespmem:$0x1F590]  }
0x122: {  	v4 =	vadd.s32 v8, v4  }
0x123: {  	v4 =	vadd.s32 v10, v4  }
0x124: {  	v4 =	vadd.s32 v13, v4  }
0x125: {  	v4 =	vadd.s32 v17, v4  }
0x126: {  	v4 =	vadd.s32 v27, v4;
	v5 =	vadd.s32 v0, v5;
	v0 =	vld [tilespmem:$0x1F5A0]  }
0x127: {  	v4 =	vadd.s32 v33, v4  }
0x128: {  	v4 =	vadd.s32 v39, v4  }
0x129: {  	v4 =	vadd.s32 v48, v4  }
0x12a: {  	v4 =	vadd.s32 v60, v4  }
0x12b: {  	v4 =	vadd.s32 v0, v4;
	v0 =	vld [tilespmem:$0x1F5B0];
	_ =	sdelay $0x4  }
0x12c: {  	v3 =	vadd.s32 v0, v3;
	v0 =	vld [tilespmem:$0x1F5C0];
	_ =	sdelay $0x4  }
0x12d: {  	v39 =	vadd.s32 v0, v5;
	v0 =	vld [tilespmem:$0x1F5D0];
	_ =	sdelay $0x4  }
0x12e: {  	v4 =	vadd.s32 v0, v4;
	v0 =	vld [tilespmem:$0x1F5E0];
	_ =	sdelay $0x4  }
0x12f: {  	v0 =	vadd.s32 v0, v3  }
0x130: {  	[tilespmem:$0x1FFC0] =	vst v0;
	v0 =	vld [tilespmem:$0x1F5F0];
	_ =	sdelay $0x4  }
0x131: {  	v3 =	vadd.s32 v0, v39;
	v0 =	vld [tilespmem:$0x1F600];
	_ =	sdelay $0x4  }
0x132: {  	v4 =	vadd.s32 v0, v4;
	v0 =	vld [tilespmem:$0x1F610];
	_ =	sdelay $0x4  }
0x133: {  	v0 =	vadd.s32 v0, v3  }
0x134: {  	[tilespmem:$0x1FFE0] =	vst v0;
	v0 =	vld [tilespmem:$0x1F620];
	_ =	sdelay $0x3  }
0x135: {  	v3 =	vld [tilespmem:$0x1F640]  }
0x136: {  	v4 =	vadd.s32 v0, v4;
	v0 =	vld [tilespmem:$0x1F630];
	_ =	sdelay $0x4  }
0x137: {  	v40 =	vadd.s32 v0, v3;
	v0 =	vld [tilespmem:$0x1F650];
	_ =	sdelay $0x4  }
0x138: {  	v0 =	vadd.s32 v0, v4  }
0x139: {  	[tilespmem:$0x1FFF0] =	vst v0;
	v0 =	vld [tilespmem:$0x1F660];
	_ =	sdelay $0x4  }
0x13a: {  	v6 =	vadd.s32 v0, v40;
	v0 =	vld [tilespmem:$0x1F670];
	_ =	sdelay $0x4  }
0x13b: {  	v6 =	vadd.s32 v0, v6;
	v0 =	vld [tilespmem:$0x1F680];
	_ =	sdelay $0x4  }
0x13c: {  	v6 =	vadd.s32 v0, v6;
	v0 =	vld [tilespmem:$0x1F690];
	_ =	sdelay $0x2  }
0x13d: {  	v8 =	vadd.s32 v52, v49  }
0x13e: {  	v8 =	vadd.s32 v57, v8  }
0x13f: {  	v8 =	vadd.s32 v0, v8;
	v0 =	vld [tilespmem:$0x1F6A0];
	_ =	sdelay $0x4  }
0x140: {  	v6 =	vadd.s32 v0, v6;
	v0 =	vld [tilespmem:$0x1F6B0];
	_ =	sdelay $0x4  }
0x141: {  	v8 =	vadd.s32 v0, v8;
	v0 =	vld [tilespmem:$0x1F6C0];
	_ =	sdelay $0x4  }
0x142: {  	v6 =	vadd.s32 v0, v6;
	v0 =	vld [tilespmem:$0x1F6D0];
	_ =	sdelay $0x4  }
0x143: {  	v8 =	vadd.s32 v0, v8;
	v0 =	vld [tilespmem:$0x11130];
	_ =	sdelay $0x4  }
0x144: {  	[tilespmem:$0x1FF80] =	vst v0;
	v0 =	vld [tilespmem:$0x1F6E0];
	_ =	sdelay $0x4  }
0x145: {  	v42 =	vadd.s32 v0, v6;
	v0 =	vld [tilespmem:$0x1F6F0];
	_ =	sdelay $0x4  }
0x146: {  	v8 =	vadd.s32 v0, v8;
	v0 =	vld [tilespmem:$0x11270];
	_ =	sdelay $0x4  }
0x147: {  	[tilespmem:$0x1FFB0] =	vst v0;
	v0 =	vld [tilespmem:$0x1F700];
	_ =	sdelay $0x4  }
0x148: {  	v23 =	vadd.s32 v0, v42;
	v0 =	vld [tilespmem:$0x1F710]  }
0x149: {  	v10 =	vadd.s32 v21, v20  }
0x14a: {  	v10 =	vadd.s32 v26, v10  }
0x14b: {  	v10 =	vadd.s32 v34, v10  }
0x14c: {  	v41 =	vadd.s32 v38, v10  }
0x14d: {  	v22 =	vadd.s32 v43, v41;
	v43 =	vadd.s32 v0, v8;
	v0 =	vld [tilespmem:$0x113B0];
	_ =	sdelay $0x4  }
0x14e: {  	[tilespmem:$0x1FFD0] =	vst v0;
	v0 =	vld [tilespmem:$0x1F720];
	_ =	sdelay $0x4  }
0x14f: {  	v23 =	vadd.s32 v0, v23;
	v0 =	vld [tilespmem:$0x1F730];
	_ =	sdelay $0x4  }
0x150: {  	v24 =	vadd.s32 v0, v43;
	v0 =	vld [tilespmem:$0x1F740];
	_ =	sdelay $0x3  }
0x151: {  	v22 =	vadd.s32 v58, v22  }
0x152: {  	v22 =	vadd.s32 v0, v22;
	v0 =	vld [tilespmem:$0x1F750];
	_ =	sdelay $0x2  }
0x153: {  	v61 =	vld [tilespmem:$0x11200];
	_ =	sdelay $0x1  }
0x154: {  	v23 =	vadd.s32 v0, v23;
	v0 =	vld [tilespmem:$0x1F760];
	_ =	sdelay $0x2  }
0x155: {  	[tilespmem:$0x1FAE0] =	vst v61;
	v61 =	vld [tilespmem:$0x101D0];
	_ =	sdelay $0x1  }
0x156: {  	v24 =	vadd.s32 v0, v24;
	v0 =	vld [tilespmem:$0x1F770];
	_ =	sdelay $0x2  }
0x157: {  	[tilespmem:$0x1F8E0] =	vst v61;
	v61 =	vld [tilespmem:$0x10590];
	_ =	sdelay $0x1  }
0x158: {  	v22 =	vadd.s32 v0, v22;
	v0 =	vld [tilespmem:$0x1F780];
	_ =	sdelay $0x2  }
0x159: {  	[tilespmem:$0x1F940] =	vst v61;
	v61 =	vld [tilespmem:$0x10950];
	_ =	sdelay $0x1  }
0x15a: {  	v23 =	vadd.s32 v0, v23;
	v0 =	vld [tilespmem:$0x1F790];
	_ =	sdelay $0x2  }
0x15b: {  	[tilespmem:$0x1F9D0] =	vst v61;
	v61 =	vld [tilespmem:$0x10D10];
	_ =	sdelay $0x1  }
0x15c: {  	v24 =	vadd.s32 v0, v24;
	v0 =	vld [tilespmem:$0x1F7A0];
	_ =	sdelay $0x2  }
0x15d: {  	[tilespmem:$0x1FA60] =	vst v61;
	v61 =	vld [tilespmem:$0x110D0];
	_ =	sdelay $0x1  }
0x15e: {  	v22 =	vadd.s32 v0, v22;
	v0 =	vld [tilespmem:$0x1F7B0];
	_ =	sdelay $0x2  }
0x15f: {  	[tilespmem:$0x1FAF0] =	vst v61;
	v61 =	vld [tilespmem:$0x10460];
	_ =	sdelay $0x1  }
0x160: {  	v23 =	vadd.s32 v0, v23;
	v0 =	vld [tilespmem:$0x1F7C0];
	_ =	sdelay $0x2  }
0x161: {  	[tilespmem:$0x1F950] =	vst v61;
	v61 =	vld [tilespmem:$0x105A0];
	_ =	sdelay $0x1  }
0x162: {  	v24 =	vadd.s32 v0, v24;
	v0 =	vld [tilespmem:$0x1F7D0];
	_ =	sdelay $0x2  }
0x163: {  	[tilespmem:$0x1F980] =	vst v61;
	v61 =	vld [tilespmem:$0x106E0];
	_ =	sdelay $0x1  }
0x164: {  	v22 =	vadd.s32 v0, v22;
	v0 =	vld [tilespmem:$0x1F7E0];
	_ =	sdelay $0x2  }
0x165: {  	[tilespmem:$0x1F9B0] =	vst v61;
	v61 =	vld [tilespmem:$0x10820];
	_ =	sdelay $0x1  }
0x166: {  	v23 =	vadd.s32 v0, v23;
	v0 =	vld [tilespmem:$0x1F7F0];
	_ =	sdelay $0x2  }
0x167: {  	[tilespmem:$0x1F9E0] =	vst v61;
	v61 =	vld [tilespmem:$0x10960];
	_ =	sdelay $0x1  }
0x168: {  	v24 =	vadd.s32 v0, v24;
	v0 =	vld [tilespmem:$0x1F800];
	_ =	sdelay $0x2  }
0x169: {  	[tilespmem:$0x1FA10] =	vst v61;
	v61 =	vld [tilespmem:$0x10AA0];
	_ =	sdelay $0x1  }
0x16a: {  	v22 =	vadd.s32 v0, v22;
	v0 =	vld [tilespmem:$0x1F810];
	_ =	sdelay $0x2  }
0x16b: {  	[tilespmem:$0x1FA40] =	vst v61;
	v61 =	vld [tilespmem:$0x10BE0];
	_ =	sdelay $0x1  }
0x16c: {  	v23 =	vadd.s32 v0, v23;
	v0 =	vld [tilespmem:$0x1F820];
	_ =	sdelay $0x2  }
0x16d: {  	[tilespmem:$0x1FA70] =	vst v61;
	v61 =	vld [tilespmem:$0x10D20];
	_ =	sdelay $0x1  }
0x16e: {  	v45 =	vadd.s32 v0, v24;
	v0 =	vld [tilespmem:$0x1F830];
	_ =	sdelay $0x2  }
0x16f: {  	[tilespmem:$0x1FAA0] =	vst v61;
	v61 =	vld [tilespmem:$0x10E60];
	_ =	sdelay $0x1  }
0x170: {  	v22 =	vadd.s32 v0, v22;
	v0 =	vld [tilespmem:$0x1F840];
	_ =	sdelay $0x2  }
0x171: {  	[tilespmem:$0x1FAD0] =	vst v61;
	v61 =	vld [tilespmem:$0x10FA0];
	_ =	sdelay $0x1  }
0x172: {  	v24 =	vadd.s32 v0, v23;
	v0 =	vld [tilespmem:$0x1F850];
	_ =	sdelay $0x2  }
0x173: {  	[tilespmem:$0x1FB00] =	vst v61;
	v61 =	vld [tilespmem:$0x110E0];
	_ =	sdelay $0x1  }
0x174: {  	v46 =	vadd.s32 v0, v45;
	v0 =	vld [tilespmem:$0x1F860];
	_ =	sdelay $0x2  }
0x175: {  	[tilespmem:$0x1FB30] =	vst v61;
	v61 =	vld [tilespmem:$0x11220];
	_ =	sdelay $0x1  }
0x176: {  	v22 =	vadd.s32 v0, v22;
	v0 =	vld [tilespmem:$0x1F870];
	_ =	sdelay $0x2  }
0x177: {  	[tilespmem:$0x1FB50] =	vst v61;
	v61 =	vld [tilespmem:$0x11360];
	_ =	sdelay $0x1  }
0x178: {  	v23 =	vadd.s32 v0, v46;
	v0 =	vld [tilespmem:$0x1F880];
	_ =	sdelay $0x2  }
0x179: {  	[tilespmem:$0x1FB80] =	vst v61;
	v61 =	vld [tilespmem:$0x100B0]  }
0x17a: {  	v3 =	vld [tilespmem:$0x1F8A0]  }
0x17b: {  	v22 =	vadd.s32 v0, v22;
	v0 =	vld [tilespmem:$0x1F890];
	_ =	sdelay $0x2  }
0x17c: {  	[tilespmem:$0x1FB60] =	vst v61;
	v61 =	vld [tilespmem:$0x101F0]  }
0x17d: {  	v59 =	vld [tilespmem:$0x110C0]  }
0x17e: {  	v47 =	vadd.s32 v0, v3;
	v0 =	vld [tilespmem:$0x1F8B0]  }
0x17f: {  	v50 =	vld [tilespmem:$0x10F80]  }
0x180: {  	v25 =	vld [tilespmem:$0x10FD0]  }
0x181: {  	[tilespmem:$0x1FB70] =	vst v61;
	v61 =	vld [tilespmem:$0x10330]  }
0x182: {  	[tilespmem:$0x1FAB0] =	vst v59;
	v59 =	vld [tilespmem:$0x10090]  }
0x183: {  	v22 =	vadd.s32 v0, v22;
	v0 =	vld [tilespmem:$0x1F8C0];
	_ =	sdelay $0x1  }
0x184: {  	[tilespmem:$0x1FA80] =	vst v50;
	v50 =	vld [tilespmem:$0x11340]  }
0x185: {  	[tilespmem:$0x1FB90] =	vst v61;
	v61 =	vld [tilespmem:$0x10470]  }
0x186: {  	[tilespmem:$0x1F8D0] =	vst v59;
	v3 =	vld [tilespmem:$0x1F8E0]  }
0x187: {  	[tilespmem:$0x1FE00] =	vst v25;
	v25 =	vadd.s32 v0, v47;
	v0 =	vld [tilespmem:$0x1F8D0];
	_ =	sdelay $0x2  }
0x188: {  	[tilespmem:$0x1FBC0] =	vst v61;
	v61 =	vld [tilespmem:$0x105B0]  }
0x189: {  	[tilespmem:$0x1FB10] =	vst v50;
	v50 =	vld [tilespmem:$0x10310]  }
0x18a: {  	v48 =	vadd.s32 v0, v3;
	v0 =	vld [tilespmem:$0x1F8F0];
	_ =	sdelay $0x2  }
0x18b: {  	[tilespmem:$0x1FC00] =	vst v61;
	v61 =	vld [tilespmem:$0x106F0]  }
0x18c: {  	v59 =	vld [tilespmem:$0x10450];
	[tilespmem:$0x1F900] =	vst v50  }
0x18d: {  	v25 =	vadd.s32 v0, v25;
	v0 =	vld [tilespmem:$0x1F900];
	_ =	sdelay $0x1  }
0x18e: {  	v50 =	vld [tilespmem:$0x106D0]  }
0x18f: {  	[tilespmem:$0x1FC30] =	vst v61;
	v61 =	vld [tilespmem:$0x10830]  }
0x190: {  	[tilespmem:$0x1F920] =	vst v59;
	v59 =	vld [tilespmem:$0x10810]  }
0x191: {  	v26 =	vadd.s32 v0, v48;
	v0 =	vld [tilespmem:$0x1F910];
	_ =	sdelay $0x1  }
0x192: {  	[tilespmem:$0x1F970] =	vst v50;
	v50 =	vld [tilespmem:$0x10A90]  }
0x193: {  	[tilespmem:$0x1FC60] =	vst v61;
	v61 =	vld [tilespmem:$0x10970]  }
0x194: {  	[tilespmem:$0x1F9A0] =	vst v59;
	v59 =	vld [tilespmem:$0x10BD0]  }
0x195: {  	v25 =	vadd.s32 v0, v25;
	v0 =	vld [tilespmem:$0x1F920];
	_ =	sdelay $0x1  }
0x196: {  	[tilespmem:$0x1FA00] =	vst v50;
	v50 =	vld [tilespmem:$0x10E50]  }
0x197: {  	[tilespmem:$0x1FC90] =	vst v61;
	v61 =	vld [tilespmem:$0x10AB0]  }
0x198: {  	[tilespmem:$0x1FA30] =	vst v59;
	v59 =	vld [tilespmem:$0x10F90]  }
0x199: {  	v26 =	vadd.s32 v0, v26;
	v0 =	vld [tilespmem:$0x1F930];
	_ =	sdelay $0x1  }
0x19a: {  	[tilespmem:$0x1FA90] =	vst v50;
	v50 =	vld [tilespmem:$0x11210]  }
0x19b: {  	[tilespmem:$0x1FCC0] =	vst v61;
	v61 =	vld [tilespmem:$0x10BF0]  }
0x19c: {  	[tilespmem:$0x1FAC0] =	vst v59;
	v59 =	vld [tilespmem:$0x11350]  }
0x19d: {  	v25 =	vadd.s32 v0, v25;
	v0 =	vld [tilespmem:$0x1F940]  }
0x19e: {  	[tilespmem:$0x1FA50] =	vst v44;
	v44 =	vld [tilespmem:$0x101E0]  }
0x19f: {  	[tilespmem:$0x1FB20] =	vst v50;
	v50 =	vld [tilespmem:$0x100A0]  }
0x1a0: {  	[tilespmem:$0x1FCF0] =	vst v61;
	v61 =	vld [tilespmem:$0x10D30]  }
0x1a1: {  	[tilespmem:$0x1FB40] =	vst v59;
	v59 =	vld [tilespmem:$0x10320]  }
0x1a2: {  	v26 =	vadd.s32 v0, v26;
	v0 =	vld [tilespmem:$0x1F950];
	_ =	sdelay $0x2  }
0x1a3: {  	v49 =	vadd.s32 v50, v44;
	[tilespmem:$0x1FD20] =	vst v61;
	v61 =	vld [tilespmem:$0x10E70]  }
0x1a4: {  	v27 =	vadd.s32 v59, v49  }
0x1a5: {  	v27 =	vadd.s32 v0, v27;
	v0 =	vld [tilespmem:$0x1F960];
	_ =	sdelay $0x2  }
0x1a6: {  	[tilespmem:$0x1FD50] =	vst v61;
	v61 =	vld [tilespmem:$0x10FB0];
	_ =	sdelay $0x1  }
0x1a7: {  	v25 =	vadd.s32 v0, v25;
	v0 =	vld [tilespmem:$0x1F970];
	_ =	sdelay $0x2  }
0x1a8: {  	[tilespmem:$0x1FD80] =	vst v61;
	v61 =	vld [tilespmem:$0x110F0];
	_ =	sdelay $0x1  }
0x1a9: {  	v26 =	vadd.s32 v0, v26;
	v0 =	vld [tilespmem:$0x1F980];
	_ =	sdelay $0x2  }
0x1aa: {  	[tilespmem:$0x1FDB0] =	vst v61;
	v61 =	vld [tilespmem:$0x11230];
	_ =	sdelay $0x1  }
0x1ab: {  	v27 =	vadd.s32 v0, v27;
	v0 =	vld [tilespmem:$0x1F990];
	_ =	sdelay $0x2  }
0x1ac: {  	[tilespmem:$0x1FDE0] =	vst v61;
	v61 =	vld [tilespmem:$0x11370];
	_ =	sdelay $0x1  }
0x1ad: {  	v25 =	vadd.s32 v0, v25;
	v0 =	vld [tilespmem:$0x1F9A0];
	_ =	sdelay $0x2  }
0x1ae: {  	[tilespmem:$0x1FE10] =	vst v61;
	v61 =	vld [tilespmem:$0x100C0];
	_ =	sdelay $0x1  }
0x1af: {  	v26 =	vadd.s32 v0, v26;
	v0 =	vld [tilespmem:$0x1F9B0];
	_ =	sdelay $0x2  }
0x1b0: {  	[tilespmem:$0x1FBA0] =	vst v61;
	v61 =	vld [tilespmem:$0x10200];
	_ =	sdelay $0x1  }
0x1b1: {  	v27 =	vadd.s32 v0, v27;
	v0 =	vld [tilespmem:$0x1F9C0];
	_ =	sdelay $0x2  }
0x1b2: {  	[tilespmem:$0x1FBB0] =	vst v61;
	v61 =	vld [tilespmem:$0x10340];
	_ =	sdelay $0x1  }
0x1b3: {  	v25 =	vadd.s32 v0, v25;
	v0 =	vld [tilespmem:$0x1F9D0];
	_ =	sdelay $0x2  }
0x1b4: {  	[tilespmem:$0x1FBD0] =	vst v61;
	v61 =	vld [tilespmem:$0x10480];
	_ =	sdelay $0x1  }
0x1b5: {  	v26 =	vadd.s32 v0, v26;
	v0 =	vld [tilespmem:$0x1F9E0];
	_ =	sdelay $0x2  }
0x1b6: {  	[tilespmem:$0x1FC10] =	vst v61;
	v61 =	vld [tilespmem:$0x105C0];
	_ =	sdelay $0x1  }
0x1b7: {  	v27 =	vadd.s32 v0, v27;
	v0 =	vld [tilespmem:$0x1F9F0];
	_ =	sdelay $0x2  }
0x1b8: {  	[tilespmem:$0x1FC40] =	vst v61;
	v61 =	vld [tilespmem:$0x10700];
	_ =	sdelay $0x1  }
0x1b9: {  	v25 =	vadd.s32 v0, v25;
	v0 =	vld [tilespmem:$0x1FA00];
	_ =	sdelay $0x2  }
0x1ba: {  	[tilespmem:$0x1FC70] =	vst v61;
	v61 =	vld [tilespmem:$0x10840];
	_ =	sdelay $0x1  }
0x1bb: {  	v26 =	vadd.s32 v0, v26;
	v0 =	vld [tilespmem:$0x1FA10];
	_ =	sdelay $0x2  }
0x1bc: {  	[tilespmem:$0x1FCA0] =	vst v61;
	v61 =	vld [tilespmem:$0x10980];
	_ =	sdelay $0x1  }
0x1bd: {  	v27 =	vadd.s32 v0, v27;
	v0 =	vld [tilespmem:$0x1FA20];
	_ =	sdelay $0x2  }
0x1be: {  	[tilespmem:$0x1FCD0] =	vst v61;
	v61 =	vld [tilespmem:$0x10AC0];
	_ =	sdelay $0x1  }
0x1bf: {  	v25 =	vadd.s32 v0, v25;
	v0 =	vld [tilespmem:$0x1FA30];
	_ =	sdelay $0x2  }
0x1c0: {  	[tilespmem:$0x1FD00] =	vst v61;
	v61 =	vld [tilespmem:$0x10C00];
	_ =	sdelay $0x1  }
0x1c1: {  	v26 =	vadd.s32 v0, v26;
	v0 =	vld [tilespmem:$0x1FA40];
	_ =	sdelay $0x2  }
0x1c2: {  	[tilespmem:$0x1FD30] =	vst v61;
	v61 =	vld [tilespmem:$0x10D40];
	_ =	sdelay $0x1  }
0x1c3: {  	v27 =	vadd.s32 v0, v27;
	v0 =	vld [tilespmem:$0x1FA50];
	_ =	sdelay $0x2  }
0x1c4: {  	[tilespmem:$0x1FD60] =	vst v61;
	v61 =	vld [tilespmem:$0x10E80];
	_ =	sdelay $0x1  }
0x1c5: {  	v25 =	vadd.s32 v0, v25;
	v0 =	vld [tilespmem:$0x1FA60];
	_ =	sdelay $0x2  }
0x1c6: {  	[tilespmem:$0x1FD90] =	vst v61;
	v61 =	vld [tilespmem:$0x10FC0];
	_ =	sdelay $0x1  }
0x1c7: {  	v26 =	vadd.s32 v0, v26;
	v0 =	vld [tilespmem:$0x1FA70];
	_ =	sdelay $0x2  }
0x1c8: {  	[tilespmem:$0x1FDC0] =	vst v61;
	v61 =	vld [tilespmem:$0x11100];
	_ =	sdelay $0x1  }
0x1c9: {  	v27 =	vadd.s32 v0, v27;
	v0 =	vld [tilespmem:$0x1FA80];
	_ =	sdelay $0x2  }
0x1ca: {  	[tilespmem:$0x1FDF0] =	vst v61;
	v61 =	vld [tilespmem:$0x11240];
	_ =	sdelay $0x1  }
0x1cb: {  	v25 =	vadd.s32 v0, v25;
	v0 =	vld [tilespmem:$0x1FA90];
	_ =	sdelay $0x2  }
0x1cc: {  	[tilespmem:$0x1FE20] =	vst v61;
	v61 =	vld [tilespmem:$0x11380];
	_ =	sdelay $0x1  }
0x1cd: {  	v26 =	vadd.s32 v0, v26;
	v0 =	vld [tilespmem:$0x1FAA0];
	_ =	sdelay $0x2  }
0x1ce: {  	[tilespmem:$0x1FE30] =	vst v61;
	v61 =	vld [tilespmem:$0x100D0];
	_ =	sdelay $0x1  }
0x1cf: {  	v27 =	vadd.s32 v0, v27;
	v0 =	vld [tilespmem:$0x1FAB0];
	_ =	sdelay $0x2  }
0x1d0: {  	[tilespmem:$0x1FBE0] =	vst v61;
	v61 =	vld [tilespmem:$0x10210];
	_ =	sdelay $0x1  }
0x1d1: {  	v25 =	vadd.s32 v0, v25;
	v0 =	vld [tilespmem:$0x1FAC0];
	_ =	sdelay $0x2  }
0x1d2: {  	[tilespmem:$0x1FBF0] =	vst v61;
	v61 =	vld [tilespmem:$0x10350];
	_ =	sdelay $0x1  }
0x1d3: {  	v26 =	vadd.s32 v0, v26;
	v0 =	vld [tilespmem:$0x1FAD0];
	_ =	sdelay $0x2  }
0x1d4: {  	[tilespmem:$0x1FC20] =	vst v61;
	v61 =	vld [tilespmem:$0x10490];
	_ =	sdelay $0x1  }
0x1d5: {  	v27 =	vadd.s32 v0, v27;
	v0 =	vld [tilespmem:$0x1FAE0];
	_ =	sdelay $0x2  }
0x1d6: {  	[tilespmem:$0x1FC50] =	vst v61;
	v61 =	vld [tilespmem:$0x105D0];
	_ =	sdelay $0x1  }
0x1d7: {  	v25 =	vadd.s32 v0, v25;
	v0 =	vld [tilespmem:$0x1FAF0];
	_ =	sdelay $0x2  }
0x1d8: {  	[tilespmem:$0x1FC80] =	vst v61;
	v61 =	vld [tilespmem:$0x10710];
	_ =	sdelay $0x1  }
0x1d9: {  	v26 =	vadd.s32 v0, v26;
	v0 =	vld [tilespmem:$0x1FB00];
	_ =	sdelay $0x2  }
0x1da: {  	[tilespmem:$0x1FCB0] =	vst v61;
	v61 =	vld [tilespmem:$0x10850];
	_ =	sdelay $0x1  }
0x1db: {  	v50 =	vadd.s32 v0, v27;
	v0 =	vld [tilespmem:$0x1FB10];
	_ =	sdelay $0x2  }
0x1dc: {  	[tilespmem:$0x1FCE0] =	vst v61;
	v61 =	vld [tilespmem:$0x10990];
	_ =	sdelay $0x1  }
0x1dd: {  	v27 =	vadd.s32 v0, v25;
	v0 =	vld [tilespmem:$0x1FB20];
	_ =	sdelay $0x2  }
0x1de: {  	[tilespmem:$0x1FD10] =	vst v61;
	v61 =	vld [tilespmem:$0x10AD0];
	_ =	sdelay $0x1  }
0x1df: {  	v51 =	vadd.s32 v0, v26;
	v0 =	vld [tilespmem:$0x1FB30];
	_ =	sdelay $0x2  }
0x1e0: {  	[tilespmem:$0x1FD40] =	vst v61;
	v61 =	vld [tilespmem:$0x10C10];
	_ =	sdelay $0x1  }
0x1e1: {  	v33 =	vadd.s32 v0, v50;
	v0 =	vld [tilespmem:$0x1FB40];
	_ =	sdelay $0x2  }
0x1e2: {  	[tilespmem:$0x1FD70] =	vst v61;
	v61 =	vld [tilespmem:$0x10D50];
	_ =	sdelay $0x1  }
0x1e3: {  	v26 =	vadd.s32 v0, v51;
	v0 =	vld [tilespmem:$0x1FB50];
	_ =	sdelay $0x2  }
0x1e4: {  	[tilespmem:$0x1FDA0] =	vst v61;
	v61 =	vld [tilespmem:$0x10E90]  }
0x1e5: {  	v3 =	vld [tilespmem:$0x1FB70]  }
0x1e6: {  	v60 =	vadd.s32 v0, v33;
	v0 =	vld [tilespmem:$0x1FB60];
	_ =	sdelay $0x4  }
0x1e7: {  	[tilespmem:$0x1FDD0] =	vst v61;
	v61 =	vadd.s32 v0, v3;
	v0 =	vld [tilespmem:$0x1FB80];
	_ =	sdelay $0x4  }
0x1e8: {  	v25 =	vadd.s32 v0, v60;
	v0 =	vld [tilespmem:$0x1FB90];
	_ =	sdelay $0x3  }
0x1e9: {  	v3 =	vld [tilespmem:$0x1FBB0]  }
0x1ea: {  	v33 =	vadd.s32 v0, v61;
	v0 =	vld [tilespmem:$0x1FBA0];
	_ =	sdelay $0x4  }
0x1eb: {  	v62 =	vadd.s32 v0, v3;
	v0 =	vld [tilespmem:$0x1FBC0];
	_ =	sdelay $0x4  }
0x1ec: {  	v33 =	vadd.s32 v0, v33;
	v0 =	vld [tilespmem:$0x1FBD0];
	_ =	sdelay $0x3  }
0x1ed: {  	v3 =	vld [tilespmem:$0x1FBF0]  }
0x1ee: {  	v34 =	vadd.s32 v0, v62;
	v0 =	vld [tilespmem:$0x1FBE0];
	_ =	sdelay $0x4  }
0x1ef: {  	v63 =	vadd.s32 v0, v3;
	v0 =	vld [tilespmem:$0x1FC00];
	_ =	sdelay $0x4  }
0x1f0: {  	v33 =	vadd.s32 v0, v33;
	v0 =	vld [tilespmem:$0x1FC10];
	_ =	sdelay $0x4  }
0x1f1: {  	v34 =	vadd.s32 v0, v34;
	v0 =	vld [tilespmem:$0x1FC20];
	_ =	sdelay $0x4  }
0x1f2: {  	v35 =	vadd.s32 v0, v63;
	v0 =	vld [tilespmem:$0x1FC30];
	_ =	sdelay $0x4  }
0x1f3: {  	v33 =	vadd.s32 v0, v33;
	v0 =	vld [tilespmem:$0x1FC40];
	_ =	sdelay $0x4  }
0x1f4: {  	v34 =	vadd.s32 v0, v34;
	v0 =	vld [tilespmem:$0x1FC50];
	_ =	sdelay $0x4  }
0x1f5: {  	v35 =	vadd.s32 v0, v35;
	v0 =	vld [tilespmem:$0x1FC60];
	_ =	sdelay $0x4  }
0x1f6: {  	v33 =	vadd.s32 v0, v33;
	v0 =	vld [tilespmem:$0x1FC70];
	_ =	sdelay $0x4  }
0x1f7: {  	v34 =	vadd.s32 v0, v34;
	v0 =	vld [tilespmem:$0x1FC80];
	_ =	sdelay $0x4  }
0x1f8: {  	v35 =	vadd.s32 v0, v35;
	v0 =	vld [tilespmem:$0x1FC90];
	_ =	sdelay $0x4  }
0x1f9: {  	v33 =	vadd.s32 v0, v33;
	v0 =	vld [tilespmem:$0x1FCA0];
	_ =	sdelay $0x4  }
0x1fa: {  	v34 =	vadd.s32 v0, v34;
	v0 =	vld [tilespmem:$0x1FCB0];
	_ =	sdelay $0x4  }
0x1fb: {  	v35 =	vadd.s32 v0, v35;
	v0 =	vld [tilespmem:$0x1FCC0];
	_ =	sdelay $0x4  }
0x1fc: {  	v4 =	vadd.s32 v0, v33;
	v0 =	vld [tilespmem:$0x1FCD0];
	_ =	sdelay $0x4  }
0x1fd: {  	v34 =	vadd.s32 v0, v34;
	v0 =	vld [tilespmem:$0x1FCE0];
	_ =	sdelay $0x4  }
0x1fe: {  	v35 =	vadd.s32 v0, v35;
	v0 =	vld [tilespmem:$0x1FCF0];
	_ =	sdelay $0x4  }
0x1ff: {  	v60 =	vadd.s32 v0, v4;
	v0 =	vld [tilespmem:$0x1FD00];
	_ =	sdelay $0x4  }
0x200: {  	v5 =	vadd.s32 v0, v34;
	v0 =	vld [tilespmem:$0x1FD10];
	_ =	sdelay $0x4  }
0x201: {  	v35 =	vadd.s32 v0, v35;
	v0 =	vld [tilespmem:$0x1FD20];
	_ =	sdelay $0x4  }
0x202: {  	v60 =	vadd.s32 v0, v60;
	v0 =	vld [tilespmem:$0x1FD30];
	_ =	sdelay $0x4  }
0x203: {  	v61 =	vadd.s32 v0, v5;
	v0 =	vld [tilespmem:$0x1FD40];
	_ =	sdelay $0x4  }
0x204: {  	v6 =	vadd.s32 v0, v35;
	v0 =	vld [tilespmem:$0x1FD50];
	_ =	sdelay $0x4  }
0x205: {  	v60 =	vadd.s32 v0, v60;
	v0 =	vld [tilespmem:$0x1FD60];
	_ =	sdelay $0x4  }
0x206: {  	v61 =	vadd.s32 v0, v61;
	v0 =	vld [tilespmem:$0x1FD70];
	_ =	sdelay $0x4  }
0x207: {  	v62 =	vadd.s32 v0, v6;
	v0 =	vld [tilespmem:$0x1FD80];
	_ =	sdelay $0x4  }
0x208: {  	v60 =	vadd.s32 v0, v60;
	v0 =	vld [tilespmem:$0x1FD90];
	_ =	sdelay $0x2  }
0x209: {  	v7 =	vld [tilespmem:$0x11110]  }
0x20a: {  	v9 =	vld [tilespmem:$0x11250]  }
0x20b: {  	v61 =	vadd.s32 v0, v61;
	v0 =	vld [tilespmem:$0x1FDA0]  }
0x20c: {  	v12 =	vld [tilespmem:$0x104B0]  }
0x20d: {  	v13 =	vld [tilespmem:$0x105F0]  }
0x20e: {  	v15 =	vld [tilespmem:$0x10730]  }
0x20f: {  	v16 =	vld [tilespmem:$0x10870]  }
0x210: {  	v62 =	vadd.s32 v0, v62;
	v0 =	vld [tilespmem:$0x1FDB0]  }
0x211: {  	v17 =	vld [tilespmem:$0x109B0]  }
0x212: {  	v18 =	vld [tilespmem:$0x10AF0]  }
0x213: {  	v19 =	vld [tilespmem:$0x10C30]  }
0x214: {  	v14 =	vld [tilespmem:$0x10D70]  }
0x215: {  	v60 =	vadd.s32 v0, v60;
	v0 =	vld [tilespmem:$0x1FDC0]  }
0x216: {  	v20 =	vld [tilespmem:$0x10EB0]  }
0x217: {  	v21 =	vld [tilespmem:$0x10FF0]  }
0x218: {  	v28 =	vld [tilespmem:$0x10100]  }
0x219: {  	v38 =	vld [tilespmem:$0x104C0]  }
0x21a: {  	v61 =	vadd.s32 v0, v61;
	v0 =	vld [tilespmem:$0x1FDD0]  }
0x21b: {  	v41 =	vld [tilespmem:$0x10880]  }
0x21c: {  	v32 =	vld [tilespmem:$0x11000]  }
0x21d: {  	v29 =	vld [tilespmem:$0x11140]  }
0x21e: {  	v31 =	vld [tilespmem:$0x113C0]  }
0x21f: {  	v62 =	vadd.s32 v0, v62;
	v0 =	vld [tilespmem:$0x1FDE0]  }
0x220: {  	v52 =	vld [tilespmem:$0x10110]  }
0x221: {  	v57 =	vld [tilespmem:$0x10250]  }
0x222: {  	v58 =	vld [tilespmem:$0x10390]  }
0x223: {  	v54 =	vld [tilespmem:$0x10890]  }
0x224: {  	v60 =	vadd.s32 v0, v60;
	v0 =	vld [tilespmem:$0x1FDF0]  }
0x225: {  	v53 =	vld [tilespmem:$0x109D0]  }
0x226: {  	v57 =	vadd.s32 v52, v57;
	v52 =	vld [tilespmem:$0x109F0]  }
0x227: {  	v10 =	vld [tilespmem:$0x1FEA0]  }
0x228: {  	v44 =	vld [tilespmem:$0x10C40]  }
0x229: {  	v61 =	vadd.s32 v0, v61;
	v0 =	vld [tilespmem:$0x1FE00]  }
0x22a: {  	v59 =	vld [tilespmem:$0x104D0]  }
0x22b: {  	v49 =	vld [tilespmem:$0x10D90]  }
0x22c: {  	v37 =	vld [tilespmem:$0x10380]  }
0x22d: {  	v36 =	vld [tilespmem:$0x10240]  }
0x22e: {  	v62 =	vadd.s32 v0, v62;
	v0 =	vld [tilespmem:$0x1FE10]  }
0x22f: {  	v30 =	vld [tilespmem:$0x11280]  }
0x230: {  	v56 =	vld [tilespmem:$0x10610]  }
0x231: {  	v55 =	vld [tilespmem:$0x10750]  }
0x232: {  	v28 =	vadd.s32 v28, v36;
	v36 =	vld [tilespmem:$0x109E0]  }
0x233: {  	v60 =	vadd.s32 v0, v60;
	v0 =	vld [tilespmem:$0x1FE20]  }
0x234: {  	v39 =	vld [tilespmem:$0x10600]  }
0x235: {  	v40 =	vld [tilespmem:$0x10740]  }
0x236: {  	v42 =	vld [tilespmem:$0x109C0]  }
0x237: {  	v8 =	vld [tilespmem:$0x10760]  }
0x238: {  	v61 =	vadd.s32 v0, v61;
	v0 =	vld [tilespmem:$0x1FE30]  }
0x239: {  	v43 =	vld [tilespmem:$0x10B00]  }
0x23a: {  	v45 =	vld [tilespmem:$0x10D80]  }
0x23b: {  	v46 =	vld [tilespmem:$0x10EC0]  }
0x23c: {  	v3 =	vld [tilespmem:$0x1FE50]  }
0x23d: {  	v61 =	vadd.s32 v0, v61;
	v0 =	vld [tilespmem:$0x1FE40]  }
0x23e: {  	v47 =	vld [tilespmem:$0x11010]  }
0x23f: {  	v48 =	vld [tilespmem:$0x10ED0]  }
0x240: {  	v50 =	vld [tilespmem:$0x10C50]  }
0x241: {  	v51 =	vld [tilespmem:$0x10B10]  }
0x242: {  	v0 =	vadd.s32 v0, v3;
	v3 =	vld [tilespmem:$0x1FE60]  }
0x243: {  	v63 =	vld [tilespmem:$0x10120]  }
0x244: {  	v33 =	vld [tilespmem:$0x11150]  }
0x245: {  	v4 =	vld [tilespmem:$0x103A0];
	v62 =	vadd.s32 v7, v62  }
0x246: {  	v5 =	vld [tilespmem:$0x10260];
	v62 =	vadd.s32 v9, v62  }
0x247: {  	v62 =	vadd.s32 v3, v62;
	v3 =	vld [tilespmem:$0x1FE70]  }
0x248: {  	v34 =	vld [tilespmem:$0x11290]  }
0x249: {  	v6 =	vld [tilespmem:$0x104E0]  }
0x24a: {  	v7 =	vld [tilespmem:$0x10620]  }
0x24b: {  	v9 =	vld [tilespmem:$0x1FE90]  }
0x24c: {  	v5 =	vadd.s32 v63, v5;
	v0 =	vadd.s32 v3, v0;
	v3 =	vld [tilespmem:$0x1FE80]  }
0x24d: {  	v4 =	vadd.s32 v4, v5;
	v0 =	vadd.s32 v10, v0;
	v10 =	vld [tilespmem:$0x1FEB0]  }
0x24e: {  	v35 =	vld [tilespmem:$0x113D0];
	v4 =	vadd.s32 v6, v4  }
0x24f: {  	v4 =	vadd.s32 v7, v4;
	[tilespmem:$0x11980] =	vst v60;
	v60 =	vld [tilespmem:$0x11170]  }
0x250: {  	v4 =	vadd.s32 v8, v4;
	v8 =	vld [tilespmem:$0x10C70]  }
0x251: {  	v3 =	vadd.s32 v3, v9;
	v9 =	vld [tilespmem:$0x108A0]  }
0x252: {  	v3 =	vadd.s32 v10, v3;
	v10 =	vld [tilespmem:$0x1FEC0]  }
0x253: {  	v3 =	vadd.s32 v12, v3;
	v12 =	vadd.s32 v37, v28;
	v28 =	vld [tilespmem:$0x10B20]  }
0x254: {  	v37 =	vld [tilespmem:$0x1FED0]  }
0x255: {  	v3 =	vadd.s32 v13, v3;
	v13 =	vld [tilespmem:$0x10C60]  }
0x256: {  	v12 =	vadd.s32 v38, v12;
	v3 =	vadd.s32 v15, v3;
	v15 =	vld [tilespmem:$0x10DA0]  }
0x257: {  	v12 =	vadd.s32 v39, v12;
	v3 =	vadd.s32 v16, v3;
	v16 =	vld [tilespmem:$0x10EE0]  }
0x258: {  	v12 =	vadd.s32 v40, v12;
	v40 =	vld [tilespmem:$0x1FF00]  }
0x259: {  	v4 =	vadd.s32 v9, v4;
	v9 =	vld [tilespmem:$0x10DB0]  }
0x25a: {  	v3 =	vadd.s32 v17, v3;
	v17 =	vld [tilespmem:$0x11020]  }
0x25b: {  	v0 =	vadd.s32 v10, v0;
	v12 =	vadd.s32 v41, v12;
	v41 =	vld [tilespmem:$0x1FF10]  }
0x25c: {  	v0 =	vadd.s32 v37, v0;
	v37 =	vld [tilespmem:$0x1FEE0]  }
0x25d: {  	v10 =	vld [tilespmem:$0x1FF80]  }
0x25e: {  	v3 =	vadd.s32 v18, v3;
	v18 =	vld [tilespmem:$0x11160]  }
0x25f: {  	v12 =	vadd.s32 v42, v12;
	v42 =	vld [tilespmem:$0x1FF20]  }
0x260: {  	v3 =	vadd.s32 v19, v3;
	v19 =	vld [tilespmem:$0x112A0]  }
0x261: {  	v0 =	vadd.s32 v37, v0;
	v37 =	vld [tilespmem:$0x1FEF0]  }
0x262: {  	v12 =	vadd.s32 v43, v12;
	v43 =	vld [tilespmem:$0x1FF30]  }
0x263: {  	v3 =	vadd.s32 v14, v3;
	v12 =	vadd.s32 v44, v12;
	v44 =	vld [tilespmem:$0x1FF40]  }
0x264: {  	v3 =	vadd.s32 v20, v3;
	v20 =	vld [tilespmem:$0x10130]  }
0x265: {  	v12 =	vadd.s32 v45, v12;
	v45 =	vld [tilespmem:$0x1FF50]  }
0x266: {  	v3 =	vadd.s32 v21, v3;
	v21 =	vld [tilespmem:$0x10270];
	v0 =	vadd.s32 v37, v0  }
0x267: {  	v12 =	vadd.s32 v46, v12;
	v46 =	vld [tilespmem:$0x1FFD0];
	v0 =	vadd.s32 v40, v0  }
0x268: {  	v3 =	vadd.s32 v10, v3;
	v10 =	vadd.s32 v32, v12;
	v12 =	vld [tilespmem:$0x103B0];
	v0 =	vadd.s32 v41, v0  }
0x269: {  	v40 =	vld [tilespmem:$0x1FF60];
	v0 =	vadd.s32 v42, v0  }
0x26a: {  	v42 =	vld [tilespmem:$0x1FF90];
	v0 =	vadd.s32 v43, v0  }
0x26b: {  	v0 =	vadd.s32 v44, v0;
	v44 =	vld [tilespmem:$0x1FFB0]  }
0x26c: {  	v0 =	vadd.s32 v45, v0;
	v45 =	vld [tilespmem:$0x1FFC0]  }
0x26d: {  	v10 =	vadd.s32 v29, v10;
	v29 =	vld [tilespmem:$0x104F0]  }
0x26e: {  	[tilespmem:$0x11680] =	vst v24;
	v41 =	vld [tilespmem:$0x1FF70]  }
0x26f: {  	[tilespmem:$0x11400] =	vst v40;
	v40 =	vld [tilespmem:$0x10630]  }
0x270: {  	v10 =	vadd.s32 v30, v10;
	v30 =	vadd.s32 v58, v57;
	[tilespmem:$0x11480] =	vst v42;
	v42 =	vld [tilespmem:$0x10770]  }
0x271: {  	v30 =	vadd.s32 v59, v30;
	v3 =	vadd.s32 v44, v3;
	v44 =	vadd.s32 v20, v21;
	[tilespmem:$0x11500] =	vst v45;
	v45 =	vld [tilespmem:$0x108B0]  }
0x272: {  	[tilespmem:$0x11700] =	vst v23;
	v57 =	vld [tilespmem:$0x10B30];
	v3 =	vadd.s32 v46, v3;
	v46 =	vadd.s32 v56, v30;
	v5 =	vadd.s32 v12, v44  }
0x273: {  	[tilespmem:$0x11780] =	vst v22;
	v4 =	vadd.s32 v36, v4;
	v43 =	vld [tilespmem:$0x1FFA0];
	v56 =	vadd.s32 v55, v46;
	v5 =	vadd.s32 v29, v5  }
0x274: {  	[tilespmem:$0x11800] =	vst v27;
	v4 =	vadd.s32 v28, v4;
	v14 =	vld [tilespmem:$0x113E0];
	v12 =	vadd.s32 v54, v56;
	v5 =	vadd.s32 v40, v5  }
0x275: {  	[tilespmem:$0x11880] =	vst v26;
	v4 =	vadd.s32 v13, v4;
	v58 =	vld [tilespmem:$0x10EF0];
	v12 =	vadd.s32 v53, v12;
	v5 =	vadd.s32 v42, v5  }
0x276: {  	[tilespmem:$0x11900] =	vst v25;
	v0 =	vadd.s32 v41, v0;
	v41 =	vld [tilespmem:$0x1FFE0];
	v12 =	vadd.s32 v51, v12;
	v5 =	vadd.s32 v45, v5  }
0x277: {  	[tilespmem:$0x11A00] =	vst v61;
	v10 =	vadd.s32 v31, v10;
	v59 =	vld [tilespmem:$0x11030];
	v12 =	vadd.s32 v50, v12;
	v5 =	vadd.s32 v52, v5  }
0x278: {  	[tilespmem:$0x11A80] =	vst v62;
	v0 =	vadd.s32 v43, v0;
	v43 =	vld [tilespmem:$0x1FFF0];
	v12 =	vadd.s32 v49, v12;
	v5 =	vadd.s32 v57, v5  }
0x279: {  	v4 =	vadd.s32 v15, v4;
	[tilespmem:$0x11C00] =	vst v10;
	v12 =	vadd.s32 v48, v12;
	v5 =	vadd.s32 v8, v5;
	v8 =	vld [tilespmem:$0x112B0]  }
0x27a: {  	v4 =	vadd.s32 v16, v4;
	[tilespmem:$0x11B00] =	vst v0;
	v12 =	vadd.s32 v47, v12;
	v5 =	vadd.s32 v9, v5;
	v9 =	vld [tilespmem:$0x113F0]  }
0x27b: {  	v4 =	vadd.s32 v17, v4;
	[tilespmem:$0x11580] =	vst v41;
	v0 =	vadd.s32 v33, v12;
	v5 =	vadd.s32 v58, v5  }
0x27c: {  	[tilespmem:$0x11B80] =	vst v3;
	v3 =	vadd.s32 v18, v4;
	v0 =	vadd.s32 v34, v0;
	v63 =	vadd.s32 v59, v5  }
0x27d: {  	v3 =	vadd.s32 v19, v3;
	[tilespmem:$0x11600] =	vst v43;
	v0 =	vadd.s32 v35, v0;
	v4 =	vadd.s32 v60, v63  }
0x27e: {  	s12 =	sadd.s32 $0x1, s12;
	[tilespmem:$0x11C80] =	vst v0;
	v0 =	vadd.s32 v14, v3;
	v3 =	vadd.s32 v8, v4  }
0x27f: {  	p0 =	sne.s32 s12, s7;
	[tilespmem:$0x11D00] =	vst v0;
	v0 =	vadd.s32 v9, v3  }
.Ltmp3:
0x280: {  	[tilespmem:$0x11D80] =	vst v0;
	(pc) =	sbr.rel @p0 .LBB2_1-.Ltmp3, $4  }
0x281: {  	[hbm4b:s6+s4] =	stream.linear.scatter [tilespmem:s11], [sflag:$0x1], $0xA00, $0x38;
	[tilespmem:$0x12000] =	vst v63  }
0x282: {  	_ =	swait.ge [sflag:s8], $0xA00  }
0x283: {  	[sflag:s8] =	ssyncset.done $0x0  }
0x284: {  	[sflag:s8] =	ssyncadd.s32 $0xFFFFF600  }
0x285: {  	_ =	sfence.sel $0x180000  }
0x286: {  	[bflag:$0x0] =	sbarrier.arrive $0xFFFF  }
0x287: {  	p0 =	sne.s32 s0, $0x0;
	_ =	strace $0x90000047  }
0x288: {  	s0 =	sadd.s32 @!p0 $0x100000, s2;
	[bflag:$0x2] =	sbarrier.arrive $0xFFFF  }
0x289: {  	[sflag:s0] =	ssyncadd.tile.s32 @!p0 $0x1;
	_ =	shalt  }
.Lfunc_end2:
_tile_overlayer_lowered:
.L_overlay_start_2:
0x28a: {  	(tag) =	ssettag $0x2  }
0x28b: {  	s0 =	rddreg [dreg:$0x0];
	s2 =	stileid.u32  }
0x28c: {  	s1 =	rddreg [dreg:$0x1];
	p0 =	sne.s32 s2, $0x0  }
0x28d: {  	s3 =	rddreg [dreg:$0x2];
	[bflag:$0x3] =	sbarrier.arrive $0xFFFF;
	s2 =	simm.s32 @!p0 $0x1C01  }
0x28e: {  	[timem:s3], [sflag:s2] =	dma.local @!p0 [hbm:s0], s1  }
0x28f: {  	s0 =	simm.s32 @!p0 $0x1  }
0x290: {  	_ =	swait.ge @!p0 [sflag:s0], s1  }
0x291: {  	s1 =	ssub.s32 @!p0 $0x0, s1;
	[sflag:s0] =	ssyncset.done @!p0 $0x0  }
0x292: {  	[sflag:s0] =	ssyncadd.s32 @!p0 s1  }
0x293: {  	[bflag:$0x3] =	sbarrier.arrive $0xFFFF  }
0x294: {  	_ =	shalt  }

</sc_bundles>
